<compile_context>
chip_gen: v7x
topology: tpu7x:2x2x1
jax: 0.10.2.dev20260603
libtpu: 0.0.44.dev20260713+nightly
codegen_flags: <defaults>
</compile_context>

<pallas_src>
import functools

import jax
import jax.numpy as jnp
from jax import lax
from jax.experimental import pallas as pl
from jax.experimental.pallas import tpu as pltpu
from jax.experimental.pallas import tpu_sc as plsc

B = 16384
D = 64
N_ROWS = 100000
HALF = 50048
RB = 2944
IDX_CHUNK = 128
HI_MASK = -65536


def _sc_geometry():
    try:
        info = plsc.get_sparse_core_info()
        return info.num_cores, info.num_subcores
    except Exception:
        return 2, 16


def _precompute_body(topT_ref, botT_ref, w_ref, b_ref, out_ref):
    f32 = jnp.float32
    dims = (((0,), (0,)), ((), ()))
    w16 = w_ref[...].astype(jnp.bfloat16)
    pa = jax.lax.dot_general(topT_ref[...].astype(jnp.bfloat16), w16, dims,
                             preferred_element_type=f32)
    pb = jax.lax.dot_general(botT_ref[...].astype(jnp.bfloat16), w16, dims,
                             preferred_element_type=f32)
    if b_ref is not None:
        pa = pa + b_ref[...]
        pb = pb + b_ref[...]
    ia = jax.lax.bitcast_convert_type(pa, jnp.int32)
    ib = jax.lax.bitcast_convert_type(pb, jnp.int32)
    out_ref[...] = (ia & HI_MASK) | jax.lax.shift_right_logical(ib, 16)


def _precompute(tabT, w, b=None):
    bias_specs = [] if b is None else [pl.BlockSpec((1, 2 * D), lambda i: (0, 0))]
    body = ((lambda t, bt, w_, o: _precompute_body(t, bt, w_, None, o))
            if b is None else _precompute_body)
    args = (tabT, tabT, w) if b is None else (tabT, tabT, w, b)
    return pl.pallas_call(
        body,
        grid=(HALF // RB,),
        in_specs=[
            pl.BlockSpec((D, RB), lambda i: (0, i)),
            pl.BlockSpec((D, RB), lambda i: (0, i + HALF // RB)),
            pl.BlockSpec((D, 2 * D), lambda i: (0, 0)),
        ] + bias_specs,
        out_specs=pl.BlockSpec((RB, 2 * D), lambda i: (i, 0)),
        out_shape=jax.ShapeDtypeStruct((HALF, 2 * D), jnp.int32),
    )(*args)


@functools.cache
def _make_gather(NC, NS):
    NW = NC * NS
    bpw = B // NW
    nch = bpw // IDX_CHUNK
    mesh = plsc.VectorSubcoreMesh(core_axis_name="c", subcore_axis_name="s")

    @functools.partial(
        pl.kernel,
        out_type=jax.ShapeDtypeStruct((B, 2 * D), jnp.int32),
        mesh=mesh,
        scratch_types=[
            pltpu.VMEM((bpw,), jnp.int32),
            pltpu.VMEM((bpw, 2 * D), jnp.int32),
            pltpu.SemaphoreType.DMA,
        ],
    )
    def gather(ids_hbm, tab_hbm, out_hbm, idx, rows, sem):
        wid = lax.axis_index("s") * NC + lax.axis_index("c")
        base = wid * bpw
        pltpu.sync_copy(ids_hbm.at[pl.ds(base, bpw)], idx)
        for j in range(bpw // 16):
            sl16 = pl.ds(j * 16, 16)
            c = idx[sl16]
            idx[sl16] = c - jnp.where(c >= HALF, HALF, 0)
        copies = []
        for j in range(nch):
            sl = pl.ds(j * IDX_CHUNK, IDX_CHUNK)
            copies.append(pltpu.async_copy(tab_hbm.at[idx.at[sl]], rows.at[sl], sem))
        for cp in copies:
            cp.wait()
        pltpu.sync_copy(rows, out_hbm.at[pl.ds(base, bpw)])

    return gather


def _unpack(g, shift_col):
    bits = jax.lax.shift_left(g, shift_col) & HI_MASK
    return jax.lax.bitcast_convert_type(bits, jnp.float32)


def _mlp_body(gu_ref, gv_ref, up_ref, vp_ref, w2_ref, b2_ref, w3_ref, b3_ref,
              w4_ref, b4_ref, out_ref):
    f32 = jnp.float32
    up_col = jnp.transpose(up_ref[0], (1, 0))
    vp_col = jnp.transpose(vp_ref[0], (1, 0))
    bf16 = jnp.bfloat16
    x = jnp.maximum(_unpack(gu_ref[...], up_col) + _unpack(gv_ref[...], vp_col), 0.0)
    x = jnp.maximum(
        jnp.dot(x.astype(bf16), w2_ref[...].astype(bf16),
                preferred_element_type=f32) + b2_ref[...], 0.0)
    x = jnp.maximum(
        jnp.dot(x.astype(bf16), w3_ref[...].astype(bf16),
                preferred_element_type=f32) + b3_ref[...], 0.0)
    logit = jax.lax.dot_general(
        w4_ref[...], x, (((1,), (1,)), ((), ())),
        preferred_element_type=f32) + b4_ref[...]
    out_ref[...] = jax.nn.sigmoid(logit)


def kernel(user_ids, item_ids, user_emb, item_emb, W1, b1, W2, b2, W3, b3, W4, b4):
    NC, NS = _sc_geometry()
    uids = user_ids.astype(jnp.int32)
    iids = item_ids.astype(jnp.int32)
    pars = jnp.where(jnp.stack([uids, iids]) >= HALF, 16, 0).reshape(2, 1, B)

    pu = _precompute(user_emb.T, W1[:D], b1.reshape(1, -1))
    pv = _precompute(item_emb.T, W1[D:])
    gather = _make_gather(NC, NS)
    gu = gather(uids, pu)
    gv = gather(iids, pv)

    BB = 4096
    full = lambda shape: pl.BlockSpec(shape, lambda i: (0, 0))
    outT = pl.pallas_call(
        _mlp_body,
        grid=(B // BB,),
        in_specs=[
            pl.BlockSpec((BB, 2 * D), lambda i: (i, 0)),
            pl.BlockSpec((BB, 2 * D), lambda i: (i, 0)),
            pl.BlockSpec((1, 1, BB), lambda i: (0, 0, i)),
            pl.BlockSpec((1, 1, BB), lambda i: (1, 0, i)),
            full(W2.shape),
            full((1, 64)),
            full(W3.shape),
            full((1, 32)),
            full((1, 32)),
            full((1, 1)),
        ],
        out_specs=pl.BlockSpec((1, BB), lambda i: (0, i)),
        out_shape=jax.ShapeDtypeStruct((1, B), jnp.float32),
    )(gu, gv, pars, pars, W2, b2.reshape(1, -1), W3, b3.reshape(1, -1),
      W4.reshape(1, -1), b4.reshape(1, -1))
    return outT.T

# --- scband reference (transcript-rebuilt; emitter-appended) ---
"""Pipeline reference for scband-neural-collaborative-filtering-49967649522064 (READ-ONLY COPY).

The authoritative reference and input builder live on the scoring server;
editing this copy changes nothing except your own understanding.
"""

import jax, jax.numpy as jnp
import numpy as np

B = 16384
N_USERS = 100000
N_ITEMS = 100000
D = 64
HIDDEN = [128, 64, 32]


def setup_inputs(seed: int = 0) -> dict:
    key = jax.random.key(seed)
    ks = jax.random.split(key, 16)
    user_ids = jax.random.randint(ks[0], (B,), 0, N_USERS)
    item_ids = jax.random.randint(ks[1], (B,), 0, N_ITEMS)
    user_emb = jax.random.normal(ks[2], (N_USERS, D), dtype=jnp.float32) * 0.01
    item_emb = jax.random.normal(ks[3], (N_ITEMS, D), dtype=jnp.float32) * 0.01
    dims = [2 * D] + HIDDEN + [1]
    params = {}
    ki = 4
    for li in range(len(dims) - 1):
        fan_in, fan_out = dims[li], dims[li + 1]
        scale = 1.0 / np.sqrt(fan_in)
        params[f"W{li+1}"] = jax.random.uniform(ks[ki], (fan_in, fan_out), dtype=jnp.float32, minval=-scale, maxval=scale)
        params[f"b{li+1}"] = jax.random.uniform(ks[ki + 1], (fan_out,), dtype=jnp.float32, minval=-scale, maxval=scale)
        ki += 2
    inp = {"user_ids": user_ids, "item_ids": item_ids, "user_emb": user_emb, "item_emb": item_emb}
    inp.update(params)
    return inp


def reference(user_ids, item_ids, user_emb, item_emb, W1, b1, W2, b2, W3, b3, W4, b4):
    # embedding lookups (gather)
    u = jnp.take(user_emb, user_ids, axis=0)
    v = jnp.take(item_emb, item_ids, axis=0)
    x = jnp.concatenate([u, v], axis=1)
    # MLP: Linear -> ReLU (Dropout is identity at inference) x3, then Linear -> Sigmoid
    x = jax.nn.relu(x @ W1 + b1)
    x = jax.nn.relu(x @ W2 + b2)
    x = jax.nn.relu(x @ W3 + b3)
    out = jax.nn.sigmoid(x @ W4 + b4)
    return out

if __name__ == "__main__":
    import jax
    _d = setup_inputs()
    print(jax.jit(kernel)(*tuple(_d.values())))

</pallas_src>

<mosaic_0001>
#map = affine_map<(d0, d1) -> (0)>
#map1 = affine_map<(d0, d1) -> (0, 0)>
module attributes {stable_mosaic.version = 14 : i64} {
  func.func @gather(%arg0: i32, %arg1: i32, %arg2: memref<16384xi32, #tpu.memory_space<hbm>>, %arg3: memref<50048x128xi32, #tpu.memory_space<hbm>>, %arg4: memref<16384x128xi32, #tpu.memory_space<hbm>>, %arg5: memref<512xi32, #tpu.memory_space<vmem>>, %arg6: memref<512x128xi32, #tpu.memory_space<vmem>>, %arg7: memref<!tpu.dma_semaphore, #tpu.memory_space<semaphore_mem>>) attributes {dimension_semantics = [#tpu.dimension_semantics<core_parallel>, #tpu.dimension_semantics<subcore_parallel>], iteration_bounds = array<i64: 2, 16>, scalar_prefetch = 0 : i64, scratch_operands = 3 : i64, tpu.core_type = #tpu.core_type<sc_vector_subcore>, window_params = [{transform_indices = #map}, {transform_indices = #map1}, {transform_indices = #map1}]} {
    %mul3A = arith.constant 2 : i32
    %mul3A_0 = arith.muli %arg1, %mul3A : i32
    %add3A = arith.addi %mul3A_0, %arg0 : i32
    %mul3A_1 = arith.constant 512 : i32
    %mul3A_2 = arith.muli %add3A, %mul3A_1 : i32
    "tpu.region"() ({
      %run_scoped3A = tpu.sem_alloc : memref<!tpu.dma_semaphore, #tpu.memory_space<semaphore_mem>>
      %dma_start3A_570 = tpu.memref_slice %arg2[%mul3A_2] : memref<16384xi32, #tpu.memory_space<hbm>> -> memref<512xi32, #tpu.memory_space<hbm>>
      %dma_start3A_571 = tpu.memref_slice %arg2[%mul3A_2] : memref<16384xi32, #tpu.memory_space<hbm>> -> memref<512xi32, #tpu.memory_space<hbm>>
      tpu.enqueue_dma source(%dma_start3A_571 : memref<512xi32, #tpu.memory_space<hbm>>) target(%arg5 : memref<512xi32, #tpu.memory_space<vmem>>) target_semaphore(%run_scoped3A : memref<!tpu.dma_semaphore, #tpu.memory_space<semaphore_mem>>)
      %dma_wait3A_572 = tpu.memref_slice %arg2[%mul3A_2] : memref<16384xi32, #tpu.memory_space<hbm>> -> memref<512xi32, #tpu.memory_space<hbm>>
      %dma_wait3A_573 = tpu.memref_slice %arg2[%mul3A_2] : memref<16384xi32, #tpu.memory_space<hbm>> -> memref<512xi32, #tpu.memory_space<hbm>>
      tpu.wait_dma2 semaphore(%run_scoped3A : memref<!tpu.dma_semaphore, #tpu.memory_space<semaphore_mem>>) src(%dma_wait3A_573 : memref<512xi32, #tpu.memory_space<hbm>>) dst(%arg5 : memref<512xi32, #tpu.memory_space<vmem>>)
      tpu.yield
    }) : () -> ()
    %get3A = arith.constant 0 : index
    %get3A_3 = tpu.vector_load %arg5[%get3A] {strides = array<i32>} : memref<512xi32, #tpu.memory_space<vmem>>, vector<16xi32>,
    %get3A_4 = vector.shape_cast %get3A_3 : vector<16xi32> to vector<16xi32>
    %ge3A = arith.constant 50048 : i32
    %ge3A_5 = vector.broadcast %ge3A : i32 to vector<16xi32>
    %ge3A_6 = arith.cmpi sge, %get3A_4, %ge3A_5 : vector<16xi32>
    %jit3A = arith.constant 50048 : i32
    %jit3A_7 = arith.constant 0 : i32
    %broadcast_in_dim3A = vector.broadcast %jit3A : i32 to vector<16xi32>
    %broadcast_in_dim3A_8 = vector.broadcast %jit3A_7 : i32 to vector<16xi32>
    %select_n3A = arith.select %ge3A_6, %broadcast_in_dim3A, %broadcast_in_dim3A_8 : vector<16xi1>, vector<16xi32>
    %sub3A = arith.subi %get3A_4, %select_n3A : vector<16xi32>
    %swap3A = arith.constant 0 : index
    %swap3A_9 = tpu.vector_load %arg5[%swap3A] {strides = array<i32>} : memref<512xi32, #tpu.memory_space<vmem>>, vector<16xi32>,
    %swap3A_10 = vector.shape_cast %swap3A_9 : vector<16xi32> to vector<16xi32>
    %swap3A_11 = vector.shape_cast %sub3A : vector<16xi32> to vector<16xi32>
    tpu.vector_store %arg5[%swap3A], %swap3A_11 {strides = array<i32>} : memref<512xi32, #tpu.memory_space<vmem>>, vector<16xi32>,
    %get3A_12 = arith.constant 16 : index
    %get3A_13 = tpu.vector_load %arg5[%get3A_12] {strides = array<i32>} : memref<512xi32, #tpu.memory_space<vmem>>, vector<16xi32>,
    %get3A_14 = vector.shape_cast %get3A_13 : vector<16xi32> to vector<16xi32>
    %ge3A_15 = arith.constant 50048 : i32
    %ge3A_16 = vector.broadcast %ge3A_15 : i32 to vector<16xi32>
    %ge3A_17 = arith.cmpi sge, %get3A_14, %ge3A_16 : vector<16xi32>
    %jit3A_18 = arith.constant 50048 : i32
    %jit3A_19 = arith.constant 0 : i32
    %broadcast_in_dim3A_20 = vector.broadcast %jit3A_18 : i32 to vector<16xi32>
    %broadcast_in_dim3A_21 = vector.broadcast %jit3A_19 : i32 to vector<16xi32>
    %select_n3A_22 = arith.select %ge3A_17, %broadcast_in_dim3A_20, %broadcast_in_dim3A_21 : vector<16xi1>, vector<16xi32>
    %sub3A_23 = arith.subi %get3A_14, %select_n3A_22 : vector<16xi32>
    %swap3A_24 = arith.constant 16 : index
    %swap3A_25 = tpu.vector_load %arg5[%swap3A_24] {strides = array<i32>} : memref<512xi32, #tpu.memory_space<vmem>>, vector<16xi32>,
    %swap3A_26 = vector.shape_cast %swap3A_25 : vector<16xi32> to vector<16xi32>
    %swap3A_27 = vector.shape_cast %sub3A_23 : vector<16xi32> to vector<16xi32>
    tpu.vector_store %arg5[%swap3A_24], %swap3A_27 {strides = array<i32>} : memref<512xi32, #tpu.memory_space<vmem>>, vector<16xi32>,
    %get3A_28 = arith.constant 32 : index
    %get3A_29 = tpu.vector_load %arg5[%get3A_28] {strides = array<i32>} : memref<512xi32, #tpu.memory_space<vmem>>, vector<16xi32>,
    %get3A_30 = vector.shape_cast %get3A_29 : vector<16xi32> to vector<16xi32>
    %ge3A_31 = arith.constant 50048 : i32
    %ge3A_32 = vector.broadcast %ge3A_31 : i32 to vector<16xi32>
    %ge3A_33 = arith.cmpi sge, %get3A_30, %ge3A_32 : vector<16xi32>
    %jit3A_34 = arith.constant 50048 : i32
    %jit3A_35 = arith.constant 0 : i32
    %broadcast_in_dim3A_36 = vector.broadcast %jit3A_34 : i32 to vector<16xi32>
    %broadcast_in_dim3A_37 = vector.broadcast %jit3A_35 : i32 to vector<16xi32>
    %select_n3A_38 = arith.select %ge3A_33, %broadcast_in_dim3A_36, %broadcast_in_dim3A_37 : vector<16xi1>, vector<16xi32>
    %sub3A_39 = arith.subi %get3A_30, %select_n3A_38 : vector<16xi32>
    %swap3A_40 = arith.constant 32 : index
    %swap3A_41 = tpu.vector_load %arg5[%swap3A_40] {strides = array<i32>} : memref<512xi32, #tpu.memory_space<vmem>>, vector<16xi32>,
    %swap3A_42 = vector.shape_cast %swap3A_41 : vector<16xi32> to vector<16xi32>
    %swap3A_43 = vector.shape_cast %sub3A_39 : vector<16xi32> to vector<16xi32>
    tpu.vector_store %arg5[%swap3A_40], %swap3A_43 {strides = array<i32>} : memref<512xi32, #tpu.memory_space<vmem>>, vector<16xi32>,
    %get3A_44 = arith.constant 48 : index
    %get3A_45 = tpu.vector_load %arg5[%get3A_44] {strides = array<i32>} : memref<512xi32, #tpu.memory_space<vmem>>, vector<16xi32>,
    %get3A_46 = vector.shape_cast %get3A_45 : vector<16xi32> to vector<16xi32>
    %ge3A_47 = arith.constant 50048 : i32
    %ge3A_48 = vector.broadcast %ge3A_47 : i32 to vector<16xi32>
    %ge3A_49 = arith.cmpi sge, %get3A_46, %ge3A_48 : vector<16xi32>
    %jit3A_50 = arith.constant 50048 : i32
    %jit3A_51 = arith.constant 0 : i32
    %broadcast_in_dim3A_52 = vector.broadcast %jit3A_50 : i32 to vector<16xi32>
    %broadcast_in_dim3A_53 = vector.broadcast %jit3A_51 : i32 to vector<16xi32>
    %select_n3A_54 = arith.select %ge3A_49, %broadcast_in_dim3A_52, %broadcast_in_dim3A_53 : vector<16xi1>, vector<16xi32>
    %sub3A_55 = arith.subi %get3A_46, %select_n3A_54 : vector<16xi32>
    %swap3A_56 = arith.constant 48 : index
    %swap3A_57 = tpu.vector_load %arg5[%swap3A_56] {strides = array<i32>} : memref<512xi32, #tpu.memory_space<vmem>>, vector<16xi32>,
    %swap3A_58 = vector.shape_cast %swap3A_57 : vector<16xi32> to vector<16xi32>
    %swap3A_59 = vector.shape_cast %sub3A_55 : vector<16xi32> to vector<16xi32>
    tpu.vector_store %arg5[%swap3A_56], %swap3A_59 {strides = array<i32>} : memref<512xi32, #tpu.memory_space<vmem>>, vector<16xi32>,
    %get3A_60 = arith.constant 64 : index
    %get3A_61 = tpu.vector_load %arg5[%get3A_60] {strides = array<i32>} : memref<512xi32, #tpu.memory_space<vmem>>, vector<16xi32>,
    %get3A_62 = vector.shape_cast %get3A_61 : vector<16xi32> to vector<16xi32>
    %ge3A_63 = arith.constant 50048 : i32
    %ge3A_64 = vector.broadcast %ge3A_63 : i32 to vector<16xi32>
    %ge3A_65 = arith.cmpi sge, %get3A_62, %ge3A_64 : vector<16xi32>
    %jit3A_66 = arith.constant 50048 : i32
    %jit3A_67 = arith.constant 0 : i32
    %broadcast_in_dim3A_68 = vector.broadcast %jit3A_66 : i32 to vector<16xi32>
    %broadcast_in_dim3A_69 = vector.broadcast %jit3A_67 : i32 to vector<16xi32>
    %select_n3A_70 = arith.select %ge3A_65, %broadcast_in_dim3A_68, %broadcast_in_dim3A_69 : vector<16xi1>, vector<16xi32>
    %sub3A_71 = arith.subi %get3A_62, %select_n3A_70 : vector<16xi32>
    %swap3A_72 = arith.constant 64 : index
    %swap3A_73 = tpu.vector_load %arg5[%swap3A_72] {strides = array<i32>} : memref<512xi32, #tpu.memory_space<vmem>>, vector<16xi32>,
    %swap3A_74 = vector.shape_cast %swap3A_73 : vector<16xi32> to vector<16xi32>
    %swap3A_75 = vector.shape_cast %sub3A_71 : vector<16xi32> to vector<16xi32>
    tpu.vector_store %arg5[%swap3A_72], %swap3A_75 {strides = array<i32>} : memref<512xi32, #tpu.memory_space<vmem>>, vector<16xi32>,
    %get3A_76 = arith.constant 80 : index
    %get3A_77 = tpu.vector_load %arg5[%get3A_76] {strides = array<i32>} : memref<512xi32, #tpu.memory_space<vmem>>, vector<16xi32>,
    %get3A_78 = vector.shape_cast %get3A_77 : vector<16xi32> to vector<16xi32>
    %ge3A_79 = arith.constant 50048 : i32
    %ge3A_80 = vector.broadcast %ge3A_79 : i32 to vector<16xi32>
    %ge3A_81 = arith.cmpi sge, %get3A_78, %ge3A_80 : vector<16xi32>
    %jit3A_82 = arith.constant 50048 : i32
    %jit3A_83 = arith.constant 0 : i32
    %broadcast_in_dim3A_84 = vector.broadcast %jit3A_82 : i32 to vector<16xi32>
    %broadcast_in_dim3A_85 = vector.broadcast %jit3A_83 : i32 to vector<16xi32>
    %select_n3A_86 = arith.select %ge3A_81, %broadcast_in_dim3A_84, %broadcast_in_dim3A_85 : vector<16xi1>, vector<16xi32>
    %sub3A_87 = arith.subi %get3A_78, %select_n3A_86 : vector<16xi32>
    %swap3A_88 = arith.constant 80 : index
    %swap3A_89 = tpu.vector_load %arg5[%swap3A_88] {strides = array<i32>} : memref<512xi32, #tpu.memory_space<vmem>>, vector<16xi32>,
    %swap3A_90 = vector.shape_cast %swap3A_89 : vector<16xi32> to vector<16xi32>
    %swap3A_91 = vector.shape_cast %sub3A_87 : vector<16xi32> to vector<16xi32>
    tpu.vector_store %arg5[%swap3A_88], %swap3A_91 {strides = array<i32>} : memref<512xi32, #tpu.memory_space<vmem>>, vector<16xi32>,
    %get3A_92 = arith.constant 96 : index
    %get3A_93 = tpu.vector_load %arg5[%get3A_92] {strides = array<i32>} : memref<512xi32, #tpu.memory_space<vmem>>, vector<16xi32>,
    %get3A_94 = vector.shape_cast %get3A_93 : vector<16xi32> to vector<16xi32>
    %ge3A_95 = arith.constant 50048 : i32
    %ge3A_96 = vector.broadcast %ge3A_95 : i32 to vector<16xi32>
    %ge3A_97 = arith.cmpi sge, %get3A_94, %ge3A_96 : vector<16xi32>
    %jit3A_98 = arith.constant 50048 : i32
    %jit3A_99 = arith.constant 0 : i32
    %broadcast_in_dim3A_100 = vector.broadcast %jit3A_98 : i32 to vector<16xi32>
    %broadcast_in_dim3A_101 = vector.broadcast %jit3A_99 : i32 to vector<16xi32>
    %select_n3A_102 = arith.select %ge3A_97, %broadcast_in_dim3A_100, %broadcast_in_dim3A_101 : vector<16xi1>, vector<16xi32>
    %sub3A_103 = arith.subi %get3A_94, %select_n3A_102 : vector<16xi32>
    %swap3A_104 = arith.constant 96 : index
    %swap3A_105 = tpu.vector_load %arg5[%swap3A_104] {strides = array<i32>} : memref<512xi32, #tpu.memory_space<vmem>>, vector<16xi32>,
    %swap3A_106 = vector.shape_cast %swap3A_105 : vector<16xi32> to vector<16xi32>
    %swap3A_107 = vector.shape_cast %sub3A_103 : vector<16xi32> to vector<16xi32>
    tpu.vector_store %arg5[%swap3A_104], %swap3A_107 {strides = array<i32>} : memref<512xi32, #tpu.memory_space<vmem>>, vector<16xi32>,
    %get3A_108 = arith.constant 112 : index
    %get3A_109 = tpu.vector_load %arg5[%get3A_108] {strides = array<i32>} : memref<512xi32, #tpu.memory_space<vmem>>, vector<16xi32>,
    %get3A_110 = vector.shape_cast %get3A_109 : vector<16xi32> to vector<16xi32>
    %ge3A_111 = arith.constant 50048 : i32
    %ge3A_112 = vector.broadcast %ge3A_111 : i32 to vector<16xi32>
    %ge3A_113 = arith.cmpi sge, %get3A_110, %ge3A_112 : vector<16xi32>
    %jit3A_114 = arith.constant 50048 : i32
    %jit3A_115 = arith.constant 0 : i32
    %broadcast_in_dim3A_116 = vector.broadcast %jit3A_114 : i32 to vector<16xi32>
    %broadcast_in_dim3A_117 = vector.broadcast %jit3A_115 : i32 to vector<16xi32>
    %select_n3A_118 = arith.select %ge3A_113, %broadcast_in_dim3A_116, %broadcast_in_dim3A_117 : vector<16xi1>, vector<16xi32>
    %sub3A_119 = arith.subi %get3A_110, %select_n3A_118 : vector<16xi32>
    %swap3A_120 = arith.constant 112 : index
    %swap3A_121 = tpu.vector_load %arg5[%swap3A_120] {strides = array<i32>} : memref<512xi32, #tpu.memory_space<vmem>>, vector<16xi32>,
    %swap3A_122 = vector.shape_cast %swap3A_121 : vector<16xi32> to vector<16xi32>
    %swap3A_123 = vector.shape_cast %sub3A_119 : vector<16xi32> to vector<16xi32>
    tpu.vector_store %arg5[%swap3A_120], %swap3A_123 {strides = array<i32>} : memref<512xi32, #tpu.memory_space<vmem>>, vector<16xi32>,
    %get3A_124 = arith.constant 128 : index
    %get3A_125 = tpu.vector_load %arg5[%get3A_124] {strides = array<i32>} : memref<512xi32, #tpu.memory_space<vmem>>, vector<16xi32>,
    %get3A_126 = vector.shape_cast %get3A_125 : vector<16xi32> to vector<16xi32>
    %ge3A_127 = arith.constant 50048 : i32
    %ge3A_128 = vector.broadcast %ge3A_127 : i32 to vector<16xi32>
    %ge3A_129 = arith.cmpi sge, %get3A_126, %ge3A_128 : vector<16xi32>
    %jit3A_130 = arith.constant 50048 : i32
    %jit3A_131 = arith.constant 0 : i32
    %broadcast_in_dim3A_132 = vector.broadcast %jit3A_130 : i32 to vector<16xi32>
    %broadcast_in_dim3A_133 = vector.broadcast %jit3A_131 : i32 to vector<16xi32>
    %select_n3A_134 = arith.select %ge3A_129, %broadcast_in_dim3A_132, %broadcast_in_dim3A_133 : vector<16xi1>, vector<16xi32>
    %sub3A_135 = arith.subi %get3A_126, %select_n3A_134 : vector<16xi32>
    %swap3A_136 = arith.constant 128 : index
    %swap3A_137 = tpu.vector_load %arg5[%swap3A_136] {strides = array<i32>} : memref<512xi32, #tpu.memory_space<vmem>>, vector<16xi32>,
    %swap3A_138 = vector.shape_cast %swap3A_137 : vector<16xi32> to vector<16xi32>
    %swap3A_139 = vector.shape_cast %sub3A_135 : vector<16xi32> to vector<16xi32>
    tpu.vector_store %arg5[%swap3A_136], %swap3A_139 {strides = array<i32>} : memref<512xi32, #tpu.memory_space<vmem>>, vector<16xi32>,
    %get3A_140 = arith.constant 144 : index
    %get3A_141 = tpu.vector_load %arg5[%get3A_140] {strides = array<i32>} : memref<512xi32, #tpu.memory_space<vmem>>, vector<16xi32>,
    %get3A_142 = vector.shape_cast %get3A_141 : vector<16xi32> to vector<16xi32>
    %ge3A_143 = arith.constant 50048 : i32
    %ge3A_144 = vector.broadcast %ge3A_143 : i32 to vector<16xi32>
    %ge3A_145 = arith.cmpi sge, %get3A_142, %ge3A_144 : vector<16xi32>
    %jit3A_146 = arith.constant 50048 : i32
    %jit3A_147 = arith.constant 0 : i32
    %broadcast_in_dim3A_148 = vector.broadcast %jit3A_146 : i32 to vector<16xi32>
    %broadcast_in_dim3A_149 = vector.broadcast %jit3A_147 : i32 to vector<16xi32>
    %select_n3A_150 = arith.select %ge3A_145, %broadcast_in_dim3A_148, %broadcast_in_dim3A_149 : vector<16xi1>, vector<16xi32>
    %sub3A_151 = arith.subi %get3A_142, %select_n3A_150 : vector<16xi32>
    %swap3A_152 = arith.constant 144 : index
    %swap3A_153 = tpu.vector_load %arg5[%swap3A_152] {strides = array<i32>} : memref<512xi32, #tpu.memory_space<vmem>>, vector<16xi32>,
    %swap3A_154 = vector.shape_cast %swap3A_153 : vector<16xi32> to vector<16xi32>
    %swap3A_155 = vector.shape_cast %sub3A_151 : vector<16xi32> to vector<16xi32>
    tpu.vector_store %arg5[%swap3A_152], %swap3A_155 {strides = array<i32>} : memref<512xi32, #tpu.memory_space<vmem>>, vector<16xi32>,
    %get3A_156 = arith.constant 160 : index
    %get3A_157 = tpu.vector_load %arg5[%get3A_156] {strides = array<i32>} : memref<512xi32, #tpu.memory_space<vmem>>, vector<16xi32>,
    %get3A_158 = vector.shape_cast %get3A_157 : vector<16xi32> to vector<16xi32>
    %ge3A_159 = arith.constant 50048 : i32
    %ge3A_160 = vector.broadcast %ge3A_159 : i32 to vector<16xi32>
    %ge3A_161 = arith.cmpi sge, %get3A_158, %ge3A_160 : vector<16xi32>
    %jit3A_162 = arith.constant 50048 : i32
    %jit3A_163 = arith.constant 0 : i32
    %broadcast_in_dim3A_164 = vector.broadcast %jit3A_162 : i32 to vector<16xi32>
    %broadcast_in_dim3A_165 = vector.broadcast %jit3A_163 : i32 to vector<16xi32>
    %select_n3A_166 = arith.select %ge3A_161, %broadcast_in_dim3A_164, %broadcast_in_dim3A_165 : vector<16xi1>, vector<16xi32>
    %sub3A_167 = arith.subi %get3A_158, %select_n3A_166 : vector<16xi32>
    %swap3A_168 = arith.constant 160 : index
    %swap3A_169 = tpu.vector_load %arg5[%swap3A_168] {strides = array<i32>} : memref<512xi32, #tpu.memory_space<vmem>>, vector<16xi32>,
    %swap3A_170 = vector.shape_cast %swap3A_169 : vector<16xi32> to vector<16xi32>
    %swap3A_171 = vector.shape_cast %sub3A_167 : vector<16xi32> to vector<16xi32>
    tpu.vector_store %arg5[%swap3A_168], %swap3A_171 {strides = array<i32>} : memref<512xi32, #tpu.memory_space<vmem>>, vector<16xi32>,
    %get3A_172 = arith.constant 176 : index
    %get3A_173 = tpu.vector_load %arg5[%get3A_172] {strides = array<i32>} : memref<512xi32, #tpu.memory_space<vmem>>, vector<16xi32>,
    %get3A_174 = vector.shape_cast %get3A_173 : vector<16xi32> to vector<16xi32>
    %ge3A_175 = arith.constant 50048 : i32
    %ge3A_176 = vector.broadcast %ge3A_175 : i32 to vector<16xi32>
    %ge3A_177 = arith.cmpi sge, %get3A_174, %ge3A_176 : vector<16xi32>
    %jit3A_178 = arith.constant 50048 : i32
    %jit3A_179 = arith.constant 0 : i32
    %broadcast_in_dim3A_180 = vector.broadcast %jit3A_178 : i32 to vector<16xi32>
    %broadcast_in_dim3A_181 = vector.broadcast %jit3A_179 : i32 to vector<16xi32>
    %select_n3A_182 = arith.select %ge3A_177, %broadcast_in_dim3A_180, %broadcast_in_dim3A_181 : vector<16xi1>, vector<16xi32>
    %sub3A_183 = arith.subi %get3A_174, %select_n3A_182 : vector<16xi32>
    %swap3A_184 = arith.constant 176 : index
    %swap3A_185 = tpu.vector_load %arg5[%swap3A_184] {strides = array<i32>} : memref<512xi32, #tpu.memory_space<vmem>>, vector<16xi32>,
    %swap3A_186 = vector.shape_cast %swap3A_185 : vector<16xi32> to vector<16xi32>
    %swap3A_187 = vector.shape_cast %sub3A_183 : vector<16xi32> to vector<16xi32>
    tpu.vector_store %arg5[%swap3A_184], %swap3A_187 {strides = array<i32>} : memref<512xi32, #tpu.memory_space<vmem>>, vector<16xi32>,
    %get3A_188 = arith.constant 192 : index
    %get3A_189 = tpu.vector_load %arg5[%get3A_188] {strides = array<i32>} : memref<512xi32, #tpu.memory_space<vmem>>, vector<16xi32>,
    %get3A_190 = vector.shape_cast %get3A_189 : vector<16xi32> to vector<16xi32>
    %ge3A_191 = arith.constant 50048 : i32
    %ge3A_192 = vector.broadcast %ge3A_191 : i32 to vector<16xi32>
    %ge3A_193 = arith.cmpi sge, %get3A_190, %ge3A_192 : vector<16xi32>
    %jit3A_194 = arith.constant 50048 : i32
    %jit3A_195 = arith.constant 0 : i32
    %broadcast_in_dim3A_196 = vector.broadcast %jit3A_194 : i32 to vector<16xi32>
    %broadcast_in_dim3A_197 = vector.broadcast %jit3A_195 : i32 to vector<16xi32>
    %select_n3A_198 = arith.select %ge3A_193, %broadcast_in_dim3A_196, %broadcast_in_dim3A_197 : vector<16xi1>, vector<16xi32>
    %sub3A_199 = arith.subi %get3A_190, %select_n3A_198 : vector<16xi32>
    %swap3A_200 = arith.constant 192 : index
    %swap3A_201 = tpu.vector_load %arg5[%swap3A_200] {strides = array<i32>} : memref<512xi32, #tpu.memory_space<vmem>>, vector<16xi32>,
    %swap3A_202 = vector.shape_cast %swap3A_201 : vector<16xi32> to vector<16xi32>
    %swap3A_203 = vector.shape_cast %sub3A_199 : vector<16xi32> to vector<16xi32>
    tpu.vector_store %arg5[%swap3A_200], %swap3A_203 {strides = array<i32>} : memref<512xi32, #tpu.memory_space<vmem>>, vector<16xi32>,
    %get3A_204 = arith.constant 208 : index
    %get3A_205 = tpu.vector_load %arg5[%get3A_204] {strides = array<i32>} : memref<512xi32, #tpu.memory_space<vmem>>, vector<16xi32>,
    %get3A_206 = vector.shape_cast %get3A_205 : vector<16xi32> to vector<16xi32>
    %ge3A_207 = arith.constant 50048 : i32
    %ge3A_208 = vector.broadcast %ge3A_207 : i32 to vector<16xi32>
    %ge3A_209 = arith.cmpi sge, %get3A_206, %ge3A_208 : vector<16xi32>
    %jit3A_210 = arith.constant 50048 : i32
    %jit3A_211 = arith.constant 0 : i32
    %broadcast_in_dim3A_212 = vector.broadcast %jit3A_210 : i32 to vector<16xi32>
    %broadcast_in_dim3A_213 = vector.broadcast %jit3A_211 : i32 to vector<16xi32>
    %select_n3A_214 = arith.select %ge3A_209, %broadcast_in_dim3A_212, %broadcast_in_dim3A_213 : vector<16xi1>, vector<16xi32>
    %sub3A_215 = arith.subi %get3A_206, %select_n3A_214 : vector<16xi32>
    %swap3A_216 = arith.constant 208 : index
    %swap3A_217 = tpu.vector_load %arg5[%swap3A_216] {strides = array<i32>} : memref<512xi32, #tpu.memory_space<vmem>>, vector<16xi32>,
    %swap3A_218 = vector.shape_cast %swap3A_217 : vector<16xi32> to vector<16xi32>
    %swap3A_219 = vector.shape_cast %sub3A_215 : vector<16xi32> to vector<16xi32>
    tpu.vector_store %arg5[%swap3A_216], %swap3A_219 {strides = array<i32>} : memref<512xi32, #tpu.memory_space<vmem>>, vector<16xi32>,
    %get3A_220 = arith.constant 224 : index
    %get3A_221 = tpu.vector_load %arg5[%get3A_220] {strides = array<i32>} : memref<512xi32, #tpu.memory_space<vmem>>, vector<16xi32>,
    %get3A_222 = vector.shape_cast %get3A_221 : vector<16xi32> to vector<16xi32>
    %ge3A_223 = arith.constant 50048 : i32
    %ge3A_224 = vector.broadcast %ge3A_223 : i32 to vector<16xi32>
    %ge3A_225 = arith.cmpi sge, %get3A_222, %ge3A_224 : vector<16xi32>
    %jit3A_226 = arith.constant 50048 : i32
    %jit3A_227 = arith.constant 0 : i32
    %broadcast_in_dim3A_228 = vector.broadcast %jit3A_226 : i32 to vector<16xi32>
    %broadcast_in_dim3A_229 = vector.broadcast %jit3A_227 : i32 to vector<16xi32>
    %select_n3A_230 = arith.select %ge3A_225, %broadcast_in_dim3A_228, %broadcast_in_dim3A_229 : vector<16xi1>, vector<16xi32>
    %sub3A_231 = arith.subi %get3A_222, %select_n3A_230 : vector<16xi32>
    %swap3A_232 = arith.constant 224 : index
    %swap3A_233 = tpu.vector_load %arg5[%swap3A_232] {strides = array<i32>} : memref<512xi32, #tpu.memory_space<vmem>>, vector<16xi32>,
    %swap3A_234 = vector.shape_cast %swap3A_233 : vector<16xi32> to vector<16xi32>
    %swap3A_235 = vector.shape_cast %sub3A_231 : vector<16xi32> to vector<16xi32>
    tpu.vector_store %arg5[%swap3A_232], %swap3A_235 {strides = array<i32>} : memref<512xi32, #tpu.memory_space<vmem>>, vector<16xi32>,
    %get3A_236 = arith.constant 240 : index
    %get3A_237 = tpu.vector_load %arg5[%get3A_236] {strides = array<i32>} : memref<512xi32, #tpu.memory_space<vmem>>, vector<16xi32>,
    %get3A_238 = vector.shape_cast %get3A_237 : vector<16xi32> to vector<16xi32>
    %ge3A_239 = arith.constant 50048 : i32
    %ge3A_240 = vector.broadcast %ge3A_239 : i32 to vector<16xi32>
    %ge3A_241 = arith.cmpi sge, %get3A_238, %ge3A_240 : vector<16xi32>
    %jit3A_242 = arith.constant 50048 : i32
    %jit3A_243 = arith.constant 0 : i32
    %broadcast_in_dim3A_244 = vector.broadcast %jit3A_242 : i32 to vector<16xi32>
    %broadcast_in_dim3A_245 = vector.broadcast %jit3A_243 : i32 to vector<16xi32>
    %select_n3A_246 = arith.select %ge3A_241, %broadcast_in_dim3A_244, %broadcast_in_dim3A_245 : vector<16xi1>, vector<16xi32>
    %sub3A_247 = arith.subi %get3A_238, %select_n3A_246 : vector<16xi32>
    %swap3A_248 = arith.constant 240 : index
    %swap3A_249 = tpu.vector_load %arg5[%swap3A_248] {strides = array<i32>} : memref<512xi32, #tpu.memory_space<vmem>>, vector<16xi32>,
    %swap3A_250 = vector.shape_cast %swap3A_249 : vector<16xi32> to vector<16xi32>
    %swap3A_251 = vector.shape_cast %sub3A_247 : vector<16xi32> to vector<16xi32>
    tpu.vector_store %arg5[%swap3A_248], %swap3A_251 {strides = array<i32>} : memref<512xi32, #tpu.memory_space<vmem>>, vector<16xi32>,
    %get3A_252 = arith.constant 256 : index
    %get3A_253 = tpu.vector_load %arg5[%get3A_252] {strides = array<i32>} : memref<512xi32, #tpu.memory_space<vmem>>, vector<16xi32>,
    %get3A_254 = vector.shape_cast %get3A_253 : vector<16xi32> to vector<16xi32>
    %ge3A_255 = arith.constant 50048 : i32
    %ge3A_256 = vector.broadcast %ge3A_255 : i32 to vector<16xi32>
    %ge3A_257 = arith.cmpi sge, %get3A_254, %ge3A_256 : vector<16xi32>
    %jit3A_258 = arith.constant 50048 : i32
    %jit3A_259 = arith.constant 0 : i32
    %broadcast_in_dim3A_260 = vector.broadcast %jit3A_258 : i32 to vector<16xi32>
    %broadcast_in_dim3A_261 = vector.broadcast %jit3A_259 : i32 to vector<16xi32>
    %select_n3A_262 = arith.select %ge3A_257, %broadcast_in_dim3A_260, %broadcast_in_dim3A_261 : vector<16xi1>, vector<16xi32>
    %sub3A_263 = arith.subi %get3A_254, %select_n3A_262 : vector<16xi32>
    %swap3A_264 = arith.constant 256 : index
    %swap3A_265 = tpu.vector_load %arg5[%swap3A_264] {strides = array<i32>} : memref<512xi32, #tpu.memory_space<vmem>>, vector<16xi32>,
    %swap3A_266 = vector.shape_cast %swap3A_265 : vector<16xi32> to vector<16xi32>
    %swap3A_267 = vector.shape_cast %sub3A_263 : vector<16xi32> to vector<16xi32>
    tpu.vector_store %arg5[%swap3A_264], %swap3A_267 {strides = array<i32>} : memref<512xi32, #tpu.memory_space<vmem>>, vector<16xi32>,
    %get3A_268 = arith.constant 272 : index
    %get3A_269 = tpu.vector_load %arg5[%get3A_268] {strides = array<i32>} : memref<512xi32, #tpu.memory_space<vmem>>, vector<16xi32>,
    %get3A_270 = vector.shape_cast %get3A_269 : vector<16xi32> to vector<16xi32>
    %ge3A_271 = arith.constant 50048 : i32
    %ge3A_272 = vector.broadcast %ge3A_271 : i32 to vector<16xi32>
    %ge3A_273 = arith.cmpi sge, %get3A_270, %ge3A_272 : vector<16xi32>
    %jit3A_274 = arith.constant 50048 : i32
    %jit3A_275 = arith.constant 0 : i32
    %broadcast_in_dim3A_276 = vector.broadcast %jit3A_274 : i32 to vector<16xi32>
    %broadcast_in_dim3A_277 = vector.broadcast %jit3A_275 : i32 to vector<16xi32>
    %select_n3A_278 = arith.select %ge3A_273, %broadcast_in_dim3A_276, %broadcast_in_dim3A_277 : vector<16xi1>, vector<16xi32>
    %sub3A_279 = arith.subi %get3A_270, %select_n3A_278 : vector<16xi32>
    %swap3A_280 = arith.constant 272 : index
    %swap3A_281 = tpu.vector_load %arg5[%swap3A_280] {strides = array<i32>} : memref<512xi32, #tpu.memory_space<vmem>>, vector<16xi32>,
    %swap3A_282 = vector.shape_cast %swap3A_281 : vector<16xi32> to vector<16xi32>
    %swap3A_283 = vector.shape_cast %sub3A_279 : vector<16xi32> to vector<16xi32>
    tpu.vector_store %arg5[%swap3A_280], %swap3A_283 {strides = array<i32>} : memref<512xi32, #tpu.memory_space<vmem>>, vector<16xi32>,
    %get3A_284 = arith.constant 288 : index
    %get3A_285 = tpu.vector_load %arg5[%get3A_284] {strides = array<i32>} : memref<512xi32, #tpu.memory_space<vmem>>, vector<16xi32>,
    %get3A_286 = vector.shape_cast %get3A_285 : vector<16xi32> to vector<16xi32>
    %ge3A_287 = arith.constant 50048 : i32
    %ge3A_288 = vector.broadcast %ge3A_287 : i32 to vector<16xi32>
    %ge3A_289 = arith.cmpi sge, %get3A_286, %ge3A_288 : vector<16xi32>
    %jit3A_290 = arith.constant 50048 : i32
    %jit3A_291 = arith.constant 0 : i32
    %broadcast_in_dim3A_292 = vector.broadcast %jit3A_290 : i32 to vector<16xi32>
    %broadcast_in_dim3A_293 = vector.broadcast %jit3A_291 : i32 to vector<16xi32>
    %select_n3A_294 = arith.select %ge3A_289, %broadcast_in_dim3A_292, %broadcast_in_dim3A_293 : vector<16xi1>, vector<16xi32>
    %sub3A_295 = arith.subi %get3A_286, %select_n3A_294 : vector<16xi32>
    %swap3A_296 = arith.constant 288 : index
    %swap3A_297 = tpu.vector_load %arg5[%swap3A_296] {strides = array<i32>} : memref<512xi32, #tpu.memory_space<vmem>>, vector<16xi32>,
    %swap3A_298 = vector.shape_cast %swap3A_297 : vector<16xi32> to vector<16xi32>
    %swap3A_299 = vector.shape_cast %sub3A_295 : vector<16xi32> to vector<16xi32>
    tpu.vector_store %arg5[%swap3A_296], %swap3A_299 {strides = array<i32>} : memref<512xi32, #tpu.memory_space<vmem>>, vector<16xi32>,
    %get3A_300 = arith.constant 304 : index
    %get3A_301 = tpu.vector_load %arg5[%get3A_300] {strides = array<i32>} : memref<512xi32, #tpu.memory_space<vmem>>, vector<16xi32>,
    %get3A_302 = vector.shape_cast %get3A_301 : vector<16xi32> to vector<16xi32>
    %ge3A_303 = arith.constant 50048 : i32
    %ge3A_304 = vector.broadcast %ge3A_303 : i32 to vector<16xi32>
    %ge3A_305 = arith.cmpi sge, %get3A_302, %ge3A_304 : vector<16xi32>
    %jit3A_306 = arith.constant 50048 : i32
    %jit3A_307 = arith.constant 0 : i32
    %broadcast_in_dim3A_308 = vector.broadcast %jit3A_306 : i32 to vector<16xi32>
    %broadcast_in_dim3A_309 = vector.broadcast %jit3A_307 : i32 to vector<16xi32>
    %select_n3A_310 = arith.select %ge3A_305, %broadcast_in_dim3A_308, %broadcast_in_dim3A_309 : vector<16xi1>, vector<16xi32>
    %sub3A_311 = arith.subi %get3A_302, %select_n3A_310 : vector<16xi32>
    %swap3A_312 = arith.constant 304 : index
    %swap3A_313 = tpu.vector_load %arg5[%swap3A_312] {strides = array<i32>} : memref<512xi32, #tpu.memory_space<vmem>>, vector<16xi32>,
    %swap3A_314 = vector.shape_cast %swap3A_313 : vector<16xi32> to vector<16xi32>
    %swap3A_315 = vector.shape_cast %sub3A_311 : vector<16xi32> to vector<16xi32>
    tpu.vector_store %arg5[%swap3A_312], %swap3A_315 {strides = array<i32>} : memref<512xi32, #tpu.memory_space<vmem>>, vector<16xi32>,
    %get3A_316 = arith.constant 320 : index
    %get3A_317 = tpu.vector_load %arg5[%get3A_316] {strides = array<i32>} : memref<512xi32, #tpu.memory_space<vmem>>, vector<16xi32>,
    %get3A_318 = vector.shape_cast %get3A_317 : vector<16xi32> to vector<16xi32>
    %ge3A_319 = arith.constant 50048 : i32
    %ge3A_320 = vector.broadcast %ge3A_319 : i32 to vector<16xi32>
    %ge3A_321 = arith.cmpi sge, %get3A_318, %ge3A_320 : vector<16xi32>
    %jit3A_322 = arith.constant 50048 : i32
    %jit3A_323 = arith.constant 0 : i32
    %broadcast_in_dim3A_324 = vector.broadcast %jit3A_322 : i32 to vector<16xi32>
    %broadcast_in_dim3A_325 = vector.broadcast %jit3A_323 : i32 to vector<16xi32>
    %select_n3A_326 = arith.select %ge3A_321, %broadcast_in_dim3A_324, %broadcast_in_dim3A_325 : vector<16xi1>, vector<16xi32>
    %sub3A_327 = arith.subi %get3A_318, %select_n3A_326 : vector<16xi32>
    %swap3A_328 = arith.constant 320 : index
    %swap3A_329 = tpu.vector_load %arg5[%swap3A_328] {strides = array<i32>} : memref<512xi32, #tpu.memory_space<vmem>>, vector<16xi32>,
    %swap3A_330 = vector.shape_cast %swap3A_329 : vector<16xi32> to vector<16xi32>
    %swap3A_331 = vector.shape_cast %sub3A_327 : vector<16xi32> to vector<16xi32>
    tpu.vector_store %arg5[%swap3A_328], %swap3A_331 {strides = array<i32>} : memref<512xi32, #tpu.memory_space<vmem>>, vector<16xi32>,
    %get3A_332 = arith.constant 336 : index
    %get3A_333 = tpu.vector_load %arg5[%get3A_332] {strides = array<i32>} : memref<512xi32, #tpu.memory_space<vmem>>, vector<16xi32>,
    %get3A_334 = vector.shape_cast %get3A_333 : vector<16xi32> to vector<16xi32>
    %ge3A_335 = arith.constant 50048 : i32
    %ge3A_336 = vector.broadcast %ge3A_335 : i32 to vector<16xi32>
    %ge3A_337 = arith.cmpi sge, %get3A_334, %ge3A_336 : vector<16xi32>
    %jit3A_338 = arith.constant 50048 : i32
    %jit3A_339 = arith.constant 0 : i32
    %broadcast_in_dim3A_340 = vector.broadcast %jit3A_338 : i32 to vector<16xi32>
    %broadcast_in_dim3A_341 = vector.broadcast %jit3A_339 : i32 to vector<16xi32>
    %select_n3A_342 = arith.select %ge3A_337, %broadcast_in_dim3A_340, %broadcast_in_dim3A_341 : vector<16xi1>, vector<16xi32>
    %sub3A_343 = arith.subi %get3A_334, %select_n3A_342 : vector<16xi32>
    %swap3A_344 = arith.constant 336 : index
    %swap3A_345 = tpu.vector_load %arg5[%swap3A_344] {strides = array<i32>} : memref<512xi32, #tpu.memory_space<vmem>>, vector<16xi32>,
    %swap3A_346 = vector.shape_cast %swap3A_345 : vector<16xi32> to vector<16xi32>
    %swap3A_347 = vector.shape_cast %sub3A_343 : vector<16xi32> to vector<16xi32>
    tpu.vector_store %arg5[%swap3A_344], %swap3A_347 {strides = array<i32>} : memref<512xi32, #tpu.memory_space<vmem>>, vector<16xi32>,
    %get3A_348 = arith.constant 352 : index
    %get3A_349 = tpu.vector_load %arg5[%get3A_348] {strides = array<i32>} : memref<512xi32, #tpu.memory_space<vmem>>, vector<16xi32>,
    %get3A_350 = vector.shape_cast %get3A_349 : vector<16xi32> to vector<16xi32>
    %ge3A_351 = arith.constant 50048 : i32
    %ge3A_352 = vector.broadcast %ge3A_351 : i32 to vector<16xi32>
    %ge3A_353 = arith.cmpi sge, %get3A_350, %ge3A_352 : vector<16xi32>
    %jit3A_354 = arith.constant 50048 : i32
    %jit3A_355 = arith.constant 0 : i32
    %broadcast_in_dim3A_356 = vector.broadcast %jit3A_354 : i32 to vector<16xi32>
    %broadcast_in_dim3A_357 = vector.broadcast %jit3A_355 : i32 to vector<16xi32>
    %select_n3A_358 = arith.select %ge3A_353, %broadcast_in_dim3A_356, %broadcast_in_dim3A_357 : vector<16xi1>, vector<16xi32>
    %sub3A_359 = arith.subi %get3A_350, %select_n3A_358 : vector<16xi32>
    %swap3A_360 = arith.constant 352 : index
    %swap3A_361 = tpu.vector_load %arg5[%swap3A_360] {strides = array<i32>} : memref<512xi32, #tpu.memory_space<vmem>>, vector<16xi32>,
    %swap3A_362 = vector.shape_cast %swap3A_361 : vector<16xi32> to vector<16xi32>
    %swap3A_363 = vector.shape_cast %sub3A_359 : vector<16xi32> to vector<16xi32>
    tpu.vector_store %arg5[%swap3A_360], %swap3A_363 {strides = array<i32>} : memref<512xi32, #tpu.memory_space<vmem>>, vector<16xi32>,
    %get3A_364 = arith.constant 368 : index
    %get3A_365 = tpu.vector_load %arg5[%get3A_364] {strides = array<i32>} : memref<512xi32, #tpu.memory_space<vmem>>, vector<16xi32>,
    %get3A_366 = vector.shape_cast %get3A_365 : vector<16xi32> to vector<16xi32>
    %ge3A_367 = arith.constant 50048 : i32
    %ge3A_368 = vector.broadcast %ge3A_367 : i32 to vector<16xi32>
    %ge3A_369 = arith.cmpi sge, %get3A_366, %ge3A_368 : vector<16xi32>
    %jit3A_370 = arith.constant 50048 : i32
    %jit3A_371 = arith.constant 0 : i32
    %broadcast_in_dim3A_372 = vector.broadcast %jit3A_370 : i32 to vector<16xi32>
    %broadcast_in_dim3A_373 = vector.broadcast %jit3A_371 : i32 to vector<16xi32>
    %select_n3A_374 = arith.select %ge3A_369, %broadcast_in_dim3A_372, %broadcast_in_dim3A_373 : vector<16xi1>, vector<16xi32>
    %sub3A_375 = arith.subi %get3A_366, %select_n3A_374 : vector<16xi32>
    %swap3A_376 = arith.constant 368 : index
    %swap3A_377 = tpu.vector_load %arg5[%swap3A_376] {strides = array<i32>} : memref<512xi32, #tpu.memory_space<vmem>>, vector<16xi32>,
    %swap3A_378 = vector.shape_cast %swap3A_377 : vector<16xi32> to vector<16xi32>
    %swap3A_379 = vector.shape_cast %sub3A_375 : vector<16xi32> to vector<16xi32>
    tpu.vector_store %arg5[%swap3A_376], %swap3A_379 {strides = array<i32>} : memref<512xi32, #tpu.memory_space<vmem>>, vector<16xi32>,
    %get3A_380 = arith.constant 384 : index
    %get3A_381 = tpu.vector_load %arg5[%get3A_380] {strides = array<i32>} : memref<512xi32, #tpu.memory_space<vmem>>, vector<16xi32>,
    %get3A_382 = vector.shape_cast %get3A_381 : vector<16xi32> to vector<16xi32>
    %ge3A_383 = arith.constant 50048 : i32
    %ge3A_384 = vector.broadcast %ge3A_383 : i32 to vector<16xi32>
    %ge3A_385 = arith.cmpi sge, %get3A_382, %ge3A_384 : vector<16xi32>
    %jit3A_386 = arith.constant 50048 : i32
    %jit3A_387 = arith.constant 0 : i32
    %broadcast_in_dim3A_388 = vector.broadcast %jit3A_386 : i32 to vector<16xi32>
    %broadcast_in_dim3A_389 = vector.broadcast %jit3A_387 : i32 to vector<16xi32>
    %select_n3A_390 = arith.select %ge3A_385, %broadcast_in_dim3A_388, %broadcast_in_dim3A_389 : vector<16xi1>, vector<16xi32>
    %sub3A_391 = arith.subi %get3A_382, %select_n3A_390 : vector<16xi32>
    %swap3A_392 = arith.constant 384 : index
    %swap3A_393 = tpu.vector_load %arg5[%swap3A_392] {strides = array<i32>} : memref<512xi32, #tpu.memory_space<vmem>>, vector<16xi32>,
    %swap3A_394 = vector.shape_cast %swap3A_393 : vector<16xi32> to vector<16xi32>
    %swap3A_395 = vector.shape_cast %sub3A_391 : vector<16xi32> to vector<16xi32>
    tpu.vector_store %arg5[%swap3A_392], %swap3A_395 {strides = array<i32>} : memref<512xi32, #tpu.memory_space<vmem>>, vector<16xi32>,
    %get3A_396 = arith.constant 400 : index
    %get3A_397 = tpu.vector_load %arg5[%get3A_396] {strides = array<i32>} : memref<512xi32, #tpu.memory_space<vmem>>, vector<16xi32>,
    %get3A_398 = vector.shape_cast %get3A_397 : vector<16xi32> to vector<16xi32>
    %ge3A_399 = arith.constant 50048 : i32
    %ge3A_400 = vector.broadcast %ge3A_399 : i32 to vector<16xi32>
    %ge3A_401 = arith.cmpi sge, %get3A_398, %ge3A_400 : vector<16xi32>
    %jit3A_402 = arith.constant 50048 : i32
    %jit3A_403 = arith.constant 0 : i32
    %broadcast_in_dim3A_404 = vector.broadcast %jit3A_402 : i32 to vector<16xi32>
    %broadcast_in_dim3A_405 = vector.broadcast %jit3A_403 : i32 to vector<16xi32>
    %select_n3A_406 = arith.select %ge3A_401, %broadcast_in_dim3A_404, %broadcast_in_dim3A_405 : vector<16xi1>, vector<16xi32>
    %sub3A_407 = arith.subi %get3A_398, %select_n3A_406 : vector<16xi32>
    %swap3A_408 = arith.constant 400 : index
    %swap3A_409 = tpu.vector_load %arg5[%swap3A_408] {strides = array<i32>} : memref<512xi32, #tpu.memory_space<vmem>>, vector<16xi32>,
    %swap3A_410 = vector.shape_cast %swap3A_409 : vector<16xi32> to vector<16xi32>
    %swap3A_411 = vector.shape_cast %sub3A_407 : vector<16xi32> to vector<16xi32>
    tpu.vector_store %arg5[%swap3A_408], %swap3A_411 {strides = array<i32>} : memref<512xi32, #tpu.memory_space<vmem>>, vector<16xi32>,
    %get3A_412 = arith.constant 416 : index
    %get3A_413 = tpu.vector_load %arg5[%get3A_412] {strides = array<i32>} : memref<512xi32, #tpu.memory_space<vmem>>, vector<16xi32>,
    %get3A_414 = vector.shape_cast %get3A_413 : vector<16xi32> to vector<16xi32>
    %ge3A_415 = arith.constant 50048 : i32
    %ge3A_416 = vector.broadcast %ge3A_415 : i32 to vector<16xi32>
    %ge3A_417 = arith.cmpi sge, %get3A_414, %ge3A_416 : vector<16xi32>
    %jit3A_418 = arith.constant 50048 : i32
    %jit3A_419 = arith.constant 0 : i32
    %broadcast_in_dim3A_420 = vector.broadcast %jit3A_418 : i32 to vector<16xi32>
    %broadcast_in_dim3A_421 = vector.broadcast %jit3A_419 : i32 to vector<16xi32>
    %select_n3A_422 = arith.select %ge3A_417, %broadcast_in_dim3A_420, %broadcast_in_dim3A_421 : vector<16xi1>, vector<16xi32>
    %sub3A_423 = arith.subi %get3A_414, %select_n3A_422 : vector<16xi32>
    %swap3A_424 = arith.constant 416 : index
    %swap3A_425 = tpu.vector_load %arg5[%swap3A_424] {strides = array<i32>} : memref<512xi32, #tpu.memory_space<vmem>>, vector<16xi32>,
    %swap3A_426 = vector.shape_cast %swap3A_425 : vector<16xi32> to vector<16xi32>
    %swap3A_427 = vector.shape_cast %sub3A_423 : vector<16xi32> to vector<16xi32>
    tpu.vector_store %arg5[%swap3A_424], %swap3A_427 {strides = array<i32>} : memref<512xi32, #tpu.memory_space<vmem>>, vector<16xi32>,
    %get3A_428 = arith.constant 432 : index
    %get3A_429 = tpu.vector_load %arg5[%get3A_428] {strides = array<i32>} : memref<512xi32, #tpu.memory_space<vmem>>, vector<16xi32>,
    %get3A_430 = vector.shape_cast %get3A_429 : vector<16xi32> to vector<16xi32>
    %ge3A_431 = arith.constant 50048 : i32
    %ge3A_432 = vector.broadcast %ge3A_431 : i32 to vector<16xi32>
    %ge3A_433 = arith.cmpi sge, %get3A_430, %ge3A_432 : vector<16xi32>
    %jit3A_434 = arith.constant 50048 : i32
    %jit3A_435 = arith.constant 0 : i32
    %broadcast_in_dim3A_436 = vector.broadcast %jit3A_434 : i32 to vector<16xi32>
    %broadcast_in_dim3A_437 = vector.broadcast %jit3A_435 : i32 to vector<16xi32>
    %select_n3A_438 = arith.select %ge3A_433, %broadcast_in_dim3A_436, %broadcast_in_dim3A_437 : vector<16xi1>, vector<16xi32>
    %sub3A_439 = arith.subi %get3A_430, %select_n3A_438 : vector<16xi32>
    %swap3A_440 = arith.constant 432 : index
    %swap3A_441 = tpu.vector_load %arg5[%swap3A_440] {strides = array<i32>} : memref<512xi32, #tpu.memory_space<vmem>>, vector<16xi32>,
    %swap3A_442 = vector.shape_cast %swap3A_441 : vector<16xi32> to vector<16xi32>
    %swap3A_443 = vector.shape_cast %sub3A_439 : vector<16xi32> to vector<16xi32>
    tpu.vector_store %arg5[%swap3A_440], %swap3A_443 {strides = array<i32>} : memref<512xi32, #tpu.memory_space<vmem>>, vector<16xi32>,
    %get3A_444 = arith.constant 448 : index
    %get3A_445 = tpu.vector_load %arg5[%get3A_444] {strides = array<i32>} : memref<512xi32, #tpu.memory_space<vmem>>, vector<16xi32>,
    %get3A_446 = vector.shape_cast %get3A_445 : vector<16xi32> to vector<16xi32>
    %ge3A_447 = arith.constant 50048 : i32
    %ge3A_448 = vector.broadcast %ge3A_447 : i32 to vector<16xi32>
    %ge3A_449 = arith.cmpi sge, %get3A_446, %ge3A_448 : vector<16xi32>
    %jit3A_450 = arith.constant 50048 : i32
    %jit3A_451 = arith.constant 0 : i32
    %broadcast_in_dim3A_452 = vector.broadcast %jit3A_450 : i32 to vector<16xi32>
    %broadcast_in_dim3A_453 = vector.broadcast %jit3A_451 : i32 to vector<16xi32>
    %select_n3A_454 = arith.select %ge3A_449, %broadcast_in_dim3A_452, %broadcast_in_dim3A_453 : vector<16xi1>, vector<16xi32>
    %sub3A_455 = arith.subi %get3A_446, %select_n3A_454 : vector<16xi32>
    %swap3A_456 = arith.constant 448 : index
    %swap3A_457 = tpu.vector_load %arg5[%swap3A_456] {strides = array<i32>} : memref<512xi32, #tpu.memory_space<vmem>>, vector<16xi32>,
    %swap3A_458 = vector.shape_cast %swap3A_457 : vector<16xi32> to vector<16xi32>
    %swap3A_459 = vector.shape_cast %sub3A_455 : vector<16xi32> to vector<16xi32>
    tpu.vector_store %arg5[%swap3A_456], %swap3A_459 {strides = array<i32>} : memref<512xi32, #tpu.memory_space<vmem>>, vector<16xi32>,
    %get3A_460 = arith.constant 464 : index
    %get3A_461 = tpu.vector_load %arg5[%get3A_460] {strides = array<i32>} : memref<512xi32, #tpu.memory_space<vmem>>, vector<16xi32>,
    %get3A_462 = vector.shape_cast %get3A_461 : vector<16xi32> to vector<16xi32>
    %ge3A_463 = arith.constant 50048 : i32
    %ge3A_464 = vector.broadcast %ge3A_463 : i32 to vector<16xi32>
    %ge3A_465 = arith.cmpi sge, %get3A_462, %ge3A_464 : vector<16xi32>
    %jit3A_466 = arith.constant 50048 : i32
    %jit3A_467 = arith.constant 0 : i32
    %broadcast_in_dim3A_468 = vector.broadcast %jit3A_466 : i32 to vector<16xi32>
    %broadcast_in_dim3A_469 = vector.broadcast %jit3A_467 : i32 to vector<16xi32>
    %select_n3A_470 = arith.select %ge3A_465, %broadcast_in_dim3A_468, %broadcast_in_dim3A_469 : vector<16xi1>, vector<16xi32>
    %sub3A_471 = arith.subi %get3A_462, %select_n3A_470 : vector<16xi32>
    %swap3A_472 = arith.constant 464 : index
    %swap3A_473 = tpu.vector_load %arg5[%swap3A_472] {strides = array<i32>} : memref<512xi32, #tpu.memory_space<vmem>>, vector<16xi32>,
    %swap3A_474 = vector.shape_cast %swap3A_473 : vector<16xi32> to vector<16xi32>
    %swap3A_475 = vector.shape_cast %sub3A_471 : vector<16xi32> to vector<16xi32>
    tpu.vector_store %arg5[%swap3A_472], %swap3A_475 {strides = array<i32>} : memref<512xi32, #tpu.memory_space<vmem>>, vector<16xi32>,
    %get3A_476 = arith.constant 480 : index
    %get3A_477 = tpu.vector_load %arg5[%get3A_476] {strides = array<i32>} : memref<512xi32, #tpu.memory_space<vmem>>, vector<16xi32>,
    %get3A_478 = vector.shape_cast %get3A_477 : vector<16xi32> to vector<16xi32>
    %ge3A_479 = arith.constant 50048 : i32
    %ge3A_480 = vector.broadcast %ge3A_479 : i32 to vector<16xi32>
    %ge3A_481 = arith.cmpi sge, %get3A_478, %ge3A_480 : vector<16xi32>
    %jit3A_482 = arith.constant 50048 : i32
    %jit3A_483 = arith.constant 0 : i32
    %broadcast_in_dim3A_484 = vector.broadcast %jit3A_482 : i32 to vector<16xi32>
    %broadcast_in_dim3A_485 = vector.broadcast %jit3A_483 : i32 to vector<16xi32>
    %select_n3A_486 = arith.select %ge3A_481, %broadcast_in_dim3A_484, %broadcast_in_dim3A_485 : vector<16xi1>, vector<16xi32>
    %sub3A_487 = arith.subi %get3A_478, %select_n3A_486 : vector<16xi32>
    %swap3A_488 = arith.constant 480 : index
    %swap3A_489 = tpu.vector_load %arg5[%swap3A_488] {strides = array<i32>} : memref<512xi32, #tpu.memory_space<vmem>>, vector<16xi32>,
    %swap3A_490 = vector.shape_cast %swap3A_489 : vector<16xi32> to vector<16xi32>
    %swap3A_491 = vector.shape_cast %sub3A_487 : vector<16xi32> to vector<16xi32>
    tpu.vector_store %arg5[%swap3A_488], %swap3A_491 {strides = array<i32>} : memref<512xi32, #tpu.memory_space<vmem>>, vector<16xi32>,
    %get3A_492 = arith.constant 496 : index
    %get3A_493 = tpu.vector_load %arg5[%get3A_492] {strides = array<i32>} : memref<512xi32, #tpu.memory_space<vmem>>, vector<16xi32>,
    %get3A_494 = vector.shape_cast %get3A_493 : vector<16xi32> to vector<16xi32>
    %ge3A_495 = arith.constant 50048 : i32
    %ge3A_496 = vector.broadcast %ge3A_495 : i32 to vector<16xi32>
    %ge3A_497 = arith.cmpi sge, %get3A_494, %ge3A_496 : vector<16xi32>
    %jit3A_498 = arith.constant 50048 : i32
    %jit3A_499 = arith.constant 0 : i32
    %broadcast_in_dim3A_500 = vector.broadcast %jit3A_498 : i32 to vector<16xi32>
    %broadcast_in_dim3A_501 = vector.broadcast %jit3A_499 : i32 to vector<16xi32>
    %select_n3A_502 = arith.select %ge3A_497, %broadcast_in_dim3A_500, %broadcast_in_dim3A_501 : vector<16xi1>, vector<16xi32>
    %sub3A_503 = arith.subi %get3A_494, %select_n3A_502 : vector<16xi32>
    %swap3A_504 = arith.constant 496 : index
    %swap3A_505 = tpu.vector_load %arg5[%swap3A_504] {strides = array<i32>} : memref<512xi32, #tpu.memory_space<vmem>>, vector<16xi32>,
    %swap3A_506 = vector.shape_cast %swap3A_505 : vector<16xi32> to vector<16xi32>
    %swap3A_507 = vector.shape_cast %sub3A_503 : vector<16xi32> to vector<16xi32>
    tpu.vector_store %arg5[%swap3A_504], %swap3A_507 {strides = array<i32>} : memref<512xi32, #tpu.memory_space<vmem>>, vector<16xi32>,
    %dma_start3A = arith.constant 0 : i32
    %dma_start3A_508 = arith.constant 0 : i32
    %dma_start3A_509 = tpu.memref_slice %arg6[%dma_start3A, %dma_start3A_508] : memref<512x128xi32, #tpu.memory_space<vmem>> -> memref<128x128xi32, #tpu.memory_space<vmem>>
    %dma_start3A_510 = arith.constant 0 : i32
    %dma_start3A_511 = tpu.memref_slice %arg5[%dma_start3A_510] : memref<512xi32, #tpu.memory_space<vmem>> -> memref<128xi32, #tpu.memory_space<vmem>>
    %dma_start3A_512 = arith.constant 0 : i32
    %dma_start3A_513 = arith.constant 0 : i32
    %dma_start3A_514 = tpu.memref_slice %arg3[%dma_start3A_512, %dma_start3A_513] : memref<50048x128xi32, #tpu.memory_space<hbm>> -> memref<50048x128xi32, #tpu.memory_space<hbm>>
    tpu.enqueue_indirect_dma source(%dma_start3A_514 : memref<50048x128xi32, #tpu.memory_space<hbm>>) target(%dma_start3A_509 : memref<128x128xi32, #tpu.memory_space<vmem>>) offsets(%dma_start3A_511 : memref<128xi32, #tpu.memory_space<vmem>>) semaphore(%arg7 : memref<!tpu.dma_semaphore, #tpu.memory_space<semaphore_mem>>)
    %dma_start3A_515 = arith.constant 128 : i32
    %dma_start3A_516 = arith.constant 0 : i32
    %dma_start3A_517 = tpu.memref_slice %arg6[%dma_start3A_515, %dma_start3A_516] : memref<512x128xi32, #tpu.memory_space<vmem>> -> memref<128x128xi32, #tpu.memory_space<vmem>>
    %dma_start3A_518 = arith.constant 128 : i32
    %dma_start3A_519 = tpu.memref_slice %arg5[%dma_start3A_518] : memref<512xi32, #tpu.memory_space<vmem>> -> memref<128xi32, #tpu.memory_space<vmem>>
    %dma_start3A_520 = arith.constant 0 : i32
    %dma_start3A_521 = arith.constant 0 : i32
    %dma_start3A_522 = tpu.memref_slice %arg3[%dma_start3A_520, %dma_start3A_521] : memref<50048x128xi32, #tpu.memory_space<hbm>> -> memref<50048x128xi32, #tpu.memory_space<hbm>>
    tpu.enqueue_indirect_dma source(%dma_start3A_522 : memref<50048x128xi32, #tpu.memory_space<hbm>>) target(%dma_start3A_517 : memref<128x128xi32, #tpu.memory_space<vmem>>) offsets(%dma_start3A_519 : memref<128xi32, #tpu.memory_space<vmem>>) semaphore(%arg7 : memref<!tpu.dma_semaphore, #tpu.memory_space<semaphore_mem>>)
    %dma_start3A_523 = arith.constant 256 : i32
    %dma_start3A_524 = arith.constant 0 : i32
    %dma_start3A_525 = tpu.memref_slice %arg6[%dma_start3A_523, %dma_start3A_524] : memref<512x128xi32, #tpu.memory_space<vmem>> -> memref<128x128xi32, #tpu.memory_space<vmem>>
    %dma_start3A_526 = arith.constant 256 : i32
    %dma_start3A_527 = tpu.memref_slice %arg5[%dma_start3A_526] : memref<512xi32, #tpu.memory_space<vmem>> -> memref<128xi32, #tpu.memory_space<vmem>>
    %dma_start3A_528 = arith.constant 0 : i32
    %dma_start3A_529 = arith.constant 0 : i32
    %dma_start3A_530 = tpu.memref_slice %arg3[%dma_start3A_528, %dma_start3A_529] : memref<50048x128xi32, #tpu.memory_space<hbm>> -> memref<50048x128xi32, #tpu.memory_space<hbm>>
    tpu.enqueue_indirect_dma source(%dma_start3A_530 : memref<50048x128xi32, #tpu.memory_space<hbm>>) target(%dma_start3A_525 : memref<128x128xi32, #tpu.memory_space<vmem>>) offsets(%dma_start3A_527 : memref<128xi32, #tpu.memory_space<vmem>>) semaphore(%arg7 : memref<!tpu.dma_semaphore, #tpu.memory_space<semaphore_mem>>)
    %dma_start3A_531 = arith.constant 384 : i32
    %dma_start3A_532 = arith.constant 0 : i32
    %dma_start3A_533 = tpu.memref_slice %arg6[%dma_start3A_531, %dma_start3A_532] : memref<512x128xi32, #tpu.memory_space<vmem>> -> memref<128x128xi32, #tpu.memory_space<vmem>>
    %dma_start3A_534 = arith.constant 384 : i32
    %dma_start3A_535 = tpu.memref_slice %arg5[%dma_start3A_534] : memref<512xi32, #tpu.memory_space<vmem>> -> memref<128xi32, #tpu.memory_space<vmem>>
    %dma_start3A_536 = arith.constant 0 : i32
    %dma_start3A_537 = arith.constant 0 : i32
    %dma_start3A_538 = tpu.memref_slice %arg3[%dma_start3A_536, %dma_start3A_537] : memref<50048x128xi32, #tpu.memory_space<hbm>> -> memref<50048x128xi32, #tpu.memory_space<hbm>>
    tpu.enqueue_indirect_dma source(%dma_start3A_538 : memref<50048x128xi32, #tpu.memory_space<hbm>>) target(%dma_start3A_533 : memref<128x128xi32, #tpu.memory_space<vmem>>) offsets(%dma_start3A_535 : memref<128xi32, #tpu.memory_space<vmem>>) semaphore(%arg7 : memref<!tpu.dma_semaphore, #tpu.memory_space<semaphore_mem>>)
    %dma_wait3A = arith.constant 0 : i32
    %dma_wait3A_539 = arith.constant 0 : i32
    %dma_wait3A_540 = tpu.memref_slice %arg6[%dma_wait3A, %dma_wait3A_539] : memref<512x128xi32, #tpu.memory_space<vmem>> -> memref<128x128xi32, #tpu.memory_space<vmem>>
    %dma_wait3A_541 = arith.constant 0 : i32
    %dma_wait3A_542 = tpu.memref_slice %arg5[%dma_wait3A_541] : memref<512xi32, #tpu.memory_space<vmem>> -> memref<128xi32, #tpu.memory_space<vmem>>
    %dma_wait3A_543 = arith.constant 0 : i32
    %dma_wait3A_544 = arith.constant 0 : i32
    %dma_wait3A_545 = tpu.memref_slice %arg3[%dma_wait3A_543, %dma_wait3A_544] : memref<50048x128xi32, #tpu.memory_space<hbm>> -> memref<50048x128xi32, #tpu.memory_space<hbm>>
    tpu.wait_indirect_dma semaphore(%arg7 : memref<!tpu.dma_semaphore, #tpu.memory_space<semaphore_mem>>) src(%dma_wait3A_545 : memref<50048x128xi32, #tpu.memory_space<hbm>>) dst(%dma_wait3A_540 : memref<128x128xi32, #tpu.memory_space<vmem>>)
    %dma_wait3A_546 = arith.constant 128 : i32
    %dma_wait3A_547 = arith.constant 0 : i32
    %dma_wait3A_548 = tpu.memref_slice %arg6[%dma_wait3A_546, %dma_wait3A_547] : memref<512x128xi32, #tpu.memory_space<vmem>> -> memref<128x128xi32, #tpu.memory_space<vmem>>
    %dma_wait3A_549 = arith.constant 128 : i32
    %dma_wait3A_550 = tpu.memref_slice %arg5[%dma_wait3A_549] : memref<512xi32, #tpu.memory_space<vmem>> -> memref<128xi32, #tpu.memory_space<vmem>>
    %dma_wait3A_551 = arith.constant 0 : i32
    %dma_wait3A_552 = arith.constant 0 : i32
    %dma_wait3A_553 = tpu.memref_slice %arg3[%dma_wait3A_551, %dma_wait3A_552] : memref<50048x128xi32, #tpu.memory_space<hbm>> -> memref<50048x128xi32, #tpu.memory_space<hbm>>
    tpu.wait_indirect_dma semaphore(%arg7 : memref<!tpu.dma_semaphore, #tpu.memory_space<semaphore_mem>>) src(%dma_wait3A_553 : memref<50048x128xi32, #tpu.memory_space<hbm>>) dst(%dma_wait3A_548 : memref<128x128xi32, #tpu.memory_space<vmem>>)
    %dma_wait3A_554 = arith.constant 256 : i32
    %dma_wait3A_555 = arith.constant 0 : i32
    %dma_wait3A_556 = tpu.memref_slice %arg6[%dma_wait3A_554, %dma_wait3A_555] : memref<512x128xi32, #tpu.memory_space<vmem>> -> memref<128x128xi32, #tpu.memory_space<vmem>>
    %dma_wait3A_557 = arith.constant 256 : i32
    %dma_wait3A_558 = tpu.memref_slice %arg5[%dma_wait3A_557] : memref<512xi32, #tpu.memory_space<vmem>> -> memref<128xi32, #tpu.memory_space<vmem>>
    %dma_wait3A_559 = arith.constant 0 : i32
    %dma_wait3A_560 = arith.constant 0 : i32
    %dma_wait3A_561 = tpu.memref_slice %arg3[%dma_wait3A_559, %dma_wait3A_560] : memref<50048x128xi32, #tpu.memory_space<hbm>> -> memref<50048x128xi32, #tpu.memory_space<hbm>>
    tpu.wait_indirect_dma semaphore(%arg7 : memref<!tpu.dma_semaphore, #tpu.memory_space<semaphore_mem>>) src(%dma_wait3A_561 : memref<50048x128xi32, #tpu.memory_space<hbm>>) dst(%dma_wait3A_556 : memref<128x128xi32, #tpu.memory_space<vmem>>)
    %dma_wait3A_562 = arith.constant 384 : i32
    %dma_wait3A_563 = arith.constant 0 : i32
    %dma_wait3A_564 = tpu.memref_slice %arg6[%dma_wait3A_562, %dma_wait3A_563] : memref<512x128xi32, #tpu.memory_space<vmem>> -> memref<128x128xi32, #tpu.memory_space<vmem>>
    %dma_wait3A_565 = arith.constant 384 : i32
    %dma_wait3A_566 = tpu.memref_slice %arg5[%dma_wait3A_565] : memref<512xi32, #tpu.memory_space<vmem>> -> memref<128xi32, #tpu.memory_space<vmem>>
    %dma_wait3A_567 = arith.constant 0 : i32
    %dma_wait3A_568 = arith.constant 0 : i32
    %dma_wait3A_569 = tpu.memref_slice %arg3[%dma_wait3A_567, %dma_wait3A_568] : memref<50048x128xi32, #tpu.memory_space<hbm>> -> memref<50048x128xi32, #tpu.memory_space<hbm>>
    tpu.wait_indirect_dma semaphore(%arg7 : memref<!tpu.dma_semaphore, #tpu.memory_space<semaphore_mem>>) src(%dma_wait3A_569 : memref<50048x128xi32, #tpu.memory_space<hbm>>) dst(%dma_wait3A_564 : memref<128x128xi32, #tpu.memory_space<vmem>>)
    "tpu.region"() ({
      %run_scoped3A = tpu.sem_alloc : memref<!tpu.dma_semaphore, #tpu.memory_space<semaphore_mem>>
      %dma_start3A_570 = arith.constant 0 : i32
      %dma_start3A_571 = tpu.memref_slice %arg4[%mul3A_2, %dma_start3A_570] : memref<16384x128xi32, #tpu.memory_space<hbm>> -> memref<512x128xi32, #tpu.memory_space<hbm>>
      %dma_start3A_572 = arith.constant 0 : i32
      %dma_start3A_573 = tpu.memref_slice %arg4[%mul3A_2, %dma_start3A_572] : memref<16384x128xi32, #tpu.memory_space<hbm>> -> memref<512x128xi32, #tpu.memory_space<hbm>>
      tpu.enqueue_dma source(%arg6 : memref<512x128xi32, #tpu.memory_space<vmem>>) target(%dma_start3A_573 : memref<512x128xi32, #tpu.memory_space<hbm>>) target_semaphore(%run_scoped3A : memref<!tpu.dma_semaphore, #tpu.memory_space<semaphore_mem>>)
      %dma_wait3A_574 = arith.constant 0 : i32
      %dma_wait3A_575 = tpu.memref_slice %arg4[%mul3A_2, %dma_wait3A_574] : memref<16384x128xi32, #tpu.memory_space<hbm>> -> memref<512x128xi32, #tpu.memory_space<hbm>>
      %dma_wait3A_576 = arith.constant 0 : i32
      %dma_wait3A_577 = tpu.memref_slice %arg4[%mul3A_2, %dma_wait3A_576] : memref<16384x128xi32, #tpu.memory_space<hbm>> -> memref<512x128xi32, #tpu.memory_space<hbm>>
      tpu.wait_dma2 semaphore(%run_scoped3A : memref<!tpu.dma_semaphore, #tpu.memory_space<semaphore_mem>>) src(%arg6 : memref<512x128xi32, #tpu.memory_space<vmem>>) dst(%dma_wait3A_577 : memref<512x128xi32, #tpu.memory_space<hbm>>)
      tpu.yield
    }) : () -> ()
    return
  }
}

#map = affine_map<(d0, d1) -> (0)>
#map1 = affine_map<(d0, d1) -> (0, 0)>
module attributes {stable_mosaic.version = 14 : i64} {
  func.func @gather(%arg0: i32, %arg1: i32, %arg2: memref<16384xi32, #tpu.memory_space<hbm>>, %arg3: memref<50048x128xi32, #tpu.memory_space<hbm>>, %arg4: memref<16384x128xi32, #tpu.memory_space<hbm>>, %arg5: memref<512xi32, #tpu.memory_space<vmem>>, %arg6: memref<512x128xi32, #tpu.memory_space<vmem>>, %arg7: memref<!tpu.dma_semaphore, #tpu.memory_space<semaphore_mem>>) attributes {dimension_semantics = [#tpu.dimension_semantics<core_parallel>, #tpu.dimension_semantics<subcore_parallel>], iteration_bounds = array<i64: 2, 16>, scalar_prefetch = 0 : i64, scratch_operands = 3 : i64, tpu.core_type = #tpu.core_type<sc_vector_subcore>, window_params = [{transform_indices = #map}, {transform_indices = #map1}, {transform_indices = #map1}]} {
    %mul3A = arith.constant 2 : i32
    %mul3A_0 = arith.muli %arg1, %mul3A : i32
    %add3A = arith.addi %mul3A_0, %arg0 : i32
    %mul3A_1 = arith.constant 512 : i32
    %mul3A_2 = arith.muli %add3A, %mul3A_1 : i32
    "tpu.region"() ({
      %run_scoped3A = tpu.sem_alloc : memref<!tpu.dma_semaphore, #tpu.memory_space<semaphore_mem>>
      %dma_start3A_570 = tpu.memref_slice %arg2[%mul3A_2] : memref<16384xi32, #tpu.memory_space<hbm>> -> memref<512xi32, #tpu.memory_space<hbm>>
      %dma_start3A_571 = tpu.memref_slice %arg2[%mul3A_2] : memref<16384xi32, #tpu.memory_space<hbm>> -> memref<512xi32, #tpu.memory_space<hbm>>
      tpu.enqueue_dma source(%dma_start3A_571 : memref<512xi32, #tpu.memory_space<hbm>>) target(%arg5 : memref<512xi32, #tpu.memory_space<vmem>>) target_semaphore(%run_scoped3A : memref<!tpu.dma_semaphore, #tpu.memory_space<semaphore_mem>>)
      %dma_wait3A_572 = tpu.memref_slice %arg2[%mul3A_2] : memref<16384xi32, #tpu.memory_space<hbm>> -> memref<512xi32, #tpu.memory_space<hbm>>
      %dma_wait3A_573 = tpu.memref_slice %arg2[%mul3A_2] : memref<16384xi32, #tpu.memory_space<hbm>> -> memref<512xi32, #tpu.memory_space<hbm>>
      tpu.wait_dma2 semaphore(%run_scoped3A : memref<!tpu.dma_semaphore, #tpu.memory_space<semaphore_mem>>) src(%dma_wait3A_573 : memref<512xi32, #tpu.memory_space<hbm>>) dst(%arg5 : memref<512xi32, #tpu.memory_space<vmem>>)
      tpu.yield
    }) : () -> ()
    %get3A = arith.constant 0 : index
    %get3A_3 = tpu.vector_load %arg5[%get3A] {strides = array<i32>} : memref<512xi32, #tpu.memory_space<vmem>>, vector<16xi32>,
    %get3A_4 = vector.shape_cast %get3A_3 : vector<16xi32> to vector<16xi32>
    %ge3A = arith.constant 50048 : i32
    %ge3A_5 = vector.broadcast %ge3A : i32 to vector<16xi32>
    %ge3A_6 = arith.cmpi sge, %get3A_4, %ge3A_5 : vector<16xi32>
    %jit3A = arith.constant 50048 : i32
    %jit3A_7 = arith.constant 0 : i32
    %broadcast_in_dim3A = vector.broadcast %jit3A : i32 to vector<16xi32>
    %broadcast_in_dim3A_8 = vector.broadcast %jit3A_7 : i32 to vector<16xi32>
    %select_n3A = arith.select %ge3A_6, %broadcast_in_dim3A, %broadcast_in_dim3A_8 : vector<16xi1>, vector<16xi32>
    %sub3A = arith.subi %get3A_4, %select_n3A : vector<16xi32>
    %swap3A = arith.constant 0 : index
    %swap3A_9 = tpu.vector_load %arg5[%swap3A] {strides = array<i32>} : memref<512xi32, #tpu.memory_space<vmem>>, vector<16xi32>,
    %swap3A_10 = vector.shape_cast %swap3A_9 : vector<16xi32> to vector<16xi32>
    %swap3A_11 = vector.shape_cast %sub3A : vector<16xi32> to vector<16xi32>
    tpu.vector_store %arg5[%swap3A], %swap3A_11 {strides = array<i32>} : memref<512xi32, #tpu.memory_space<vmem>>, vector<16xi32>,
    %get3A_12 = arith.constant 16 : index
    %get3A_13 = tpu.vector_load %arg5[%get3A_12] {strides = array<i32>} : memref<512xi32, #tpu.memory_space<vmem>>, vector<16xi32>,
    %get3A_14 = vector.shape_cast %get3A_13 : vector<16xi32> to vector<16xi32>
    %ge3A_15 = arith.constant 50048 : i32
    %ge3A_16 = vector.broadcast %ge3A_15 : i32 to vector<16xi32>
    %ge3A_17 = arith.cmpi sge, %get3A_14, %ge3A_16 : vector<16xi32>
    %jit3A_18 = arith.constant 50048 : i32
    %jit3A_19 = arith.constant 0 : i32
    %broadcast_in_dim3A_20 = vector.broadcast %jit3A_18 : i32 to vector<16xi32>
    %broadcast_in_dim3A_21 = vector.broadcast %jit3A_19 : i32 to vector<16xi32>
    %select_n3A_22 = arith.select %ge3A_17, %broadcast_in_dim3A_20, %broadcast_in_dim3A_21 : vector<16xi1>, vector<16xi32>
    %sub3A_23 = arith.subi %get3A_14, %select_n3A_22 : vector<16xi32>
    %swap3A_24 = arith.constant 16 : index
    %swap3A_25 = tpu.vector_load %arg5[%swap3A_24] {strides = array<i32>} : memref<512xi32, #tpu.memory_space<vmem>>, vector<16xi32>,
    %swap3A_26 = vector.shape_cast %swap3A_25 : vector<16xi32> to vector<16xi32>
    %swap3A_27 = vector.shape_cast %sub3A_23 : vector<16xi32> to vector<16xi32>
    tpu.vector_store %arg5[%swap3A_24], %swap3A_27 {strides = array<i32>} : memref<512xi32, #tpu.memory_space<vmem>>, vector<16xi32>,
    %get3A_28 = arith.constant 32 : index
    %get3A_29 = tpu.vector_load %arg5[%get3A_28] {strides = array<i32>} : memref<512xi32, #tpu.memory_space<vmem>>, vector<16xi32>,
    %get3A_30 = vector.shape_cast %get3A_29 : vector<16xi32> to vector<16xi32>
    %ge3A_31 = arith.constant 50048 : i32
    %ge3A_32 = vector.broadcast %ge3A_31 : i32 to vector<16xi32>
    %ge3A_33 = arith.cmpi sge, %get3A_30, %ge3A_32 : vector<16xi32>
    %jit3A_34 = arith.constant 50048 : i32
    %jit3A_35 = arith.constant 0 : i32
    %broadcast_in_dim3A_36 = vector.broadcast %jit3A_34 : i32 to vector<16xi32>
    %broadcast_in_dim3A_37 = vector.broadcast %jit3A_35 : i32 to vector<16xi32>
    %select_n3A_38 = arith.select %ge3A_33, %broadcast_in_dim3A_36, %broadcast_in_dim3A_37 : vector<16xi1>, vector<16xi32>
    %sub3A_39 = arith.subi %get3A_30, %select_n3A_38 : vector<16xi32>
    %swap3A_40 = arith.constant 32 : index
    %swap3A_41 = tpu.vector_load %arg5[%swap3A_40] {strides = array<i32>} : memref<512xi32, #tpu.memory_space<vmem>>, vector<16xi32>,
    %swap3A_42 = vector.shape_cast %swap3A_41 : vector<16xi32> to vector<16xi32>
    %swap3A_43 = vector.shape_cast %sub3A_39 : vector<16xi32> to vector<16xi32>
    tpu.vector_store %arg5[%swap3A_40], %swap3A_43 {strides = array<i32>} : memref<512xi32, #tpu.memory_space<vmem>>, vector<16xi32>,
    %get3A_44 = arith.constant 48 : index
    %get3A_45 = tpu.vector_load %arg5[%get3A_44] {strides = array<i32>} : memref<512xi32, #tpu.memory_space<vmem>>, vector<16xi32>,
    %get3A_46 = vector.shape_cast %get3A_45 : vector<16xi32> to vector<16xi32>
    %ge3A_47 = arith.constant 50048 : i32
    %ge3A_48 = vector.broadcast %ge3A_47 : i32 to vector<16xi32>
    %ge3A_49 = arith.cmpi sge, %get3A_46, %ge3A_48 : vector<16xi32>
    %jit3A_50 = arith.constant 50048 : i32
    %jit3A_51 = arith.constant 0 : i32
    %broadcast_in_dim3A_52 = vector.broadcast %jit3A_50 : i32 to vector<16xi32>
    %broadcast_in_dim3A_53 = vector.broadcast %jit3A_51 : i32 to vector<16xi32>
    %select_n3A_54 = arith.select %ge3A_49, %broadcast_in_dim3A_52, %broadcast_in_dim3A_53 : vector<16xi1>, vector<16xi32>
    %sub3A_55 = arith.subi %get3A_46, %select_n3A_54 : vector<16xi32>
    %swap3A_56 = arith.constant 48 : index
    %swap3A_57 = tpu.vector_load %arg5[%swap3A_56] {strides = array<i32>} : memref<512xi32, #tpu.memory_space<vmem>>, vector<16xi32>,
    %swap3A_58 = vector.shape_cast %swap3A_57 : vector<16xi32> to vector<16xi32>
    %swap3A_59 = vector.shape_cast %sub3A_55 : vector<16xi32> to vector<16xi32>
    tpu.vector_store %arg5[%swap3A_56], %swap3A_59 {strides = array<i32>} : memref<512xi32, #tpu.memory_space<vmem>>, vector<16xi32>,
    %get3A_60 = arith.constant 64 : index
    %get3A_61 = tpu.vector_load %arg5[%get3A_60] {strides = array<i32>} : memref<512xi32, #tpu.memory_space<vmem>>, vector<16xi32>,
    %get3A_62 = vector.shape_cast %get3A_61 : vector<16xi32> to vector<16xi32>
    %ge3A_63 = arith.constant 50048 : i32
    %ge3A_64 = vector.broadcast %ge3A_63 : i32 to vector<16xi32>
    %ge3A_65 = arith.cmpi sge, %get3A_62, %ge3A_64 : vector<16xi32>
    %jit3A_66 = arith.constant 50048 : i32
    %jit3A_67 = arith.constant 0 : i32
    %broadcast_in_dim3A_68 = vector.broadcast %jit3A_66 : i32 to vector<16xi32>
    %broadcast_in_dim3A_69 = vector.broadcast %jit3A_67 : i32 to vector<16xi32>
    %select_n3A_70 = arith.select %ge3A_65, %broadcast_in_dim3A_68, %broadcast_in_dim3A_69 : vector<16xi1>, vector<16xi32>
    %sub3A_71 = arith.subi %get3A_62, %select_n3A_70 : vector<16xi32>
    %swap3A_72 = arith.constant 64 : index
    %swap3A_73 = tpu.vector_load %arg5[%swap3A_72] {strides = array<i32>} : memref<512xi32, #tpu.memory_space<vmem>>, vector<16xi32>,
    %swap3A_74 = vector.shape_cast %swap3A_73 : vector<16xi32> to vector<16xi32>
    %swap3A_75 = vector.shape_cast %sub3A_71 : vector<16xi32> to vector<16xi32>
    tpu.vector_store %arg5[%swap3A_72], %swap3A_75 {strides = array<i32>} : memref<512xi32, #tpu.memory_space<vmem>>, vector<16xi32>,
    %get3A_76 = arith.constant 80 : index
    %get3A_77 = tpu.vector_load %arg5[%get3A_76] {strides = array<i32>} : memref<512xi32, #tpu.memory_space<vmem>>, vector<16xi32>,
    %get3A_78 = vector.shape_cast %get3A_77 : vector<16xi32> to vector<16xi32>
    %ge3A_79 = arith.constant 50048 : i32
    %ge3A_80 = vector.broadcast %ge3A_79 : i32 to vector<16xi32>
    %ge3A_81 = arith.cmpi sge, %get3A_78, %ge3A_80 : vector<16xi32>
    %jit3A_82 = arith.constant 50048 : i32
    %jit3A_83 = arith.constant 0 : i32
    %broadcast_in_dim3A_84 = vector.broadcast %jit3A_82 : i32 to vector<16xi32>
    %broadcast_in_dim3A_85 = vector.broadcast %jit3A_83 : i32 to vector<16xi32>
    %select_n3A_86 = arith.select %ge3A_81, %broadcast_in_dim3A_84, %broadcast_in_dim3A_85 : vector<16xi1>, vector<16xi32>
    %sub3A_87 = arith.subi %get3A_78, %select_n3A_86 : vector<16xi32>
    %swap3A_88 = arith.constant 80 : index
    %swap3A_89 = tpu.vector_load %arg5[%swap3A_88] {strides = array<i32>} : memref<512xi32, #tpu.memory_space<vmem>>, vector<16xi32>,
    %swap3A_90 = vector.shape_cast %swap3A_89 : vector<16xi32> to vector<16xi32>
    %swap3A_91 = vector.shape_cast %sub3A_87 : vector<16xi32> to vector<16xi32>
    tpu.vector_store %arg5[%swap3A_88], %swap3A_91 {strides = array<i32>} : memref<512xi32, #tpu.memory_space<vmem>>, vector<16xi32>,
    %get3A_92 = arith.constant 96 : index
    %get3A_93 = tpu.vector_load %arg5[%get3A_92] {strides = array<i32>} : memref<512xi32, #tpu.memory_space<vmem>>, vector<16xi32>,
    %get3A_94 = vector.shape_cast %get3A_93 : vector<16xi32> to vector<16xi32>
    %ge3A_95 = arith.constant 50048 : i32
    %ge3A_96 = vector.broadcast %ge3A_95 : i32 to vector<16xi32>
    %ge3A_97 = arith.cmpi sge, %get3A_94, %ge3A_96 : vector<16xi32>
    %jit3A_98 = arith.constant 50048 : i32
    %jit3A_99 = arith.constant 0 : i32
    %broadcast_in_dim3A_100 = vector.broadcast %jit3A_98 : i32 to vector<16xi32>
    %broadcast_in_dim3A_101 = vector.broadcast %jit3A_99 : i32 to vector<16xi32>
    %select_n3A_102 = arith.select %ge3A_97, %broadcast_in_dim3A_100, %broadcast_in_dim3A_101 : vector<16xi1>, vector<16xi32>
    %sub3A_103 = arith.subi %get3A_94, %select_n3A_102 : vector<16xi32>
    %swap3A_104 = arith.constant 96 : index
    %swap3A_105 = tpu.vector_load %arg5[%swap3A_104] {strides = array<i32>} : memref<512xi32, #tpu.memory_space<vmem>>, vector<16xi32>,
    %swap3A_106 = vector.shape_cast %swap3A_105 : vector<16xi32> to vector<16xi32>
    %swap3A_107 = vector.shape_cast %sub3A_103 : vector<16xi32> to vector<16xi32>
    tpu.vector_store %arg5[%swap3A_104], %swap3A_107 {strides = array<i32>} : memref<512xi32, #tpu.memory_space<vmem>>, vector<16xi32>,
    %get3A_108 = arith.constant 112 : index
    %get3A_109 = tpu.vector_load %arg5[%get3A_108] {strides = array<i32>} : memref<512xi32, #tpu.memory_space<vmem>>, vector<16xi32>,
    %get3A_110 = vector.shape_cast %get3A_109 : vector<16xi32> to vector<16xi32>
    %ge3A_111 = arith.constant 50048 : i32
    %ge3A_112 = vector.broadcast %ge3A_111 : i32 to vector<16xi32>
    %ge3A_113 = arith.cmpi sge, %get3A_110, %ge3A_112 : vector<16xi32>
    %jit3A_114 = arith.constant 50048 : i32
    %jit3A_115 = arith.constant 0 : i32
    %broadcast_in_dim3A_116 = vector.broadcast %jit3A_114 : i32 to vector<16xi32>
    %broadcast_in_dim3A_117 = vector.broadcast %jit3A_115 : i32 to vector<16xi32>
    %select_n3A_118 = arith.select %ge3A_113, %broadcast_in_dim3A_116, %broadcast_in_dim3A_117 : vector<16xi1>, vector<16xi32>
    %sub3A_119 = arith.subi %get3A_110, %select_n3A_118 : vector<16xi32>
    %swap3A_120 = arith.constant 112 : index
    %swap3A_121 = tpu.vector_load %arg5[%swap3A_120] {strides = array<i32>} : memref<512xi32, #tpu.memory_space<vmem>>, vector<16xi32>,
    %swap3A_122 = vector.shape_cast %swap3A_121 : vector<16xi32> to vector<16xi32>
    %swap3A_123 = vector.shape_cast %sub3A_119 : vector<16xi32> to vector<16xi32>
    tpu.vector_store %arg5[%swap3A_120], %swap3A_123 {strides = array<i32>} : memref<512xi32, #tpu.memory_space<vmem>>, vector<16xi32>,
    %get3A_124 = arith.constant 128 : index
    %get3A_125 = tpu.vector_load %arg5[%get3A_124] {strides = array<i32>} : memref<512xi32, #tpu.memory_space<vmem>>, vector<16xi32>,
    %get3A_126 = vector.shape_cast %get3A_125 : vector<16xi32> to vector<16xi32>
    %ge3A_127 = arith.constant 50048 : i32
    %ge3A_128 = vector.broadcast %ge3A_127 : i32 to vector<16xi32>
    %ge3A_129 = arith.cmpi sge, %get3A_126, %ge3A_128 : vector<16xi32>
    %jit3A_130 = arith.constant 50048 : i32
    %jit3A_131 = arith.constant 0 : i32
    %broadcast_in_dim3A_132 = vector.broadcast %jit3A_130 : i32 to vector<16xi32>
    %broadcast_in_dim3A_133 = vector.broadcast %jit3A_131 : i32 to vector<16xi32>
    %select_n3A_134 = arith.select %ge3A_129, %broadcast_in_dim3A_132, %broadcast_in_dim3A_133 : vector<16xi1>, vector<16xi32>
    %sub3A_135 = arith.subi %get3A_126, %select_n3A_134 : vector<16xi32>
    %swap3A_136 = arith.constant 128 : index
    %swap3A_137 = tpu.vector_load %arg5[%swap3A_136] {strides = array<i32>} : memref<512xi32, #tpu.memory_space<vmem>>, vector<16xi32>,
    %swap3A_138 = vector.shape_cast %swap3A_137 : vector<16xi32> to vector<16xi32>
    %swap3A_139 = vector.shape_cast %sub3A_135 : vector<16xi32> to vector<16xi32>
    tpu.vector_store %arg5[%swap3A_136], %swap3A_139 {strides = array<i32>} : memref<512xi32, #tpu.memory_space<vmem>>, vector<16xi32>,
    %get3A_140 = arith.constant 144 : index
    %get3A_141 = tpu.vector_load %arg5[%get3A_140] {strides = array<i32>} : memref<512xi32, #tpu.memory_space<vmem>>, vector<16xi32>,
    %get3A_142 = vector.shape_cast %get3A_141 : vector<16xi32> to vector<16xi32>
    %ge3A_143 = arith.constant 50048 : i32
    %ge3A_144 = vector.broadcast %ge3A_143 : i32 to vector<16xi32>
    %ge3A_145 = arith.cmpi sge, %get3A_142, %ge3A_144 : vector<16xi32>
    %jit3A_146 = arith.constant 50048 : i32
    %jit3A_147 = arith.constant 0 : i32
    %broadcast_in_dim3A_148 = vector.broadcast %jit3A_146 : i32 to vector<16xi32>
    %broadcast_in_dim3A_149 = vector.broadcast %jit3A_147 : i32 to vector<16xi32>
    %select_n3A_150 = arith.select %ge3A_145, %broadcast_in_dim3A_148, %broadcast_in_dim3A_149 : vector<16xi1>, vector<16xi32>
    %sub3A_151 = arith.subi %get3A_142, %select_n3A_150 : vector<16xi32>
    %swap3A_152 = arith.constant 144 : index
    %swap3A_153 = tpu.vector_load %arg5[%swap3A_152] {strides = array<i32>} : memref<512xi32, #tpu.memory_space<vmem>>, vector<16xi32>,
    %swap3A_154 = vector.shape_cast %swap3A_153 : vector<16xi32> to vector<16xi32>
    %swap3A_155 = vector.shape_cast %sub3A_151 : vector<16xi32> to vector<16xi32>
    tpu.vector_store %arg5[%swap3A_152], %swap3A_155 {strides = array<i32>} : memref<512xi32, #tpu.memory_space<vmem>>, vector<16xi32>,
    %get3A_156 = arith.constant 160 : index
    %get3A_157 = tpu.vector_load %arg5[%get3A_156] {strides = array<i32>} : memref<512xi32, #tpu.memory_space<vmem>>, vector<16xi32>,
    %get3A_158 = vector.shape_cast %get3A_157 : vector<16xi32> to vector<16xi32>
    %ge3A_159 = arith.constant 50048 : i32
    %ge3A_160 = vector.broadcast %ge3A_159 : i32 to vector<16xi32>
    %ge3A_161 = arith.cmpi sge, %get3A_158, %ge3A_160 : vector<16xi32>
    %jit3A_162 = arith.constant 50048 : i32
    %jit3A_163 = arith.constant 0 : i32
    %broadcast_in_dim3A_164 = vector.broadcast %jit3A_162 : i32 to vector<16xi32>
    %broadcast_in_dim3A_165 = vector.broadcast %jit3A_163 : i32 to vector<16xi32>
    %select_n3A_166 = arith.select %ge3A_161, %broadcast_in_dim3A_164, %broadcast_in_dim3A_165 : vector<16xi1>, vector<16xi32>
    %sub3A_167 = arith.subi %get3A_158, %select_n3A_166 : vector<16xi32>
    %swap3A_168 = arith.constant 160 : index
    %swap3A_169 = tpu.vector_load %arg5[%swap3A_168] {strides = array<i32>} : memref<512xi32, #tpu.memory_space<vmem>>, vector<16xi32>,
    %swap3A_170 = vector.shape_cast %swap3A_169 : vector<16xi32> to vector<16xi32>
    %swap3A_171 = vector.shape_cast %sub3A_167 : vector<16xi32> to vector<16xi32>
    tpu.vector_store %arg5[%swap3A_168], %swap3A_171 {strides = array<i32>} : memref<512xi32, #tpu.memory_space<vmem>>, vector<16xi32>,
    %get3A_172 = arith.constant 176 : index
    %get3A_173 = tpu.vector_load %arg5[%get3A_172] {strides = array<i32>} : memref<512xi32, #tpu.memory_space<vmem>>, vector<16xi32>,
    %get3A_174 = vector.shape_cast %get3A_173 : vector<16xi32> to vector<16xi32>
    %ge3A_175 = arith.constant 50048 : i32
    %ge3A_176 = vector.broadcast %ge3A_175 : i32 to vector<16xi32>
    %ge3A_177 = arith.cmpi sge, %get3A_174, %ge3A_176 : vector<16xi32>
    %jit3A_178 = arith.constant 50048 : i32
    %jit3A_179 = arith.constant 0 : i32
    %broadcast_in_dim3A_180 = vector.broadcast %jit3A_178 : i32 to vector<16xi32>
    %broadcast_in_dim3A_181 = vector.broadcast %jit3A_179 : i32 to vector<16xi32>
    %select_n3A_182 = arith.select %ge3A_177, %broadcast_in_dim3A_180, %broadcast_in_dim3A_181 : vector<16xi1>, vector<16xi32>
    %sub3A_183 = arith.subi %get3A_174, %select_n3A_182 : vector<16xi32>
    %swap3A_184 = arith.constant 176 : index
    %swap3A_185 = tpu.vector_load %arg5[%swap3A_184] {strides = array<i32>} : memref<512xi32, #tpu.memory_space<vmem>>, vector<16xi32>,
    %swap3A_186 = vector.shape_cast %swap3A_185 : vector<16xi32> to vector<16xi32>
    %swap3A_187 = vector.shape_cast %sub3A_183 : vector<16xi32> to vector<16xi32>
    tpu.vector_store %arg5[%swap3A_184], %swap3A_187 {strides = array<i32>} : memref<512xi32, #tpu.memory_space<vmem>>, vector<16xi32>,
    %get3A_188 = arith.constant 192 : index
    %get3A_189 = tpu.vector_load %arg5[%get3A_188] {strides = array<i32>} : memref<512xi32, #tpu.memory_space<vmem>>, vector<16xi32>,
    %get3A_190 = vector.shape_cast %get3A_189 : vector<16xi32> to vector<16xi32>
    %ge3A_191 = arith.constant 50048 : i32
    %ge3A_192 = vector.broadcast %ge3A_191 : i32 to vector<16xi32>
    %ge3A_193 = arith.cmpi sge, %get3A_190, %ge3A_192 : vector<16xi32>
    %jit3A_194 = arith.constant 50048 : i32
    %jit3A_195 = arith.constant 0 : i32
    %broadcast_in_dim3A_196 = vector.broadcast %jit3A_194 : i32 to vector<16xi32>
    %broadcast_in_dim3A_197 = vector.broadcast %jit3A_195 : i32 to vector<16xi32>
    %select_n3A_198 = arith.select %ge3A_193, %broadcast_in_dim3A_196, %broadcast_in_dim3A_197 : vector<16xi1>, vector<16xi32>
    %sub3A_199 = arith.subi %get3A_190, %select_n3A_198 : vector<16xi32>
    %swap3A_200 = arith.constant 192 : index
    %swap3A_201 = tpu.vector_load %arg5[%swap3A_200] {strides = array<i32>} : memref<512xi32, #tpu.memory_space<vmem>>, vector<16xi32>,
    %swap3A_202 = vector.shape_cast %swap3A_201 : vector<16xi32> to vector<16xi32>
    %swap3A_203 = vector.shape_cast %sub3A_199 : vector<16xi32> to vector<16xi32>
    tpu.vector_store %arg5[%swap3A_200], %swap3A_203 {strides = array<i32>} : memref<512xi32, #tpu.memory_space<vmem>>, vector<16xi32>,
    %get3A_204 = arith.constant 208 : index
    %get3A_205 = tpu.vector_load %arg5[%get3A_204] {strides = array<i32>} : memref<512xi32, #tpu.memory_space<vmem>>, vector<16xi32>,
    %get3A_206 = vector.shape_cast %get3A_205 : vector<16xi32> to vector<16xi32>
    %ge3A_207 = arith.constant 50048 : i32
    %ge3A_208 = vector.broadcast %ge3A_207 : i32 to vector<16xi32>
    %ge3A_209 = arith.cmpi sge, %get3A_206, %ge3A_208 : vector<16xi32>
    %jit3A_210 = arith.constant 50048 : i32
    %jit3A_211 = arith.constant 0 : i32
    %broadcast_in_dim3A_212 = vector.broadcast %jit3A_210 : i32 to vector<16xi32>
    %broadcast_in_dim3A_213 = vector.broadcast %jit3A_211 : i32 to vector<16xi32>
    %select_n3A_214 = arith.select %ge3A_209, %broadcast_in_dim3A_212, %broadcast_in_dim3A_213 : vector<16xi1>, vector<16xi32>
    %sub3A_215 = arith.subi %get3A_206, %select_n3A_214 : vector<16xi32>
    %swap3A_216 = arith.constant 208 : index
    %swap3A_217 = tpu.vector_load %arg5[%swap3A_216] {strides = array<i32>} : memref<512xi32, #tpu.memory_space<vmem>>, vector<16xi32>,
    %swap3A_218 = vector.shape_cast %swap3A_217 : vector<16xi32> to vector<16xi32>
    %swap3A_219 = vector.shape_cast %sub3A_215 : vector<16xi32> to vector<16xi32>
    tpu.vector_store %arg5[%swap3A_216], %swap3A_219 {strides = array<i32>} : memref<512xi32, #tpu.memory_space<vmem>>, vector<16xi32>,
    %get3A_220 = arith.constant 224 : index
    %get3A_221 = tpu.vector_load %arg5[%get3A_220] {strides = array<i32>} : memref<512xi32, #tpu.memory_space<vmem>>, vector<16xi32>,
    %get3A_222 = vector.shape_cast %get3A_221 : vector<16xi32> to vector<16xi32>
    %ge3A_223 = arith.constant 50048 : i32
    %ge3A_224 = vector.broadcast %ge3A_223 : i32 to vector<16xi32>
    %ge3A_225 = arith.cmpi sge, %get3A_222, %ge3A_224 : vector<16xi32>
    %jit3A_226 = arith.constant 50048 : i32
    %jit3A_227 = arith.constant 0 : i32
    %broadcast_in_dim3A_228 = vector.broadcast %jit3A_226 : i32 to vector<16xi32>
    %broadcast_in_dim3A_229 = vector.broadcast %jit3A_227 : i32 to vector<16xi32>
    %select_n3A_230 = arith.select %ge3A_225, %broadcast_in_dim3A_228, %broadcast_in_dim3A_229 : vector<16xi1>, vector<16xi32>
    %sub3A_231 = arith.subi %get3A_222, %select_n3A_230 : vector<16xi32>
    %swap3A_232 = arith.constant 224 : index
    %swap3A_233 = tpu.vector_load %arg5[%swap3A_232] {strides = array<i32>} : memref<512xi32, #tpu.memory_space<vmem>>, vector<16xi32>,
    %swap3A_234 = vector.shape_cast %swap3A_233 : vector<16xi32> to vector<16xi32>
    %swap3A_235 = vector.shape_cast %sub3A_231 : vector<16xi32> to vector<16xi32>
    tpu.vector_store %arg5[%swap3A_232], %swap3A_235 {strides = array<i32>} : memref<512xi32, #tpu.memory_space<vmem>>, vector<16xi32>,
    %get3A_236 = arith.constant 240 : index
    %get3A_237 = tpu.vector_load %arg5[%get3A_236] {strides = array<i32>} : memref<512xi32, #tpu.memory_space<vmem>>, vector<16xi32>,
    %get3A_238 = vector.shape_cast %get3A_237 : vector<16xi32> to vector<16xi32>
    %ge3A_239 = arith.constant 50048 : i32
    %ge3A_240 = vector.broadcast %ge3A_239 : i32 to vector<16xi32>
    %ge3A_241 = arith.cmpi sge, %get3A_238, %ge3A_240 : vector<16xi32>
    %jit3A_242 = arith.constant 50048 : i32
    %jit3A_243 = arith.constant 0 : i32
    %broadcast_in_dim3A_244 = vector.broadcast %jit3A_242 : i32 to vector<16xi32>
    %broadcast_in_dim3A_245 = vector.broadcast %jit3A_243 : i32 to vector<16xi32>
    %select_n3A_246 = arith.select %ge3A_241, %broadcast_in_dim3A_244, %broadcast_in_dim3A_245 : vector<16xi1>, vector<16xi32>
    %sub3A_247 = arith.subi %get3A_238, %select_n3A_246 : vector<16xi32>
    %swap3A_248 = arith.constant 240 : index
    %swap3A_249 = tpu.vector_load %arg5[%swap3A_248] {strides = array<i32>} : memref<512xi32, #tpu.memory_space<vmem>>, vector<16xi32>,
    %swap3A_250 = vector.shape_cast %swap3A_249 : vector<16xi32> to vector<16xi32>
    %swap3A_251 = vector.shape_cast %sub3A_247 : vector<16xi32> to vector<16xi32>
    tpu.vector_store %arg5[%swap3A_248], %swap3A_251 {strides = array<i32>} : memref<512xi32, #tpu.memory_space<vmem>>, vector<16xi32>,
    %get3A_252 = arith.constant 256 : index
    %get3A_253 = tpu.vector_load %arg5[%get3A_252] {strides = array<i32>} : memref<512xi32, #tpu.memory_space<vmem>>, vector<16xi32>,
    %get3A_254 = vector.shape_cast %get3A_253 : vector<16xi32> to vector<16xi32>
    %ge3A_255 = arith.constant 50048 : i32
    %ge3A_256 = vector.broadcast %ge3A_255 : i32 to vector<16xi32>
    %ge3A_257 = arith.cmpi sge, %get3A_254, %ge3A_256 : vector<16xi32>
    %jit3A_258 = arith.constant 50048 : i32
    %jit3A_259 = arith.constant 0 : i32
    %broadcast_in_dim3A_260 = vector.broadcast %jit3A_258 : i32 to vector<16xi32>
    %broadcast_in_dim3A_261 = vector.broadcast %jit3A_259 : i32 to vector<16xi32>
    %select_n3A_262 = arith.select %ge3A_257, %broadcast_in_dim3A_260, %broadcast_in_dim3A_261 : vector<16xi1>, vector<16xi32>
    %sub3A_263 = arith.subi %get3A_254, %select_n3A_262 : vector<16xi32>
    %swap3A_264 = arith.constant 256 : index
    %swap3A_265 = tpu.vector_load %arg5[%swap3A_264] {strides = array<i32>} : memref<512xi32, #tpu.memory_space<vmem>>, vector<16xi32>,
    %swap3A_266 = vector.shape_cast %swap3A_265 : vector<16xi32> to vector<16xi32>
    %swap3A_267 = vector.shape_cast %sub3A_263 : vector<16xi32> to vector<16xi32>
    tpu.vector_store %arg5[%swap3A_264], %swap3A_267 {strides = array<i32>} : memref<512xi32, #tpu.memory_space<vmem>>, vector<16xi32>,
    %get3A_268 = arith.constant 272 : index
    %get3A_269 = tpu.vector_load %arg5[%get3A_268] {strides = array<i32>} : memref<512xi32, #tpu.memory_space<vmem>>, vector<16xi32>,
    %get3A_270 = vector.shape_cast %get3A_269 : vector<16xi32> to vector<16xi32>
    %ge3A_271 = arith.constant 50048 : i32
    %ge3A_272 = vector.broadcast %ge3A_271 : i32 to vector<16xi32>
    %ge3A_273 = arith.cmpi sge, %get3A_270, %ge3A_272 : vector<16xi32>
    %jit3A_274 = arith.constant 50048 : i32
    %jit3A_275 = arith.constant 0 : i32
    %broadcast_in_dim3A_276 = vector.broadcast %jit3A_274 : i32 to vector<16xi32>
    %broadcast_in_dim3A_277 = vector.broadcast %jit3A_275 : i32 to vector<16xi32>
    %select_n3A_278 = arith.select %ge3A_273, %broadcast_in_dim3A_276, %broadcast_in_dim3A_277 : vector<16xi1>, vector<16xi32>
    %sub3A_279 = arith.subi %get3A_270, %select_n3A_278 : vector<16xi32>
    %swap3A_280 = arith.constant 272 : index
    %swap3A_281 = tpu.vector_load %arg5[%swap3A_280] {strides = array<i32>} : memref<512xi32, #tpu.memory_space<vmem>>, vector<16xi32>,
    %swap3A_282 = vector.shape_cast %swap3A_281 : vector<16xi32> to vector<16xi32>
    %swap3A_283 = vector.shape_cast %sub3A_279 : vector<16xi32> to vector<16xi32>
    tpu.vector_store %arg5[%swap3A_280], %swap3A_283 {strides = array<i32>} : memref<512xi32, #tpu.memory_space<vmem>>, vector<16xi32>,
    %get3A_284 = arith.constant 288 : index
    %get3A_285 = tpu.vector_load %arg5[%get3A_284] {strides = array<i32>} : memref<512xi32, #tpu.memory_space<vmem>>, vector<16xi32>,
    %get3A_286 = vector.shape_cast %get3A_285 : vector<16xi32> to vector<16xi32>
    %ge3A_287 = arith.constant 50048 : i32
    %ge3A_288 = vector.broadcast %ge3A_287 : i32 to vector<16xi32>
    %ge3A_289 = arith.cmpi sge, %get3A_286, %ge3A_288 : vector<16xi32>
    %jit3A_290 = arith.constant 50048 : i32
    %jit3A_291 = arith.constant 0 : i32
    %broadcast_in_dim3A_292 = vector.broadcast %jit3A_290 : i32 to vector<16xi32>
    %broadcast_in_dim3A_293 = vector.broadcast %jit3A_291 : i32 to vector<16xi32>
    %select_n3A_294 = arith.select %ge3A_289, %broadcast_in_dim3A_292, %broadcast_in_dim3A_293 : vector<16xi1>, vector<16xi32>
    %sub3A_295 = arith.subi %get3A_286, %select_n3A_294 : vector<16xi32>
    %swap3A_296 = arith.constant 288 : index
    %swap3A_297 = tpu.vector_load %arg5[%swap3A_296] {strides = array<i32>} : memref<512xi32, #tpu.memory_space<vmem>>, vector<16xi32>,
    %swap3A_298 = vector.shape_cast %swap3A_297 : vector<16xi32> to vector<16xi32>
    %swap3A_299 = vector.shape_cast %sub3A_295 : vector<16xi32> to vector<16xi32>
    tpu.vector_store %arg5[%swap3A_296], %swap3A_299 {strides = array<i32>} : memref<512xi32, #tpu.memory_space<vmem>>, vector<16xi32>,
    %get3A_300 = arith.constant 304 : index
    %get3A_301 = tpu.vector_load %arg5[%get3A_300] {strides = array<i32>} : memref<512xi32, #tpu.memory_space<vmem>>, vector<16xi32>,
    %get3A_302 = vector.shape_cast %get3A_301 : vector<16xi32> to vector<16xi32>
    %ge3A_303 = arith.constant 50048 : i32
    %ge3A_304 = vector.broadcast %ge3A_303 : i32 to vector<16xi32>
    %ge3A_305 = arith.cmpi sge, %get3A_302, %ge3A_304 : vector<16xi32>
    %jit3A_306 = arith.constant 50048 : i32
    %jit3A_307 = arith.constant 0 : i32
    %broadcast_in_dim3A_308 = vector.broadcast %jit3A_306 : i32 to vector<16xi32>
    %broadcast_in_dim3A_309 = vector.broadcast %jit3A_307 : i32 to vector<16xi32>
    %select_n3A_310 = arith.select %ge3A_305, %broadcast_in_dim3A_308, %broadcast_in_dim3A_309 : vector<16xi1>, vector<16xi32>
    %sub3A_311 = arith.subi %get3A_302, %select_n3A_310 : vector<16xi32>
    %swap3A_312 = arith.constant 304 : index
    %swap3A_313 = tpu.vector_load %arg5[%swap3A_312] {strides = array<i32>} : memref<512xi32, #tpu.memory_space<vmem>>, vector<16xi32>,
    %swap3A_314 = vector.shape_cast %swap3A_313 : vector<16xi32> to vector<16xi32>
    %swap3A_315 = vector.shape_cast %sub3A_311 : vector<16xi32> to vector<16xi32>
    tpu.vector_store %arg5[%swap3A_312], %swap3A_315 {strides = array<i32>} : memref<512xi32, #tpu.memory_space<vmem>>, vector<16xi32>,
    %get3A_316 = arith.constant 320 : index
    %get3A_317 = tpu.vector_load %arg5[%get3A_316] {strides = array<i32>} : memref<512xi32, #tpu.memory_space<vmem>>, vector<16xi32>,
    %get3A_318 = vector.shape_cast %get3A_317 : vector<16xi32> to vector<16xi32>
    %ge3A_319 = arith.constant 50048 : i32
    %ge3A_320 = vector.broadcast %ge3A_319 : i32 to vector<16xi32>
    %ge3A_321 = arith.cmpi sge, %get3A_318, %ge3A_320 : vector<16xi32>
    %jit3A_322 = arith.constant 50048 : i32
    %jit3A_323 = arith.constant 0 : i32
    %broadcast_in_dim3A_324 = vector.broadcast %jit3A_322 : i32 to vector<16xi32>
    %broadcast_in_dim3A_325 = vector.broadcast %jit3A_323 : i32 to vector<16xi32>
    %select_n3A_326 = arith.select %ge3A_321, %broadcast_in_dim3A_324, %broadcast_in_dim3A_325 : vector<16xi1>, vector<16xi32>
    %sub3A_327 = arith.subi %get3A_318, %select_n3A_326 : vector<16xi32>
    %swap3A_328 = arith.constant 320 : index
    %swap3A_329 = tpu.vector_load %arg5[%swap3A_328] {strides = array<i32>} : memref<512xi32, #tpu.memory_space<vmem>>, vector<16xi32>,
    %swap3A_330 = vector.shape_cast %swap3A_329 : vector<16xi32> to vector<16xi32>
    %swap3A_331 = vector.shape_cast %sub3A_327 : vector<16xi32> to vector<16xi32>
    tpu.vector_store %arg5[%swap3A_328], %swap3A_331 {strides = array<i32>} : memref<512xi32, #tpu.memory_space<vmem>>, vector<16xi32>,
    %get3A_332 = arith.constant 336 : index
    %get3A_333 = tpu.vector_load %arg5[%get3A_332] {strides = array<i32>} : memref<512xi32, #tpu.memory_space<vmem>>, vector<16xi32>,
    %get3A_334 = vector.shape_cast %get3A_333 : vector<16xi32> to vector<16xi32>
    %ge3A_335 = arith.constant 50048 : i32
    %ge3A_336 = vector.broadcast %ge3A_335 : i32 to vector<16xi32>
    %ge3A_337 = arith.cmpi sge, %get3A_334, %ge3A_336 : vector<16xi32>
    %jit3A_338 = arith.constant 50048 : i32
    %jit3A_339 = arith.constant 0 : i32
    %broadcast_in_dim3A_340 = vector.broadcast %jit3A_338 : i32 to vector<16xi32>
    %broadcast_in_dim3A_341 = vector.broadcast %jit3A_339 : i32 to vector<16xi32>
    %select_n3A_342 = arith.select %ge3A_337, %broadcast_in_dim3A_340, %broadcast_in_dim3A_341 : vector<16xi1>, vector<16xi32>
    %sub3A_343 = arith.subi %get3A_334, %select_n3A_342 : vector<16xi32>
    %swap3A_344 = arith.constant 336 : index
    %swap3A_345 = tpu.vector_load %arg5[%swap3A_344] {strides = array<i32>} : memref<512xi32, #tpu.memory_space<vmem>>, vector<16xi32>,
    %swap3A_346 = vector.shape_cast %swap3A_345 : vector<16xi32> to vector<16xi32>
    %swap3A_347 = vector.shape_cast %sub3A_343 : vector<16xi32> to vector<16xi32>
    tpu.vector_store %arg5[%swap3A_344], %swap3A_347 {strides = array<i32>} : memref<512xi32, #tpu.memory_space<vmem>>, vector<16xi32>,
    %get3A_348 = arith.constant 352 : index
    %get3A_349 = tpu.vector_load %arg5[%get3A_348] {strides = array<i32>} : memref<512xi32, #tpu.memory_space<vmem>>, vector<16xi32>,
    %get3A_350 = vector.shape_cast %get3A_349 : vector<16xi32> to vector<16xi32>
    %ge3A_351 = arith.constant 50048 : i32
    %ge3A_352 = vector.broadcast %ge3A_351 : i32 to vector<16xi32>
    %ge3A_353 = arith.cmpi sge, %get3A_350, %ge3A_352 : vector<16xi32>
    %jit3A_354 = arith.constant 50048 : i32
    %jit3A_355 = arith.constant 0 : i32
    %broadcast_in_dim3A_356 = vector.broadcast %jit3A_354 : i32 to vector<16xi32>
    %broadcast_in_dim3A_357 = vector.broadcast %jit3A_355 : i32 to vector<16xi32>
    %select_n3A_358 = arith.select %ge3A_353, %broadcast_in_dim3A_356, %broadcast_in_dim3A_357 : vector<16xi1>, vector<16xi32>
    %sub3A_359 = arith.subi %get3A_350, %select_n3A_358 : vector<16xi32>
    %swap3A_360 = arith.constant 352 : index
    %swap3A_361 = tpu.vector_load %arg5[%swap3A_360] {strides = array<i32>} : memref<512xi32, #tpu.memory_space<vmem>>, vector<16xi32>,
    %swap3A_362 = vector.shape_cast %swap3A_361 : vector<16xi32> to vector<16xi32>
    %swap3A_363 = vector.shape_cast %sub3A_359 : vector<16xi32> to vector<16xi32>
    tpu.vector_store %arg5[%swap3A_360], %swap3A_363 {strides = array<i32>} : memref<512xi32, #tpu.memory_space<vmem>>, vector<16xi32>,
    %get3A_364 = arith.constant 368 : index
    %get3A_365 = tpu.vector_load %arg5[%get3A_364] {strides = array<i32>} : memref<512xi32, #tpu.memory_space<vmem>>, vector<16xi32>,
    %get3A_366 = vector.shape_cast %get3A_365 : vector<16xi32> to vector<16xi32>
    %ge3A_367 = arith.constant 50048 : i32
    %ge3A_368 = vector.broadcast %ge3A_367 : i32 to vector<16xi32>
    %ge3A_369 = arith.cmpi sge, %get3A_366, %ge3A_368 : vector<16xi32>
    %jit3A_370 = arith.constant 50048 : i32
    %jit3A_371 = arith.constant 0 : i32
    %broadcast_in_dim3A_372 = vector.broadcast %jit3A_370 : i32 to vector<16xi32>
    %broadcast_in_dim3A_373 = vector.broadcast %jit3A_371 : i32 to vector<16xi32>
    %select_n3A_374 = arith.select %ge3A_369, %broadcast_in_dim3A_372, %broadcast_in_dim3A_373 : vector<16xi1>, vector<16xi32>
    %sub3A_375 = arith.subi %get3A_366, %select_n3A_374 : vector<16xi32>
    %swap3A_376 = arith.constant 368 : index
    %swap3A_377 = tpu.vector_load %arg5[%swap3A_376] {strides = array<i32>} : memref<512xi32, #tpu.memory_space<vmem>>, vector<16xi32>,
    %swap3A_378 = vector.shape_cast %swap3A_377 : vector<16xi32> to vector<16xi32>
    %swap3A_379 = vector.shape_cast %sub3A_375 : vector<16xi32> to vector<16xi32>
    tpu.vector_store %arg5[%swap3A_376], %swap3A_379 {strides = array<i32>} : memref<512xi32, #tpu.memory_space<vmem>>, vector<16xi32>,
    %get3A_380 = arith.constant 384 : index
    %get3A_381 = tpu.vector_load %arg5[%get3A_380] {strides = array<i32>} : memref<512xi32, #tpu.memory_space<vmem>>, vector<16xi32>,
    %get3A_382 = vector.shape_cast %get3A_381 : vector<16xi32> to vector<16xi32>
    %ge3A_383 = arith.constant 50048 : i32
    %ge3A_384 = vector.broadcast %ge3A_383 : i32 to vector<16xi32>
    %ge3A_385 = arith.cmpi sge, %get3A_382, %ge3A_384 : vector<16xi32>
    %jit3A_386 = arith.constant 50048 : i32
    %jit3A_387 = arith.constant 0 : i32
    %broadcast_in_dim3A_388 = vector.broadcast %jit3A_386 : i32 to vector<16xi32>
    %broadcast_in_dim3A_389 = vector.broadcast %jit3A_387 : i32 to vector<16xi32>
    %select_n3A_390 = arith.select %ge3A_385, %broadcast_in_dim3A_388, %broadcast_in_dim3A_389 : vector<16xi1>, vector<16xi32>
    %sub3A_391 = arith.subi %get3A_382, %select_n3A_390 : vector<16xi32>
    %swap3A_392 = arith.constant 384 : index
    %swap3A_393 = tpu.vector_load %arg5[%swap3A_392] {strides = array<i32>} : memref<512xi32, #tpu.memory_space<vmem>>, vector<16xi32>,
    %swap3A_394 = vector.shape_cast %swap3A_393 : vector<16xi32> to vector<16xi32>
    %swap3A_395 = vector.shape_cast %sub3A_391 : vector<16xi32> to vector<16xi32>
    tpu.vector_store %arg5[%swap3A_392], %swap3A_395 {strides = array<i32>} : memref<512xi32, #tpu.memory_space<vmem>>, vector<16xi32>,
    %get3A_396 = arith.constant 400 : index
    %get3A_397 = tpu.vector_load %arg5[%get3A_396] {strides = array<i32>} : memref<512xi32, #tpu.memory_space<vmem>>, vector<16xi32>,
    %get3A_398 = vector.shape_cast %get3A_397 : vector<16xi32> to vector<16xi32>
    %ge3A_399 = arith.constant 50048 : i32
    %ge3A_400 = vector.broadcast %ge3A_399 : i32 to vector<16xi32>
    %ge3A_401 = arith.cmpi sge, %get3A_398, %ge3A_400 : vector<16xi32>
    %jit3A_402 = arith.constant 50048 : i32
    %jit3A_403 = arith.constant 0 : i32
    %broadcast_in_dim3A_404 = vector.broadcast %jit3A_402 : i32 to vector<16xi32>
    %broadcast_in_dim3A_405 = vector.broadcast %jit3A_403 : i32 to vector<16xi32>
    %select_n3A_406 = arith.select %ge3A_401, %broadcast_in_dim3A_404, %broadcast_in_dim3A_405 : vector<16xi1>, vector<16xi32>
    %sub3A_407 = arith.subi %get3A_398, %select_n3A_406 : vector<16xi32>
    %swap3A_408 = arith.constant 400 : index
    %swap3A_409 = tpu.vector_load %arg5[%swap3A_408] {strides = array<i32>} : memref<512xi32, #tpu.memory_space<vmem>>, vector<16xi32>,
    %swap3A_410 = vector.shape_cast %swap3A_409 : vector<16xi32> to vector<16xi32>
    %swap3A_411 = vector.shape_cast %sub3A_407 : vector<16xi32> to vector<16xi32>
    tpu.vector_store %arg5[%swap3A_408], %swap3A_411 {strides = array<i32>} : memref<512xi32, #tpu.memory_space<vmem>>, vector<16xi32>,
    %get3A_412 = arith.constant 416 : index
    %get3A_413 = tpu.vector_load %arg5[%get3A_412] {strides = array<i32>} : memref<512xi32, #tpu.memory_space<vmem>>, vector<16xi32>,
    %get3A_414 = vector.shape_cast %get3A_413 : vector<16xi32> to vector<16xi32>
    %ge3A_415 = arith.constant 50048 : i32
    %ge3A_416 = vector.broadcast %ge3A_415 : i32 to vector<16xi32>
    %ge3A_417 = arith.cmpi sge, %get3A_414, %ge3A_416 : vector<16xi32>
    %jit3A_418 = arith.constant 50048 : i32
    %jit3A_419 = arith.constant 0 : i32
    %broadcast_in_dim3A_420 = vector.broadcast %jit3A_418 : i32 to vector<16xi32>
    %broadcast_in_dim3A_421 = vector.broadcast %jit3A_419 : i32 to vector<16xi32>
    %select_n3A_422 = arith.select %ge3A_417, %broadcast_in_dim3A_420, %broadcast_in_dim3A_421 : vector<16xi1>, vector<16xi32>
    %sub3A_423 = arith.subi %get3A_414, %select_n3A_422 : vector<16xi32>
    %swap3A_424 = arith.constant 416 : index
    %swap3A_425 = tpu.vector_load %arg5[%swap3A_424] {strides = array<i32>} : memref<512xi32, #tpu.memory_space<vmem>>, vector<16xi32>,
    %swap3A_426 = vector.shape_cast %swap3A_425 : vector<16xi32> to vector<16xi32>
    %swap3A_427 = vector.shape_cast %sub3A_423 : vector<16xi32> to vector<16xi32>
    tpu.vector_store %arg5[%swap3A_424], %swap3A_427 {strides = array<i32>} : memref<512xi32, #tpu.memory_space<vmem>>, vector<16xi32>,
    %get3A_428 = arith.constant 432 : index
    %get3A_429 = tpu.vector_load %arg5[%get3A_428] {strides = array<i32>} : memref<512xi32, #tpu.memory_space<vmem>>, vector<16xi32>,
    %get3A_430 = vector.shape_cast %get3A_429 : vector<16xi32> to vector<16xi32>
    %ge3A_431 = arith.constant 50048 : i32
    %ge3A_432 = vector.broadcast %ge3A_431 : i32 to vector<16xi32>
    %ge3A_433 = arith.cmpi sge, %get3A_430, %ge3A_432 : vector<16xi32>
    %jit3A_434 = arith.constant 50048 : i32
    %jit3A_435 = arith.constant 0 : i32
    %broadcast_in_dim3A_436 = vector.broadcast %jit3A_434 : i32 to vector<16xi32>
    %broadcast_in_dim3A_437 = vector.broadcast %jit3A_435 : i32 to vector<16xi32>
    %select_n3A_438 = arith.select %ge3A_433, %broadcast_in_dim3A_436, %broadcast_in_dim3A_437 : vector<16xi1>, vector<16xi32>
    %sub3A_439 = arith.subi %get3A_430, %select_n3A_438 : vector<16xi32>
    %swap3A_440 = arith.constant 432 : index
    %swap3A_441 = tpu.vector_load %arg5[%swap3A_440] {strides = array<i32>} : memref<512xi32, #tpu.memory_space<vmem>>, vector<16xi32>,
    %swap3A_442 = vector.shape_cast %swap3A_441 : vector<16xi32> to vector<16xi32>
    %swap3A_443 = vector.shape_cast %sub3A_439 : vector<16xi32> to vector<16xi32>
    tpu.vector_store %arg5[%swap3A_440], %swap3A_443 {strides = array<i32>} : memref<512xi32, #tpu.memory_space<vmem>>, vector<16xi32>,
    %get3A_444 = arith.constant 448 : index
    %get3A_445 = tpu.vector_load %arg5[%get3A_444] {strides = array<i32>} : memref<512xi32, #tpu.memory_space<vmem>>, vector<16xi32>,
    %get3A_446 = vector.shape_cast %get3A_445 : vector<16xi32> to vector<16xi32>
    %ge3A_447 = arith.constant 50048 : i32
    %ge3A_448 = vector.broadcast %ge3A_447 : i32 to vector<16xi32>
    %ge3A_449 = arith.cmpi sge, %get3A_446, %ge3A_448 : vector<16xi32>
    %jit3A_450 = arith.constant 50048 : i32
    %jit3A_451 = arith.constant 0 : i32
    %broadcast_in_dim3A_452 = vector.broadcast %jit3A_450 : i32 to vector<16xi32>
    %broadcast_in_dim3A_453 = vector.broadcast %jit3A_451 : i32 to vector<16xi32>
    %select_n3A_454 = arith.select %ge3A_449, %broadcast_in_dim3A_452, %broadcast_in_dim3A_453 : vector<16xi1>, vector<16xi32>
    %sub3A_455 = arith.subi %get3A_446, %select_n3A_454 : vector<16xi32>
    %swap3A_456 = arith.constant 448 : index
    %swap3A_457 = tpu.vector_load %arg5[%swap3A_456] {strides = array<i32>} : memref<512xi32, #tpu.memory_space<vmem>>, vector<16xi32>,
    %swap3A_458 = vector.shape_cast %swap3A_457 : vector<16xi32> to vector<16xi32>
    %swap3A_459 = vector.shape_cast %sub3A_455 : vector<16xi32> to vector<16xi32>
    tpu.vector_store %arg5[%swap3A_456], %swap3A_459 {strides = array<i32>} : memref<512xi32, #tpu.memory_space<vmem>>, vector<16xi32>,
    %get3A_460 = arith.constant 464 : index
    %get3A_461 = tpu.vector_load %arg5[%get3A_460] {strides = array<i32>} : memref<512xi32, #tpu.memory_space<vmem>>, vector<16xi32>,
    %get3A_462 = vector.shape_cast %get3A_461 : vector<16xi32> to vector<16xi32>
    %ge3A_463 = arith.constant 50048 : i32
    %ge3A_464 = vector.broadcast %ge3A_463 : i32 to vector<16xi32>
    %ge3A_465 = arith.cmpi sge, %get3A_462, %ge3A_464 : vector<16xi32>
    %jit3A_466 = arith.constant 50048 : i32
    %jit3A_467 = arith.constant 0 : i32
    %broadcast_in_dim3A_468 = vector.broadcast %jit3A_466 : i32 to vector<16xi32>
    %broadcast_in_dim3A_469 = vector.broadcast %jit3A_467 : i32 to vector<16xi32>
    %select_n3A_470 = arith.select %ge3A_465, %broadcast_in_dim3A_468, %broadcast_in_dim3A_469 : vector<16xi1>, vector<16xi32>
    %sub3A_471 = arith.subi %get3A_462, %select_n3A_470 : vector<16xi32>
    %swap3A_472 = arith.constant 464 : index
    %swap3A_473 = tpu.vector_load %arg5[%swap3A_472] {strides = array<i32>} : memref<512xi32, #tpu.memory_space<vmem>>, vector<16xi32>,
    %swap3A_474 = vector.shape_cast %swap3A_473 : vector<16xi32> to vector<16xi32>
    %swap3A_475 = vector.shape_cast %sub3A_471 : vector<16xi32> to vector<16xi32>
    tpu.vector_store %arg5[%swap3A_472], %swap3A_475 {strides = array<i32>} : memref<512xi32, #tpu.memory_space<vmem>>, vector<16xi32>,
    %get3A_476 = arith.constant 480 : index
    %get3A_477 = tpu.vector_load %arg5[%get3A_476] {strides = array<i32>} : memref<512xi32, #tpu.memory_space<vmem>>, vector<16xi32>,
    %get3A_478 = vector.shape_cast %get3A_477 : vector<16xi32> to vector<16xi32>
    %ge3A_479 = arith.constant 50048 : i32
    %ge3A_480 = vector.broadcast %ge3A_479 : i32 to vector<16xi32>
    %ge3A_481 = arith.cmpi sge, %get3A_478, %ge3A_480 : vector<16xi32>
    %jit3A_482 = arith.constant 50048 : i32
    %jit3A_483 = arith.constant 0 : i32
    %broadcast_in_dim3A_484 = vector.broadcast %jit3A_482 : i32 to vector<16xi32>
    %broadcast_in_dim3A_485 = vector.broadcast %jit3A_483 : i32 to vector<16xi32>
    %select_n3A_486 = arith.select %ge3A_481, %broadcast_in_dim3A_484, %broadcast_in_dim3A_485 : vector<16xi1>, vector<16xi32>
    %sub3A_487 = arith.subi %get3A_478, %select_n3A_486 : vector<16xi32>
    %swap3A_488 = arith.constant 480 : index
    %swap3A_489 = tpu.vector_load %arg5[%swap3A_488] {strides = array<i32>} : memref<512xi32, #tpu.memory_space<vmem>>, vector<16xi32>,
    %swap3A_490 = vector.shape_cast %swap3A_489 : vector<16xi32> to vector<16xi32>
    %swap3A_491 = vector.shape_cast %sub3A_487 : vector<16xi32> to vector<16xi32>
    tpu.vector_store %arg5[%swap3A_488], %swap3A_491 {strides = array<i32>} : memref<512xi32, #tpu.memory_space<vmem>>, vector<16xi32>,
    %get3A_492 = arith.constant 496 : index
    %get3A_493 = tpu.vector_load %arg5[%get3A_492] {strides = array<i32>} : memref<512xi32, #tpu.memory_space<vmem>>, vector<16xi32>,
    %get3A_494 = vector.shape_cast %get3A_493 : vector<16xi32> to vector<16xi32>
    %ge3A_495 = arith.constant 50048 : i32
    %ge3A_496 = vector.broadcast %ge3A_495 : i32 to vector<16xi32>
    %ge3A_497 = arith.cmpi sge, %get3A_494, %ge3A_496 : vector<16xi32>
    %jit3A_498 = arith.constant 50048 : i32
    %jit3A_499 = arith.constant 0 : i32
    %broadcast_in_dim3A_500 = vector.broadcast %jit3A_498 : i32 to vector<16xi32>
    %broadcast_in_dim3A_501 = vector.broadcast %jit3A_499 : i32 to vector<16xi32>
    %select_n3A_502 = arith.select %ge3A_497, %broadcast_in_dim3A_500, %broadcast_in_dim3A_501 : vector<16xi1>, vector<16xi32>
    %sub3A_503 = arith.subi %get3A_494, %select_n3A_502 : vector<16xi32>
    %swap3A_504 = arith.constant 496 : index
    %swap3A_505 = tpu.vector_load %arg5[%swap3A_504] {strides = array<i32>} : memref<512xi32, #tpu.memory_space<vmem>>, vector<16xi32>,
    %swap3A_506 = vector.shape_cast %swap3A_505 : vector<16xi32> to vector<16xi32>
    %swap3A_507 = vector.shape_cast %sub3A_503 : vector<16xi32> to vector<16xi32>
    tpu.vector_store %arg5[%swap3A_504], %swap3A_507 {strides = array<i32>} : memref<512xi32, #tpu.memory_space<vmem>>, vector<16xi32>,
    %dma_start3A = arith.constant 0 : i32
    %dma_start3A_508 = arith.constant 0 : i32
    %dma_start3A_509 = tpu.memref_slice %arg6[%dma_start3A, %dma_start3A_508] : memref<512x128xi32, #tpu.memory_space<vmem>> -> memref<128x128xi32, #tpu.memory_space<vmem>>
    %dma_start3A_510 = arith.constant 0 : i32
    %dma_start3A_511 = tpu.memref_slice %arg5[%dma_start3A_510] : memref<512xi32, #tpu.memory_space<vmem>> -> memref<128xi32, #tpu.memory_space<vmem>>
    %dma_start3A_512 = arith.constant 0 : i32
    %dma_start3A_513 = arith.constant 0 : i32
    %dma_start3A_514 = tpu.memref_slice %arg3[%dma_start3A_512, %dma_start3A_513] : memref<50048x128xi32, #tpu.memory_space<hbm>> -> memref<50048x128xi32, #tpu.memory_space<hbm>>
    tpu.enqueue_indirect_dma source(%dma_start3A_514 : memref<50048x128xi32, #tpu.memory_space<hbm>>) target(%dma_start3A_509 : memref<128x128xi32, #tpu.memory_space<vmem>>) offsets(%dma_start3A_511 : memref<128xi32, #tpu.memory_space<vmem>>) semaphore(%arg7 : memref<!tpu.dma_semaphore, #tpu.memory_space<semaphore_mem>>)
    %dma_start3A_515 = arith.constant 128 : i32
    %dma_start3A_516 = arith.constant 0 : i32
    %dma_start3A_517 = tpu.memref_slice %arg6[%dma_start3A_515, %dma_start3A_516] : memref<512x128xi32, #tpu.memory_space<vmem>> -> memref<128x128xi32, #tpu.memory_space<vmem>>
    %dma_start3A_518 = arith.constant 128 : i32
    %dma_start3A_519 = tpu.memref_slice %arg5[%dma_start3A_518] : memref<512xi32, #tpu.memory_space<vmem>> -> memref<128xi32, #tpu.memory_space<vmem>>
    %dma_start3A_520 = arith.constant 0 : i32
    %dma_start3A_521 = arith.constant 0 : i32
    %dma_start3A_522 = tpu.memref_slice %arg3[%dma_start3A_520, %dma_start3A_521] : memref<50048x128xi32, #tpu.memory_space<hbm>> -> memref<50048x128xi32, #tpu.memory_space<hbm>>
    tpu.enqueue_indirect_dma source(%dma_start3A_522 : memref<50048x128xi32, #tpu.memory_space<hbm>>) target(%dma_start3A_517 : memref<128x128xi32, #tpu.memory_space<vmem>>) offsets(%dma_start3A_519 : memref<128xi32, #tpu.memory_space<vmem>>) semaphore(%arg7 : memref<!tpu.dma_semaphore, #tpu.memory_space<semaphore_mem>>)
    %dma_start3A_523 = arith.constant 256 : i32
    %dma_start3A_524 = arith.constant 0 : i32
    %dma_start3A_525 = tpu.memref_slice %arg6[%dma_start3A_523, %dma_start3A_524] : memref<512x128xi32, #tpu.memory_space<vmem>> -> memref<128x128xi32, #tpu.memory_space<vmem>>
    %dma_start3A_526 = arith.constant 256 : i32
    %dma_start3A_527 = tpu.memref_slice %arg5[%dma_start3A_526] : memref<512xi32, #tpu.memory_space<vmem>> -> memref<128xi32, #tpu.memory_space<vmem>>
    %dma_start3A_528 = arith.constant 0 : i32
    %dma_start3A_529 = arith.constant 0 : i32
    %dma_start3A_530 = tpu.memref_slice %arg3[%dma_start3A_528, %dma_start3A_529] : memref<50048x128xi32, #tpu.memory_space<hbm>> -> memref<50048x128xi32, #tpu.memory_space<hbm>>
    tpu.enqueue_indirect_dma source(%dma_start3A_530 : memref<50048x128xi32, #tpu.memory_space<hbm>>) target(%dma_start3A_525 : memref<128x128xi32, #tpu.memory_space<vmem>>) offsets(%dma_start3A_527 : memref<128xi32, #tpu.memory_space<vmem>>) semaphore(%arg7 : memref<!tpu.dma_semaphore, #tpu.memory_space<semaphore_mem>>)
    %dma_start3A_531 = arith.constant 384 : i32
    %dma_start3A_532 = arith.constant 0 : i32
    %dma_start3A_533 = tpu.memref_slice %arg6[%dma_start3A_531, %dma_start3A_532] : memref<512x128xi32, #tpu.memory_space<vmem>> -> memref<128x128xi32, #tpu.memory_space<vmem>>
    %dma_start3A_534 = arith.constant 384 : i32
    %dma_start3A_535 = tpu.memref_slice %arg5[%dma_start3A_534] : memref<512xi32, #tpu.memory_space<vmem>> -> memref<128xi32, #tpu.memory_space<vmem>>
    %dma_start3A_536 = arith.constant 0 : i32
    %dma_start3A_537 = arith.constant 0 : i32
    %dma_start3A_538 = tpu.memref_slice %arg3[%dma_start3A_536, %dma_start3A_537] : memref<50048x128xi32, #tpu.memory_space<hbm>> -> memref<50048x128xi32, #tpu.memory_space<hbm>>
    tpu.enqueue_indirect_dma source(%dma_start3A_538 : memref<50048x128xi32, #tpu.memory_space<hbm>>) target(%dma_start3A_533 : memref<128x128xi32, #tpu.memory_space<vmem>>) offsets(%dma_start3A_535 : memref<128xi32, #tpu.memory_space<vmem>>) semaphore(%arg7 : memref<!tpu.dma_semaphore, #tpu.memory_space<semaphore_mem>>)
    %dma_wait3A = arith.constant 0 : i32
    %dma_wait3A_539 = arith.constant 0 : i32
    %dma_wait3A_540 = tpu.memref_slice %arg6[%dma_wait3A, %dma_wait3A_539] : memref<512x128xi32, #tpu.memory_space<vmem>> -> memref<128x128xi32, #tpu.memory_space<vmem>>
    %dma_wait3A_541 = arith.constant 0 : i32
    %dma_wait3A_542 = tpu.memref_slice %arg5[%dma_wait3A_541] : memref<512xi32, #tpu.memory_space<vmem>> -> memref<128xi32, #tpu.memory_space<vmem>>
    %dma_wait3A_543 = arith.constant 0 : i32
    %dma_wait3A_544 = arith.constant 0 : i32
    %dma_wait3A_545 = tpu.memref_slice %arg3[%dma_wait3A_543, %dma_wait3A_544] : memref<50048x128xi32, #tpu.memory_space<hbm>> -> memref<50048x128xi32, #tpu.memory_space<hbm>>
    tpu.wait_indirect_dma semaphore(%arg7 : memref<!tpu.dma_semaphore, #tpu.memory_space<semaphore_mem>>) src(%dma_wait3A_545 : memref<50048x128xi32, #tpu.memory_space<hbm>>) dst(%dma_wait3A_540 : memref<128x128xi32, #tpu.memory_space<vmem>>)
    %dma_wait3A_546 = arith.constant 128 : i32
    %dma_wait3A_547 = arith.constant 0 : i32
    %dma_wait3A_548 = tpu.memref_slice %arg6[%dma_wait3A_546, %dma_wait3A_547] : memref<512x128xi32, #tpu.memory_space<vmem>> -> memref<128x128xi32, #tpu.memory_space<vmem>>
    %dma_wait3A_549 = arith.constant 128 : i32
    %dma_wait3A_550 = tpu.memref_slice %arg5[%dma_wait3A_549] : memref<512xi32, #tpu.memory_space<vmem>> -> memref<128xi32, #tpu.memory_space<vmem>>
    %dma_wait3A_551 = arith.constant 0 : i32
    %dma_wait3A_552 = arith.constant 0 : i32
    %dma_wait3A_553 = tpu.memref_slice %arg3[%dma_wait3A_551, %dma_wait3A_552] : memref<50048x128xi32, #tpu.memory_space<hbm>> -> memref<50048x128xi32, #tpu.memory_space<hbm>>
    tpu.wait_indirect_dma semaphore(%arg7 : memref<!tpu.dma_semaphore, #tpu.memory_space<semaphore_mem>>) src(%dma_wait3A_553 : memref<50048x128xi32, #tpu.memory_space<hbm>>) dst(%dma_wait3A_548 : memref<128x128xi32, #tpu.memory_space<vmem>>)
    %dma_wait3A_554 = arith.constant 256 : i32
    %dma_wait3A_555 = arith.constant 0 : i32
    %dma_wait3A_556 = tpu.memref_slice %arg6[%dma_wait3A_554, %dma_wait3A_555] : memref<512x128xi32, #tpu.memory_space<vmem>> -> memref<128x128xi32, #tpu.memory_space<vmem>>
    %dma_wait3A_557 = arith.constant 256 : i32
    %dma_wait3A_558 = tpu.memref_slice %arg5[%dma_wait3A_557] : memref<512xi32, #tpu.memory_space<vmem>> -> memref<128xi32, #tpu.memory_space<vmem>>
    %dma_wait3A_559 = arith.constant 0 : i32
    %dma_wait3A_560 = arith.constant 0 : i32
    %dma_wait3A_561 = tpu.memref_slice %arg3[%dma_wait3A_559, %dma_wait3A_560] : memref<50048x128xi32, #tpu.memory_space<hbm>> -> memref<50048x128xi32, #tpu.memory_space<hbm>>
    tpu.wait_indirect_dma semaphore(%arg7 : memref<!tpu.dma_semaphore, #tpu.memory_space<semaphore_mem>>) src(%dma_wait3A_561 : memref<50048x128xi32, #tpu.memory_space<hbm>>) dst(%dma_wait3A_556 : memref<128x128xi32, #tpu.memory_space<vmem>>)
    %dma_wait3A_562 = arith.constant 384 : i32
    %dma_wait3A_563 = arith.constant 0 : i32
    %dma_wait3A_564 = tpu.memref_slice %arg6[%dma_wait3A_562, %dma_wait3A_563] : memref<512x128xi32, #tpu.memory_space<vmem>> -> memref<128x128xi32, #tpu.memory_space<vmem>>
    %dma_wait3A_565 = arith.constant 384 : i32
    %dma_wait3A_566 = tpu.memref_slice %arg5[%dma_wait3A_565] : memref<512xi32, #tpu.memory_space<vmem>> -> memref<128xi32, #tpu.memory_space<vmem>>
    %dma_wait3A_567 = arith.constant 0 : i32
    %dma_wait3A_568 = arith.constant 0 : i32
    %dma_wait3A_569 = tpu.memref_slice %arg3[%dma_wait3A_567, %dma_wait3A_568] : memref<50048x128xi32, #tpu.memory_space<hbm>> -> memref<50048x128xi32, #tpu.memory_space<hbm>>
    tpu.wait_indirect_dma semaphore(%arg7 : memref<!tpu.dma_semaphore, #tpu.memory_space<semaphore_mem>>) src(%dma_wait3A_569 : memref<50048x128xi32, #tpu.memory_space<hbm>>) dst(%dma_wait3A_564 : memref<128x128xi32, #tpu.memory_space<vmem>>)
    "tpu.region"() ({
      %run_scoped3A = tpu.sem_alloc : memref<!tpu.dma_semaphore, #tpu.memory_space<semaphore_mem>>
      %dma_start3A_570 = arith.constant 0 : i32
      %dma_start3A_571 = tpu.memref_slice %arg4[%mul3A_2, %dma_start3A_570] : memref<16384x128xi32, #tpu.memory_space<hbm>> -> memref<512x128xi32, #tpu.memory_space<hbm>>
      %dma_start3A_572 = arith.constant 0 : i32
      %dma_start3A_573 = tpu.memref_slice %arg4[%mul3A_2, %dma_start3A_572] : memref<16384x128xi32, #tpu.memory_space<hbm>> -> memref<512x128xi32, #tpu.memory_space<hbm>>
      tpu.enqueue_dma source(%arg6 : memref<512x128xi32, #tpu.memory_space<vmem>>) target(%dma_start3A_573 : memref<512x128xi32, #tpu.memory_space<hbm>>) target_semaphore(%run_scoped3A : memref<!tpu.dma_semaphore, #tpu.memory_space<semaphore_mem>>)
      %dma_wait3A_574 = arith.constant 0 : i32
      %dma_wait3A_575 = tpu.memref_slice %arg4[%mul3A_2, %dma_wait3A_574] : memref<16384x128xi32, #tpu.memory_space<hbm>> -> memref<512x128xi32, #tpu.memory_space<hbm>>
      %dma_wait3A_576 = arith.constant 0 : i32
      %dma_wait3A_577 = tpu.memref_slice %arg4[%mul3A_2, %dma_wait3A_576] : memref<16384x128xi32, #tpu.memory_space<hbm>> -> memref<512x128xi32, #tpu.memory_space<hbm>>
      tpu.wait_dma2 semaphore(%run_scoped3A : memref<!tpu.dma_semaphore, #tpu.memory_space<semaphore_mem>>) src(%arg6 : memref<512x128xi32, #tpu.memory_space<vmem>>) dst(%dma_wait3A_577 : memref<512x128xi32, #tpu.memory_space<hbm>>)
      tpu.yield
    }) : () -> ()
    return
  }
}

module attributes {stable_mosaic.version = 14 : i64} {
  func.func @_precompute_body(%arg0: i32, %arg1: memref<64x2944xf32, #tpu.memory_space<vmem>>, %arg2: memref<64x2944xf32, #tpu.memory_space<vmem>>, %arg3: memref<64x128xf32, #tpu.memory_space<vmem>>, %arg4: memref<1x128xf32, #tpu.memory_space<vmem>>, %arg5: memref<2944x128xi32, #tpu.memory_space<vmem>>) attributes {dimension_semantics = [#tpu.dimension_semantics<arbitrary>], iteration_bounds = array<i64: 17>, scalar_prefetch = 0 : i64, scratch_operands = 0 : i64, tpu.core_type = #tpu.core_type<tc>, window_params = [{transform_indices = @transform_0, window_bounds = array<i64: 64, 2944>}, {transform_indices = @transform_1, window_bounds = array<i64: 64, 2944>}, {pipeline_mode = #tpu.pipeline_mode<synchronous>, transform_indices = @transform_2, window_bounds = array<i64: 64, 128>}, {pipeline_mode = #tpu.pipeline_mode<synchronous>, transform_indices = @transform_3, window_bounds = array<i64: 1, 128>}, {transform_indices = @transform_4, window_bounds = array<i64: 2944, 128>}]} {
    %get3A = arith.constant 0 : index
    %get3A_0 = arith.constant 0 : index
    %get3A_1 = vector.load %arg3[%get3A, %get3A_0] : memref<64x128xf32, #tpu.memory_space<vmem>>, vector<64x128xf32>
    %convert_element_type3A = arith.truncf %get3A_1 : vector<64x128xf32> to vector<64x128xbf16>
    %get3A_2 = arith.constant 0 : index
    %get3A_3 = arith.constant 0 : index
    %get3A_4 = vector.load %arg1[%get3A_2, %get3A_3] : memref<64x2944xf32, #tpu.memory_space<vmem>>, vector<64x2944xf32>
    %convert_element_type3A_5 = arith.truncf %get3A_4 : vector<64x2944xf32> to vector<64x2944xbf16>
    %dot_general3A = arith.constant dense<0.000000e+00> : vector<2944x128xf32>
    %dot_general3A_6 = tpu.matmul %convert_element_type3A_5, %convert_element_type3A, %dot_general3A {dimension_numbers = #tpu.dot_dimension_numbers<[0], [0], [1], [1], [0, 1, 1, 1], [], []>, transpose_lhs_hint = false} : vector<64x2944xbf16>, vector<64x128xbf16>, vector<2944x128xf32> -> vector<2944x128xf32>
    %get3A_7 = arith.constant 0 : index
    %get3A_8 = arith.constant 0 : index
    %get3A_9 = vector.load %arg2[%get3A_7, %get3A_8] : memref<64x2944xf32, #tpu.memory_space<vmem>>, vector<64x2944xf32>
    %convert_element_type3A_10 = arith.truncf %get3A_9 : vector<64x2944xf32> to vector<64x2944xbf16>
    %dot_general3A_11 = arith.constant dense<0.000000e+00> : vector<2944x128xf32>
    %dot_general3A_12 = tpu.matmul %convert_element_type3A_10, %convert_element_type3A, %dot_general3A_11 {dimension_numbers = #tpu.dot_dimension_numbers<[0], [0], [1], [1], [0, 1, 1, 1], [], []>, transpose_lhs_hint = false} : vector<64x2944xbf16>, vector<64x128xbf16>, vector<2944x128xf32> -> vector<2944x128xf32>
    %get3A_13 = arith.constant 0 : index
    %get3A_14 = arith.constant 0 : index
    %get3A_15 = vector.load %arg4[%get3A_13, %get3A_14] : memref<1x128xf32, #tpu.memory_space<vmem>>, vector<1x128xf32>
    %add3A = vector.broadcast %get3A_15 : vector<1x128xf32> to vector<2944x128xf32>
    %add3A_16 = arith.addf %dot_general3A_6, %add3A : vector<2944x128xf32>
    %get3A_17 = arith.constant 0 : index
    %get3A_18 = arith.constant 0 : index
    %get3A_19 = vector.load %arg4[%get3A_17, %get3A_18] : memref<1x128xf32, #tpu.memory_space<vmem>>, vector<1x128xf32>
    %add3A_20 = vector.broadcast %get3A_19 : vector<1x128xf32> to vector<2944x128xf32>
    %add3A_21 = arith.addf %dot_general3A_12, %add3A_20 : vector<2944x128xf32>
    %bitcast_convert_type3A = tpu.bitcast %add3A_16 : vector<2944x128xf32> -> vector<2944x128xi32>
    %bitcast_convert_type3A_22 = tpu.bitcast %add3A_21 : vector<2944x128xf32> -> vector<2944x128xi32>
    %and3A = arith.constant -65536 : i32
    %and3A_23 = vector.broadcast %and3A : i32 to vector<2944x128xi32>
    %and3A_24 = arith.andi %bitcast_convert_type3A, %and3A_23 : vector<2944x128xi32>
    %shift_right_logical3A = arith.constant 16 : i32
    %shift_right_logical3A_25 = vector.broadcast %shift_right_logical3A : i32 to vector<2944x128xi32>
    %shift_right_logical3A_26 = arith.shrui %bitcast_convert_type3A_22, %shift_right_logical3A_25 : vector<2944x128xi32>
    %or3A = arith.ori %and3A_24, %shift_right_logical3A_26 : vector<2944x128xi32>
    %swap3A = arith.constant 0 : index
    %swap3A_27 = arith.constant 0 : index
    %swap3A_28 = vector.load %arg5[%swap3A, %swap3A_27] : memref<2944x128xi32, #tpu.memory_space<vmem>>, vector<2944x128xi32>
    tpu.vector_store %arg5[%swap3A, %swap3A_27], %or3A {strides = array<i32>} : memref<2944x128xi32, #tpu.memory_space<vmem>>, vector<2944x128xi32>,
    return
  }
  func.func @transform_0(%arg0: i32) -> (i32, i32) {
    %c0_i32 = arith.constant 0 : i32
    %c0_i32_0 = arith.constant 0 : i32
    return %c0_i32, %arg0 : i32, i32
  }
  func.func @transform_1(%arg0: i32) -> (i32, i32) {
    %add3A = arith.constant 17 : i32
    %add3A_0 = arith.addi %arg0, %add3A : i32
    %c0_i32 = arith.constant 0 : i32
    %c0_i32_1 = arith.constant 0 : i32
    return %c0_i32, %add3A_0 : i32, i32
  }
  func.func @transform_2(%arg0: i32) -> (i32, i32) {
    %c0_i32 = arith.constant 0 : i32
    %c0_i32_0 = arith.constant 0 : i32
    %c0_i32_1 = arith.constant 0 : i32
    return %c0_i32, %c0_i32_0 : i32, i32
  }
  func.func @transform_3(%arg0: i32) -> (i32, i32) {
    %c0_i32 = arith.constant 0 : i32
    %c0_i32_0 = arith.constant 0 : i32
    %c0_i32_1 = arith.constant 0 : i32
    return %c0_i32, %c0_i32_0 : i32, i32
  }
  func.func @transform_4(%arg0: i32) -> (i32, i32) {
    %c0_i32 = arith.constant 0 : i32
    %c0_i32_0 = arith.constant 0 : i32
    return %arg0, %c0_i32 : i32, i32
  }
}

module attributes {stable_mosaic.version = 14 : i64} {
  func.func @_lambda_(%arg0: i32, %arg1: memref<64x2944xf32, #tpu.memory_space<vmem>>, %arg2: memref<64x2944xf32, #tpu.memory_space<vmem>>, %arg3: memref<64x128xf32, #tpu.memory_space<vmem>>, %arg4: memref<2944x128xi32, #tpu.memory_space<vmem>>) attributes {dimension_semantics = [#tpu.dimension_semantics<arbitrary>], iteration_bounds = array<i64: 17>, scalar_prefetch = 0 : i64, scratch_operands = 0 : i64, tpu.core_type = #tpu.core_type<tc>, window_params = [{transform_indices = @transform_0, window_bounds = array<i64: 64, 2944>}, {transform_indices = @transform_1, window_bounds = array<i64: 64, 2944>}, {pipeline_mode = #tpu.pipeline_mode<synchronous>, transform_indices = @transform_2, window_bounds = array<i64: 64, 128>}, {transform_indices = @transform_3, window_bounds = array<i64: 2944, 128>}]} {
    %get3A = arith.constant 0 : index
    %get3A_0 = arith.constant 0 : index
    %get3A_1 = vector.load %arg3[%get3A, %get3A_0] : memref<64x128xf32, #tpu.memory_space<vmem>>, vector<64x128xf32>
    %convert_element_type3A = arith.truncf %get3A_1 : vector<64x128xf32> to vector<64x128xbf16>
    %get3A_2 = arith.constant 0 : index
    %get3A_3 = arith.constant 0 : index
    %get3A_4 = vector.load %arg1[%get3A_2, %get3A_3] : memref<64x2944xf32, #tpu.memory_space<vmem>>, vector<64x2944xf32>
    %convert_element_type3A_5 = arith.truncf %get3A_4 : vector<64x2944xf32> to vector<64x2944xbf16>
    %dot_general3A = arith.constant dense<0.000000e+00> : vector<2944x128xf32>
    %dot_general3A_6 = tpu.matmul %convert_element_type3A_5, %convert_element_type3A, %dot_general3A {dimension_numbers = #tpu.dot_dimension_numbers<[0], [0], [1], [1], [0, 1, 1, 1], [], []>, transpose_lhs_hint = false} : vector<64x2944xbf16>, vector<64x128xbf16>, vector<2944x128xf32> -> vector<2944x128xf32>
    %get3A_7 = arith.constant 0 : index
    %get3A_8 = arith.constant 0 : index
    %get3A_9 = vector.load %arg2[%get3A_7, %get3A_8] : memref<64x2944xf32, #tpu.memory_space<vmem>>, vector<64x2944xf32>
    %convert_element_type3A_10 = arith.truncf %get3A_9 : vector<64x2944xf32> to vector<64x2944xbf16>
    %dot_general3A_11 = arith.constant dense<0.000000e+00> : vector<2944x128xf32>
    %dot_general3A_12 = tpu.matmul %convert_element_type3A_10, %convert_element_type3A, %dot_general3A_11 {dimension_numbers = #tpu.dot_dimension_numbers<[0], [0], [1], [1], [0, 1, 1, 1], [], []>, transpose_lhs_hint = false} : vector<64x2944xbf16>, vector<64x128xbf16>, vector<2944x128xf32> -> vector<2944x128xf32>
    %bitcast_convert_type3A = tpu.bitcast %dot_general3A_6 : vector<2944x128xf32> -> vector<2944x128xi32>
    %bitcast_convert_type3A_13 = tpu.bitcast %dot_general3A_12 : vector<2944x128xf32> -> vector<2944x128xi32>
    %and3A = arith.constant -65536 : i32
    %and3A_14 = vector.broadcast %and3A : i32 to vector<2944x128xi32>
    %and3A_15 = arith.andi %bitcast_convert_type3A, %and3A_14 : vector<2944x128xi32>
    %shift_right_logical3A = arith.constant 16 : i32
    %shift_right_logical3A_16 = vector.broadcast %shift_right_logical3A : i32 to vector<2944x128xi32>
    %shift_right_logical3A_17 = arith.shrui %bitcast_convert_type3A_13, %shift_right_logical3A_16 : vector<2944x128xi32>
    %or3A = arith.ori %and3A_15, %shift_right_logical3A_17 : vector<2944x128xi32>
    %swap3A = arith.constant 0 : index
    %swap3A_18 = arith.constant 0 : index
    %swap3A_19 = vector.load %arg4[%swap3A, %swap3A_18] : memref<2944x128xi32, #tpu.memory_space<vmem>>, vector<2944x128xi32>
    tpu.vector_store %arg4[%swap3A, %swap3A_18], %or3A {strides = array<i32>} : memref<2944x128xi32, #tpu.memory_space<vmem>>, vector<2944x128xi32>,
    return
  }
  func.func @transform_0(%arg0: i32) -> (i32, i32) {
    %c0_i32 = arith.constant 0 : i32
    %c0_i32_0 = arith.constant 0 : i32
    return %c0_i32, %arg0 : i32, i32
  }
  func.func @transform_1(%arg0: i32) -> (i32, i32) {
    %add3A = arith.constant 17 : i32
    %add3A_0 = arith.addi %arg0, %add3A : i32
    %c0_i32 = arith.constant 0 : i32
    %c0_i32_1 = arith.constant 0 : i32
    return %c0_i32, %add3A_0 : i32, i32
  }
  func.func @transform_2(%arg0: i32) -> (i32, i32) {
    %c0_i32 = arith.constant 0 : i32
    %c0_i32_0 = arith.constant 0 : i32
    %c0_i32_1 = arith.constant 0 : i32
    return %c0_i32, %c0_i32_0 : i32, i32
  }
  func.func @transform_3(%arg0: i32) -> (i32, i32) {
    %c0_i32 = arith.constant 0 : i32
    %c0_i32_0 = arith.constant 0 : i32
    return %arg0, %c0_i32 : i32, i32
  }
}

module attributes {stable_mosaic.version = 14 : i64} {
  func.func @_mlp_body(%arg0: i32, %arg1: memref<4096x128xi32, #tpu.memory_space<vmem>>, %arg2: memref<4096x128xi32, #tpu.memory_space<vmem>>, %arg3: memref<1x1x4096xi32, #tpu.memory_space<vmem>>, %arg4: memref<1x1x4096xi32, #tpu.memory_space<vmem>>, %arg5: memref<128x64xf32, #tpu.memory_space<vmem>>, %arg6: memref<1x64xf32, #tpu.memory_space<vmem>>, %arg7: memref<64x32xf32, #tpu.memory_space<vmem>>, %arg8: memref<1x32xf32, #tpu.memory_space<vmem>>, %arg9: memref<1x32xf32, #tpu.memory_space<vmem>>, %arg10: memref<1x1xf32, #tpu.memory_space<vmem>>, %arg11: memref<1x4096xf32, #tpu.memory_space<vmem>>) attributes {dimension_semantics = [#tpu.dimension_semantics<arbitrary>], iteration_bounds = array<i64: 4>, scalar_prefetch = 0 : i64, scratch_operands = 0 : i64, tpu.core_type = #tpu.core_type<tc>, window_params = [{transform_indices = @transform_0, window_bounds = array<i64: 4096, 128>}, {transform_indices = @transform_1, window_bounds = array<i64: 4096, 128>}, {transform_indices = @transform_2, window_bounds = array<i64: 1, 1, 4096>}, {transform_indices = @transform_3, window_bounds = array<i64: 1, 1, 4096>}, {pipeline_mode = #tpu.pipeline_mode<synchronous>, transform_indices = @transform_4, window_bounds = array<i64: 128, 64>}, {pipeline_mode = #tpu.pipeline_mode<synchronous>, transform_indices = @transform_5, window_bounds = array<i64: 1, 64>}, {pipeline_mode = #tpu.pipeline_mode<synchronous>, transform_indices = @transform_6, window_bounds = array<i64: 64, 32>}, {pipeline_mode = #tpu.pipeline_mode<synchronous>, transform_indices = @transform_7, window_bounds = array<i64: 1, 32>}, {pipeline_mode = #tpu.pipeline_mode<synchronous>, transform_indices = @transform_8, window_bounds = array<i64: 1, 32>}, {pipeline_mode = #tpu.pipeline_mode<synchronous>, transform_indices = @transform_9, window_bounds = array<i64: 1, 1>}, {transform_indices = @transform_10, window_bounds = array<i64: 1, 4096>}]} {
    %get3A = arith.constant 0 : index
    %get3A_0 = arith.constant 0 : index
    %get3A_1 = arith.constant 0 : index
    %get3A_2 = vector.load %arg3[%get3A, %get3A_0, %get3A_1] : memref<1x1x4096xi32, #tpu.memory_space<vmem>>, vector<1x1x4096xi32>
    %get3A_3 = vector.shape_cast %get3A_2 : vector<1x1x4096xi32> to vector<1x4096xi32>
    %transpose3A = tpu.transpose %get3A_3, [1, 0] : vector<1x4096xi32> -> vector<4096x1xi32>
    %get3A_4 = arith.constant 0 : index
    %get3A_5 = arith.constant 0 : index
    %get3A_6 = arith.constant 0 : index
    %get3A_7 = vector.load %arg4[%get3A_4, %get3A_5, %get3A_6] : memref<1x1x4096xi32, #tpu.memory_space<vmem>>, vector<1x1x4096xi32>
    %get3A_8 = vector.shape_cast %get3A_7 : vector<1x1x4096xi32> to vector<1x4096xi32>
    %transpose3A_9 = tpu.transpose %get3A_8, [1, 0] : vector<1x4096xi32> -> vector<4096x1xi32>
    %get3A_10 = arith.constant 0 : index
    %get3A_11 = arith.constant 0 : index
    %get3A_12 = vector.load %arg1[%get3A_10, %get3A_11] : memref<4096x128xi32, #tpu.memory_space<vmem>>, vector<4096x128xi32>
    %shift_left3A = vector.broadcast %transpose3A : vector<4096x1xi32> to vector<4096x128xi32>
    %shift_left3A_13 = arith.shli %get3A_12, %shift_left3A : vector<4096x128xi32>
    %and3A = arith.constant -65536 : i32
    %and3A_14 = vector.broadcast %and3A : i32 to vector<4096x128xi32>
    %and3A_15 = arith.andi %shift_left3A_13, %and3A_14 : vector<4096x128xi32>
    %bitcast_convert_type3A = tpu.bitcast %and3A_15 : vector<4096x128xi32> -> vector<4096x128xf32>
    %get3A_16 = arith.constant 0 : index
    %get3A_17 = arith.constant 0 : index
    %get3A_18 = vector.load %arg2[%get3A_16, %get3A_17] : memref<4096x128xi32, #tpu.memory_space<vmem>>, vector<4096x128xi32>
    %shift_left3A_19 = vector.broadcast %transpose3A_9 : vector<4096x1xi32> to vector<4096x128xi32>
    %shift_left3A_20 = arith.shli %get3A_18, %shift_left3A_19 : vector<4096x128xi32>
    %and3A_21 = arith.constant -65536 : i32
    %and3A_22 = vector.broadcast %and3A_21 : i32 to vector<4096x128xi32>
    %and3A_23 = arith.andi %shift_left3A_20, %and3A_22 : vector<4096x128xi32>
    %bitcast_convert_type3A_24 = tpu.bitcast %and3A_23 : vector<4096x128xi32> -> vector<4096x128xf32>
    %add3A = arith.addf %bitcast_convert_type3A, %bitcast_convert_type3A_24 : vector<4096x128xf32>
    %max3A = arith.constant 0.000000e+00 : f32
    %max3A_25 = vector.broadcast %max3A : f32 to vector<4096x128xf32>
    %max3A_26 = arith.maximumf %add3A, %max3A_25 : vector<4096x128xf32>
    %convert_element_type3A = arith.truncf %max3A_26 : vector<4096x128xf32> to vector<4096x128xbf16>
    %get3A_27 = arith.constant 0 : index
    %get3A_28 = arith.constant 0 : index
    %get3A_29 = vector.load %arg5[%get3A_27, %get3A_28] : memref<128x64xf32, #tpu.memory_space<vmem>>, vector<128x64xf32>
    %convert_element_type3A_30 = arith.truncf %get3A_29 : vector<128x64xf32> to vector<128x64xbf16>
    %dot_general3A = arith.constant dense<0.000000e+00> : vector<4096x64xf32>
    %dot_general3A_31 = tpu.matmul %convert_element_type3A, %convert_element_type3A_30, %dot_general3A {dimension_numbers = #tpu.dot_dimension_numbers<[1], [0], [0], [1], [0, 0, 1, 1], [], []>, transpose_lhs_hint = false} : vector<4096x128xbf16>, vector<128x64xbf16>, vector<4096x64xf32> -> vector<4096x64xf32>
    %get3A_32 = arith.constant 0 : index
    %get3A_33 = arith.constant 0 : index
    %get3A_34 = vector.load %arg6[%get3A_32, %get3A_33] : memref<1x64xf32, #tpu.memory_space<vmem>>, vector<1x64xf32>
    %add3A_35 = vector.broadcast %get3A_34 : vector<1x64xf32> to vector<4096x64xf32>
    %add3A_36 = arith.addf %dot_general3A_31, %add3A_35 : vector<4096x64xf32>
    %max3A_37 = arith.constant 0.000000e+00 : f32
    %max3A_38 = vector.broadcast %max3A_37 : f32 to vector<4096x64xf32>
    %max3A_39 = arith.maximumf %add3A_36, %max3A_38 : vector<4096x64xf32>
    %convert_element_type3A_40 = arith.truncf %max3A_39 : vector<4096x64xf32> to vector<4096x64xbf16>
    %get3A_41 = arith.constant 0 : index
    %get3A_42 = arith.constant 0 : index
    %get3A_43 = vector.load %arg7[%get3A_41, %get3A_42] : memref<64x32xf32, #tpu.memory_space<vmem>>, vector<64x32xf32>
    %convert_element_type3A_44 = arith.truncf %get3A_43 : vector<64x32xf32> to vector<64x32xbf16>
    %dot_general3A_45 = arith.constant dense<0.000000e+00> : vector<4096x32xf32>
    %dot_general3A_46 = tpu.matmul %convert_element_type3A_40, %convert_element_type3A_44, %dot_general3A_45 {dimension_numbers = #tpu.dot_dimension_numbers<[1], [0], [0], [1], [0, 0, 1, 1], [], []>, transpose_lhs_hint = false} : vector<4096x64xbf16>, vector<64x32xbf16>, vector<4096x32xf32> -> vector<4096x32xf32>
    %get3A_47 = arith.constant 0 : index
    %get3A_48 = arith.constant 0 : index
    %get3A_49 = vector.load %arg8[%get3A_47, %get3A_48] : memref<1x32xf32, #tpu.memory_space<vmem>>, vector<1x32xf32>
    %add3A_50 = vector.broadcast %get3A_49 : vector<1x32xf32> to vector<4096x32xf32>
    %add3A_51 = arith.addf %dot_general3A_46, %add3A_50 : vector<4096x32xf32>
    %max3A_52 = arith.constant 0.000000e+00 : f32
    %max3A_53 = vector.broadcast %max3A_52 : f32 to vector<4096x32xf32>
    %max3A_54 = arith.maximumf %add3A_51, %max3A_53 : vector<4096x32xf32>
    %get3A_55 = arith.constant 0 : index
    %get3A_56 = arith.constant 0 : index
    %get3A_57 = vector.load %arg9[%get3A_55, %get3A_56] : memref<1x32xf32, #tpu.memory_space<vmem>>, vector<1x32xf32>
    %dot_general3A_58 = arith.constant dense<0.000000e+00> : vector<1x4096xf32>
    %dot_general3A_59 = tpu.matmul %get3A_57, %max3A_54, %dot_general3A_58 {dimension_numbers = #tpu.dot_dimension_numbers<[1], [1], [0], [0], [0, 0, 1, 0], [], []>, transpose_lhs_hint = false} : vector<1x32xf32>, vector<4096x32xf32>, vector<1x4096xf32> -> vector<1x4096xf32>
    %get3A_60 = arith.constant 0 : index
    %get3A_61 = arith.constant 0 : index
    %get3A_62 = vector.load %arg10[%get3A_60, %get3A_61] : memref<1x1xf32, #tpu.memory_space<vmem>>, vector<1x1xf32>
    %add3A_63 = vector.broadcast %get3A_62 : vector<1x1xf32> to vector<1x4096xf32>
    %add3A_64 = arith.addf %dot_general3A_59, %add3A_63 : vector<1x4096xf32>
    %logistic3A = arith.negf %add3A_64 : vector<1x4096xf32>
    %logistic3A_65 = math.exp %logistic3A : vector<1x4096xf32>
    %logistic3A_66 = arith.constant 1.000000e+00 : f32
    %logistic3A_67 = vector.broadcast %logistic3A_66 : f32 to vector<1x4096xf32>
    %logistic3A_68 = arith.addf %logistic3A_67, %logistic3A_65 : vector<1x4096xf32>
    %logistic3A_69 = arith.divf %logistic3A_67, %logistic3A_68 : vector<1x4096xf32>
    %swap3A = arith.constant 0 : index
    %swap3A_70 = arith.constant 0 : index
    %swap3A_71 = vector.load %arg11[%swap3A, %swap3A_70] : memref<1x4096xf32, #tpu.memory_space<vmem>>, vector<1x4096xf32>
    tpu.vector_store %arg11[%swap3A, %swap3A_70], %logistic3A_69 {strides = array<i32>} : memref<1x4096xf32, #tpu.memory_space<vmem>>, vector<1x4096xf32>,
    return
  }
  func.func @transform_0(%arg0: i32) -> (i32, i32) {
    %c0_i32 = arith.constant 0 : i32
    %c0_i32_0 = arith.constant 0 : i32
    return %arg0, %c0_i32 : i32, i32
  }
  func.func @transform_1(%arg0: i32) -> (i32, i32) {
    %c0_i32 = arith.constant 0 : i32
    %c0_i32_0 = arith.constant 0 : i32
    return %arg0, %c0_i32 : i32, i32
  }
  func.func @transform_2(%arg0: i32) -> (i32, i32, i32) {
    %c0_i32 = arith.constant 0 : i32
    %c0_i32_0 = arith.constant 0 : i32
    %c0_i32_1 = arith.constant 0 : i32
    return %c0_i32, %c0_i32_0, %arg0 : i32, i32, i32
  }
  func.func @transform_3(%arg0: i32) -> (i32, i32, i32) {
    %c1_i32 = arith.constant 1 : i32
    %c0_i32 = arith.constant 0 : i32
    %c0_i32_0 = arith.constant 0 : i32
    return %c1_i32, %c0_i32, %arg0 : i32, i32, i32
  }
  func.func @transform_4(%arg0: i32) -> (i32, i32) {
    %c0_i32 = arith.constant 0 : i32
    %c0_i32_0 = arith.constant 0 : i32
    %c0_i32_1 = arith.constant 0 : i32
    return %c0_i32, %c0_i32_0 : i32, i32
  }
  func.func @transform_5(%arg0: i32) -> (i32, i32) {
    %c0_i32 = arith.constant 0 : i32
    %c0_i32_0 = arith.constant 0 : i32
    %c0_i32_1 = arith.constant 0 : i32
    return %c0_i32, %c0_i32_0 : i32, i32
  }
  func.func @transform_6(%arg0: i32) -> (i32, i32) {
    %c0_i32 = arith.constant 0 : i32
    %c0_i32_0 = arith.constant 0 : i32
    %c0_i32_1 = arith.constant 0 : i32
    return %c0_i32, %c0_i32_0 : i32, i32
  }
  func.func @transform_7(%arg0: i32) -> (i32, i32) {
    %c0_i32 = arith.constant 0 : i32
    %c0_i32_0 = arith.constant 0 : i32
    %c0_i32_1 = arith.constant 0 : i32
    return %c0_i32, %c0_i32_0 : i32, i32
  }
  func.func @transform_8(%arg0: i32) -> (i32, i32) {
    %c0_i32 = arith.constant 0 : i32
    %c0_i32_0 = arith.constant 0 : i32
    %c0_i32_1 = arith.constant 0 : i32
    return %c0_i32, %c0_i32_0 : i32, i32
  }
  func.func @transform_9(%arg0: i32) -> (i32, i32) {
    %c0_i32 = arith.constant 0 : i32
    %c0_i32_0 = arith.constant 0 : i32
    %c0_i32_1 = arith.constant 0 : i32
    return %c0_i32, %c0_i32_0 : i32, i32
  }
  func.func @transform_10(%arg0: i32) -> (i32, i32) {
    %c0_i32 = arith.constant 0 : i32
    %c0_i32_0 = arith.constant 0 : i32
    return %c0_i32, %arg0 : i32, i32
  }
}

</mosaic_0001>

<sc_bundles>
// kernel: kernel.10.cloned.1.call-start
scs
__scs_entry_jumppad:
0x0: {  	(pc) =	sbr.rel $0x88, $3  }
0x1: {  	(tag) =	ssettag $0x0;
	lr =	simm.s32 $0x1  }
0x2: {  	[smem:$0x3F95] =	sst lr;
	_ =	strace $0xD0000000  }
0x3: {  	_ = 	snop  }
0x4: {  	_ = 	snop  }
0x5: {  	_ = 	snop  }
0x6: {  	_ = 	snop  }
0x7: {  	_ = 	snop  }
__scs_overlays_trampoline_lowered:
0x8: {  	[smem:$0x3FA4] =	sst s0  }
0x9: {  	[smem:$0x3FA5] =	sst s1  }
0xa: {  	[smem:$0x3FA6] =	sst s2  }
0xb: {  	[smem:$0x3FA7] =	sst s3  }
0xc: {  	[smem:$0x3FA8] =	sst s4  }
0xd: {  	[smem:$0x3FA9] =	sst s5  }
0xe: {  	[smem:$0x3FAA] =	sst s6  }
0xf: {  	[smem:$0x3FAB] =	sst s7  }
0x10: {  	[smem:$0x3FAC] =	sst s8  }
0x11: {  	[smem:$0x3FAD] =	sst s9;
	s0 =	simm.s32 @!p0 $0x0  }
0x12: {  	s1 =	sld [smem:$0x3F93];
	s0 =	simm.s32 @p0 $0x1  }
0x13: {  	[smem:$0x3FAE] =	sst s0;
	s0 =	simm.s32 @!p1 $0x0  }
0x14: {  	s2 =	sld [smem:$0x3F92];
	s0 =	simm.s32 @p1 $0x1  }
0x15: {  	[smem:$0x3FAF] =	sst s0;
	s0 =	simm.s32 @!p2 $0x0  }
0x16: {  	s3 =	sld [smem:$0x3FDB];
	s0 =	simm.s32 @p2 $0x1  }
0x17: {  	s4 =	simm.s32 $0x1BF5;
	[smem:$0x3FB1] =	sst s0  }
0x18: {  	s0 =	sld [smem:$0x3F94];
	_ =	swait.ge [sflag:s4], $0x0  }
0x19: {  	s7 =	sld [smem:$0x3F95]  }
0x1a: {  	s8 =	sadd.s32 $0xFFFFE003, lr  }
0x1b: {  	s9 =	sadd.s32 $0xFFFFFEF7, lr;
	s5 =	simm.s32 $0xFFFFFFFF;
	p2 =	slt.u32 s8, $0xFFFFF086  }
0x1c: {  	p1 =	slt.u32 s9, $0xF7A;
	s5 =	simm.s32 @!p2 $0x0  }
0x1d: {  	s5 =	simm.s32 @p1 $0x1;
	p0 =	seq.s32 s7, s2  }
0x1e: {  	s7 =	smul.u32 @!p0 $0xF7A, s2;
	p2 =	seq.s32 @!p0 s5, $0x0  }
0x1f: {  	s9 =	smul.u32 $0xF7A, s1;
	s8 =	simm.s32 @!p0 $0x1BF5;
	p2 =	por !p2, p0  }
0x20: {  	[sflag:s8] =	ssyncset.s32 @!p0 $0xFFFFF086;
	s6 =	sadd.s32 @!p0 s3, s7;
	s7 =	simm.s32 @!p0 $0x108  }
0x21: {  	s3 =	sadd.s32 s3, s9;
	s6 =	sadd.s32 @!p0 $0x88, s6;
	s7 =	simm.s32 @p2 $0x1082  }
0x22: {  	[simem:s7], [sflag:s8] =	dma.local @!p0 [hbm:s6], $0xF7A  }
0x23: {  	s9 =	sor.u32 $0xD0000000, s2;
	s6 =	simm.s32 $0x108;
	_ =	swait.ge @!p0 [sflag:s8], $0x0  }
0x24: {  	s3 =	sadd.s32 $0x88, s3;
	s6 =	simm.s32 @!p1 $0x1082;
	[sflag:s4] =	ssyncset.s32 $0xFFFFF086  }
0x25: {  	[simem:s6], [sflag:s4] =	dma.local [hbm:s3], $0xF7A  }
0x26: {  	[smem:$0x3F95] =	sst s1;
	(tag) =	ssettag s2;
	_ =	strace s9  }
0x27: {  	s1 =	sld [smem:$0x3FA5]  }
0x28: {  	s2 =	sld [smem:$0x3FA6]  }
0x29: {  	s4 =	sld [smem:$0x3FA8]  }
0x2a: {  	p0 =	seq.s32 s5, $0x0;
	s5 =	sld [smem:$0x3FA9]  }
0x2b: {  	s6 =	sld [smem:$0x3FAA]  }
0x2c: {  	s7 =	sld [smem:$0x3FAB]  }
0x2d: {  	s3 =	simm.s32 $0x108;
	s8 =	sld [smem:$0x3FAC]  }
0x2e: {  	s3 =	simm.s32 @!p0 $0x1082;
	s9 =	sld [smem:$0x3FAD]  }
0x2f: {  	lr =	sadd.s32 s0, s3;
	s0 =	sld [smem:$0x3FA4]  }
0x30: {  	s3 =	sld [smem:$0x3FA7]  }
0x31: {  	[smem:$0x3FB0] =	sst s10  }
0x32: {  	s10 =	sld [smem:$0x3FAE];
	_ =	sdelay $0x3  }
0x33: {  	p0 =	seq.s32 s10, $0x1;
	s10 =	sld [smem:$0x3FB0];
	_ =	sdelay $0x3  }
0x34: {  	[smem:$0x3FB0] =	sst s10  }
0x35: {  	s10 =	sld [smem:$0x3FAF];
	_ =	sdelay $0x3  }
0x36: {  	p1 =	seq.s32 s10, $0x1;
	s10 =	sld [smem:$0x3FB0];
	_ =	sdelay $0x3  }
0x37: {  	[smem:$0x3FB0] =	sst s10  }
0x38: {  	s10 =	sld [smem:$0x3FB1]  }
0x39: {  	_ = 	snop;
	(pc) =	sbr.ind lr, $3  }
0x3a: {  	_ = 	snop  }
0x3b: {  	_ = 	snop  }
0x3c: {  	p2 =	seq.s32 s10, $0x1;
	s10 =	sld [smem:$0x3FB0]  }
0x3d: {  	_ =	shalt  }
0x3e: {  	_ =	shalt  }
0x3f: {  	_ =	shalt  }
0x40: {  	_ =	shalt  }
0x41: {  	_ =	shalt  }
0x42: {  	_ =	shalt  }
0x43: {  	_ =	shalt  }
0x44: {  	_ =	shalt  }
0x45: {  	_ =	shalt  }
0x46: {  	_ =	shalt  }
0x47: {  	_ =	shalt  }
0x48: {  	_ =	shalt  }
0x49: {  	_ =	shalt  }
0x4a: {  	_ =	shalt  }
0x4b: {  	_ =	shalt  }
0x4c: {  	_ =	shalt  }
0x4d: {  	_ =	shalt  }
0x4e: {  	_ =	shalt  }
0x4f: {  	_ =	shalt  }
0x50: {  	_ =	shalt  }
0x51: {  	_ =	shalt  }
0x52: {  	_ =	shalt  }
0x53: {  	_ =	shalt  }
0x54: {  	_ =	shalt  }
0x55: {  	_ =	shalt  }
0x56: {  	_ =	shalt  }
0x57: {  	_ =	shalt  }
0x58: {  	_ =	shalt  }
0x59: {  	_ =	shalt  }
0x5a: {  	_ =	shalt  }
0x5b: {  	_ =	shalt  }
0x5c: {  	_ =	shalt  }
0x5d: {  	_ =	shalt  }
0x5e: {  	_ =	shalt  }
0x5f: {  	_ =	shalt  }
0x60: {  	_ =	shalt  }
0x61: {  	_ =	shalt  }
0x62: {  	_ =	shalt  }
0x63: {  	_ =	shalt  }
0x64: {  	_ =	shalt  }
0x65: {  	_ =	shalt  }
0x66: {  	_ =	shalt  }
0x67: {  	_ =	shalt  }
0x68: {  	_ =	shalt  }
0x69: {  	_ =	shalt  }
0x6a: {  	_ =	shalt  }
0x6b: {  	_ =	shalt  }
0x6c: {  	_ =	shalt  }
0x6d: {  	_ =	shalt  }
0x6e: {  	_ =	shalt  }
0x6f: {  	_ =	shalt  }
0x70: {  	_ =	shalt  }
0x71: {  	_ =	shalt  }
0x72: {  	_ =	shalt  }
0x73: {  	_ =	shalt  }
0x74: {  	_ =	shalt  }
0x75: {  	_ =	shalt  }
0x76: {  	_ =	shalt  }
0x77: {  	_ =	shalt  }
0x78: {  	_ =	shalt  }
0x79: {  	_ =	shalt  }
0x7a: {  	_ =	shalt  }
0x7b: {  	_ =	shalt  }
0x7c: {  	_ =	shalt  }
0x7d: {  	_ =	shalt  }
0x7e: {  	_ =	shalt  }
0x7f: {  	_ =	shalt  }
0x80: {  	_ =	shalt  }
0x81: {  	_ =	shalt  }
0x82: {  	_ =	shalt  }
0x83: {  	_ =	shalt  }
0x84: {  	_ =	shalt  }
0x85: {  	_ =	shalt  }
0x86: {  	_ =	shalt  }
0x87: {  	_ =	shalt  }
.Lfunc_end0:
.L_simem_size_0:
called_computation.1_lowered:
.L_overlay_start_0:
0x88: {  	s2 =	sld [smem:$0x3FD9]  }
0x89: {  	s3 =	sld [smem:$0x3FFE];
	_ =	sdelay $0x1  }
0x8a: {  	s1 =	srdreg.scid  }
0x8b: {  	s0 =	sand.u32 $0x1, s1  }
0x8c: {  	s17 =	sshll.u32 s0, $0xA;
	s2 =	sadd.s32 s3, s2  }
0x8d: {  	s2 =	sadd.s32 s2, s17  }
0x8e: {  	[smem:$0x3FBC] =	sst s2  }
0x8f: {  	_ = 	snop  }
0x90: {  	s2 =	sld [smem:$0x3FC8];
	(tm) =	ssettm $0x1  }
0x91: {  	s18 =	sld [smem:$0x3FFB];
	_ =	sdelay $0x3  }
0x92: {  	_ =	strace s18  }
0x93: {  	s3 =	sld [smem:$0x3FFC];
	_ =	sdelay $0x3  }
0x94: {  	_ =	strace s3  }
0x95: {  	s3 =	sld [smem:$0x3FFD];
	_ =	sdelay $0x3  }
0x96: {  	_ =	strace s3  }
0x97: {  	_ =	strace $0x8FFFFFFF  }
0x98: {  	s19 =	sld [smem:$0x3FDB];
	_ =	sdelay $0x1  }
0x99: {  	s4 =	simm.s32 $_scs_section_size  }
0x9a: {  	s5 =	simm.s32 $_size__tile_overlayer_lowered;
	s6 =	simm.s32 $_tile_overlayer_lowered  }
0x9b: {  	s22 =	simm.s32 $0x1BFF;
	s21 =	sshll.u32 s6, $0x1;
	s3 =	sadd.s32 s4, s19  }
0x9c: {  	s7 =	simm.s32 $0x0;
	s20 =	sshll.u32 s5, $0x1;
	s5 =	sadd.s32 s21, s3  }
0x9d: {  	[timem:s7], [sflag:s22] =	dma.local [hbm:s5], s20  }
0x9e: {  	_ =	swait.ge [sflag:s22], s20  }
0x9f: {  	s4 =	ssub.s32 $0x0, s20;
	[sflag:s22] =	ssyncset.done $0x0  }
0xa0: {  	[sflag:s22] =	ssyncadd.s32 s4;
	_ =	sdelay $0x1  }
0xa1: {  	s23 =	simm.s32 $0x1B8B  }
0xa2: {  	_ =	swait.ge [sflag:s23], $0x1  }
0xa3: {  	[sflag:s23] =	ssyncset.done $0x0  }
0xa4: {  	s25 =	simm.s32 $0x1B8E;
	s24 =	sld [smem:$0x3FFE];
	[sflag:s23] =	ssyncadd.s32 $0xFFFFFFFF  }
0xa5: {  	s26 =	simm.s32 $execute0_lowered;
	[smem:$0x3FD2] =	sst s25  }
0xa6: {  	s5 =	sshll.u32 s26, $0x1;
	_ =	strace $0x80000046;
	[dreg:$0x1] =	wrdreg $0xFFFFFFFF  }
0xa7: {  	s28 =	simm.s32 $_size_execute0_lowered;
	s3 =	sadd.s32 s3, s5;
	[dreg:$0x0] =	wrdreg $0x0  }
0xa8: {  	s5 =	sshll.u32 s28, $0x1;
	[dreg:$0x2] =	wrdreg s3  }
0xa9: {  	[dreg:$0x3] =	wrdreg s5  }
0xaa: {  	[dreg:$0x4] =	wrdreg $0xC0  }
0xab: {  	_ =	task [dreg:s7], $0x5FFFF  }
0xac: {  	[dreg:$0x1] =	wrdreg $0xFFFFFFFF  }
0xad: {  	[dreg:$0x0] =	wrdreg $0x60  }
0xae: {  	[dreg:$0x2] =	wrdreg s2  }
0xaf: {  	[dreg:$0x3] =	wrdreg s24  }
0xb0: {  	[dreg:$0x4] =	wrdreg $0xA  }
0xb1: {  	_ =	task.clear_ibuf [dreg:s7], $0x5FFFF;
	_ =	strace $0x90000046  }
0xb2: {  	s29 =	simm.s32 $0xA;
	_ =	strace $0x80000048  }
0xb3: {  	_ =	swait.ge [sflag:s29], $0x1  }
0xb4: {  	[sflag:s29] =	ssyncadd.s32 $0xFFFFFFFF  }
0xb5: {  	_ =	strace $0x90000048  }
0xb6: {  	_ =	sfence  }
0xb7: {  	s30 =	sld [smem:$0x0];
	_ =	sdelay $0x2  }
0xb8: {  	s31 =	sshll.u32 s1, $0xD;
	s1 =	sshrl.u32 s1, $0x2  }
0xb9: {  	s3 =	sand.u32 $0x4000, s31;
	s1 =	sadd.s32 s1, s30  }
0xba: {  	s0 =	sor.u32 s3, s0;
	s1 =	sshll.u32 s1, $0x11  }
0xbb: {  	s0 =	sor.u32 s1, s0  }
0xbc: {  	s0 =	sadd.s32 $0x8F2B, s0  }
0xbd: {  	[sflag:s0] =	ssyncadd.remote.s32 $0x1  }
0xbe: {  	_ =	sfence.sel $0xFFFF  }
0xbf: {  	[dreg:$0x0] =	wrdreg $0xFFFFFFFF;
	(pc) =	sbr.abs _section_cstart, $3  }
0xc0: {  	[dreg:$0x1] =	wrdreg $0xFFFFFFFF  }
0xc1: {  	_ =	task.clear_ibuf [dreg:s7], $0x2FFFF;
	_ =	strace $0x9FFFFFFF  }
0xc2: {  	(tm) =	ssettm $0x7FFFFFFF  }
0xc3: {  	_ =	shalt  }
tec
execute0_lowered:
.L_overlay_start_1:
0x0: {  	(tag) =	ssettag $0x1  }
0x1: {  	s3 =	rddreg [dreg:$0x0]  }
0x2: {  	s4 =	rddreg [dreg:$0x1];
	s5 =	srdreg.scid  }
0x3: {  	s0 =	rddreg [dreg:$0x2];
	s5 =	sand.u32 $0x1, s5  }
0x4: {  	s2 =	simm.s32 $0x0;
	s7 =	sshll.u32 s5, $0x9;
	s5 =	ssub.s32 $0x2, s5  }
0x5: {  	s1 =	stileid.u32;
	s10 =	simm.s32 $0x100;
	s9 =	sshrl.u32 s5, $0x1  }
0x6: {  	s11 =	simm.s32 $0x8200;
	s12 =	simm.s32 $0x180;
	s5 =	ssub.s32 s5, s9  }
0x7: {  	s13 =	simm.s32 $0xC200;
	p0 =	por $0x0, $0x0;
	s15 =	smax.u32 s5, $0x1  }
0x8: {  	[smem:$0x7FF] =	sst s2;
	s6 =	sshll.u32 s1, $0xA;
	p1 =	sne.s32 s15, $0x1  }
.Ltmp0:
0x9: {  	_ =	strace $0x80000047;
	s7 =	sor.u32 s7, s6;
	(pc) =	sbr.rel @!p1 .LBB2_3-.Ltmp0, $4  }
0xa: {  	s6 =	sadd.s32 $0x1E00, s4;
	s8 =	sshll.u32 s7, $0x4;
	s7 =	sshrl.u32 s7, $0x3  }
0xb: {  	s9 =	simm.s32 $0x4200;
	s4 =	sadd.s32 s8, s4;
	s14 =	sadd.s32 s3, s7  }
0xc: {  	s3 =	simm.s32 $0x2;
	s8 =	simm.s32 $0x80;
	s5 =	simm.s32 $0x200  }
0xd: {  	v0 =	vimm.s32 $0xFFFF3C80;
	s7 =	simm.s32 $0x1;
	s4 =	sadd.s32 $0xC5600, s4;
	s15 =	sadd.s32 $0xFFFFFFFF, s15  }
0xe: {  	[tilespmem:s2], [sflag:$0x2] =	stream.linear.gather [hbm4b:s14+s2], $0x200, $0x38;
	[tilespmem:$0x10200] =	vst v63  }
0xf: {  	_ =	swait.ge [sflag:s3], $0x200  }
0x10: {  	[sflag:s3] =	ssyncset.done $0x0  }
0x11: {  	[sflag:s3] =	ssyncadd.s32 $0xFFFFFE00  }
0x12: {  	v1 =	vld [tilespmem:$0xD0]  }
0x13: {  	v2 =	vld [tilespmem:$0x80]  }
0x14: {  	v3 =	vld [tilespmem:$0x170]  }
0x15: {  	v5 =	vld [tilespmem:$0x1A0]  }
0x16: {  	v31 =	vld [tilespmem:$0x70]  }
0x17: {  	v6 =	vld [tilespmem:$0x1D0]  }
0x18: {  	v7 =	vld [tilespmem:$0x160];
	vm0 =	vlt.s32 v2, $0xC380  }
0x19: {  	v8 =	vld [tilespmem:$0x1C0];
	vm1 =	vlt.s32 v1, $0xC380;
	vm2 =	vlt.s32 v3, $0xC380;
	v9 =	vsel vm0, $0x0, v0  }
0x1a: {  	v4 =	vld [tilespmem:$0x180];
	vm12 =	vlt.s32 v5, $0xC380;
	v11 =	vsel vm1, $0x0, v0;
	v2 =	vadd.s32 v2, v9  }
0x1b: {  	v50 =	vld [tilespmem:$0x110];
	vm6 =	vlt.s32 v31, $0xC380;
	v30 =	vsel vm2, $0x0, v0;
	v1 =	vadd.s32 v1, v11;
	[tilespmem:$0x80] =	vst v2  }
0x1c: {  	vm13 =	vlt.s32 v6, $0xC380;
	v39 =	vsel vm6, $0x0, v0;
	v2 =	vadd.s32 v3, v30;
	v3 =	vld [tilespmem:$0x1E0];
	[tilespmem:$0xD0] =	vst v1  }
0x1d: {  	v10 =	vld [tilespmem:$0x1B0];
	vm14 =	vlt.s32 v7, $0xC380;
	v41 =	vadd.s32 v31, v39;
	[tilespmem:$0x170] =	vst v2;
	v2 =	vsel vm12, $0x0, v0  }
0x1e: {  	v12 =	vld [tilespmem:$0x40];
	vm15 =	vlt.s32 v8, $0xC380;
	[tilespmem:$0x70] =	vst v41;
	v1 =	vadd.s32 v5, v2;
	v2 =	vsel vm13, $0x0, v0  }
0x1f: {  	v35 =	vld [tilespmem:$0xE0];
	vm0 =	vlt.s32 v4, $0xC380;
	v33 =	vsel vm14, $0x0, v0;
	[tilespmem:$0x1A0] =	vst v1;
	v1 =	vadd.s32 v6, v2  }
0x20: {  	vm6 =	vlt.s32 v50, $0xC380;
	v52 =	vsel vm0, $0x0, v0;
	v2 =	vadd.s32 v7, v33;
	[tilespmem:$0x1D0] =	vst v1;
	v1 =	vld [tilespmem:$0x10]  }
0x21: {  	v56 =	vsel vm6, $0x0, v0;
	v4 =	vadd.s32 v4, v52;
	[tilespmem:$0x160] =	vst v2;
	v2 =	vld [tilespmem:$0x30];
	vm5 =	vlt.s32 v3, $0xC380  }
0x22: {  	v38 =	vld [tilespmem:$0x20];
	vm4 =	vlt.s32 v10, $0xC380;
	v58 =	vadd.s32 v50, v56;
	[tilespmem:$0x180] =	vst v4;
	v37 =	vsel vm5, $0x0, v0  }
0x23: {  	v42 =	vld [tilespmem:$0xC0];
	vm8 =	vlt.s32 v12, $0xC380;
	v34 =	vsel vm15, $0x0, v0;
	[tilespmem:$0x110] =	vst v58;
	v3 =	vadd.s32 v3, v37  }
0x24: {  	v43 =	vld [tilespmem:$0xA0];
	vm9 =	vlt.s32 v35, $0xC380;
	v5 =	vadd.s32 v8, v34;
	[tilespmem:$0x1E0] =	vst v3;
	v3 =	vsel vm8, $0x0, v0  }
0x25: {  	v32 =	vld [tilespmem:$0x50];
	v45 =	vsel vm9, $0x0, v0;
	[tilespmem:$0x1C0] =	vst v5;
	vm10 =	vlt.s32 v1, $0xC380;
	v3 =	vadd.s32 v12, v3  }
0x26: {  	v44 =	vld [tilespmem:$0x90];
	vm11 =	vlt.s32 v2, $0xC380;
	v46 =	vsel vm10, $0x0, v0;
	[tilespmem:$0x40] =	vst v3;
	v3 =	vadd.s32 v35, v45  }
0x27: {  	v47 =	vld [tilespmem:$0x0];
	vm12 =	vlt.s32 v38, $0xC380;
	v48 =	vsel vm11, $0x0, v0;
	v1 =	vadd.s32 v1, v46;
	[tilespmem:$0xE0] =	vst v3  }
0x28: {  	v49 =	vld [tilespmem:$0x60];
	vm13 =	vlt.s32 v42, $0xC380;
	v3 =	vsel vm12, $0x0, v0;
	v2 =	vadd.s32 v2, v48;
	[tilespmem:$0x10] =	vst v1  }
0x29: {  	vm14 =	vlt.s32 v43, $0xC380;
	v1 =	vadd.s32 v38, v3;
	[tilespmem:$0x30] =	vst v2;
	v2 =	vld [tilespmem:$0xB0];
	v3 =	vsel vm13, $0x0, v0  }
0x2a: {  	v51 =	vld [tilespmem:$0x100];
	vm7 =	vlt.s32 v32, $0xC380;
	[tilespmem:$0x20] =	vst v1;
	v1 =	vsel vm14, $0x0, v0;
	v3 =	vadd.s32 v42, v3  }
0x2b: {  	v36 =	vsel vm4, $0x0, v0;
	v40 =	vsel vm7, $0x0, v0;
	v1 =	vadd.s32 v43, v1;
	[tilespmem:$0xC0] =	vst v3;
	v3 =	vld [tilespmem:$0xF0]  }
0x2c: {  	vm15 =	vlt.s32 v44, $0xC380;
	vm4 =	vlt.s32 v47, $0xC380;
	v7 =	vadd.s32 v10, v36;
	[tilespmem:$0xA0] =	vst v1;
	v1 =	vld [tilespmem:$0x1F0]  }
0x2d: {  	v55 =	vld [tilespmem:$0x150];
	v53 =	vsel vm15, $0x0, v0;
	v5 =	vadd.s32 v32, v40;
	[tilespmem:$0x1B0] =	vst v7;
	vm5 =	vlt.s32 v49, $0xC380  }
0x2e: {  	v57 =	vld [tilespmem:$0x140];
	[tilespmem:$0x50] =	vst v5;
	v5 =	vadd.s32 v44, v53;
	v54 =	vsel vm5, $0x0, v0;
	vm7 =	vlt.s32 v2, $0xC380  }
0x2f: {  	v60 =	vld [tilespmem:$0x130];
	[tilespmem:$0x90] =	vst v5;
	v7 =	vadd.s32 v49, v54;
	vm8 =	vlt.s32 v51, $0xC380;
	v59 =	vsel vm7, $0x0, v0  }
0x30: {  	v62 =	vld [tilespmem:$0x120];
	[tilespmem:$0x60] =	vst v7;
	v61 =	vsel vm8, $0x0, v0;
	v2 =	vadd.s32 v2, v59;
	vm9 =	vlt.s32 v3, $0xC380  }
0x31: {  	v63 =	vld [tilespmem:$0x190];
	v6 =	vadd.s32 v51, v61;
	[tilespmem:$0xB0] =	vst v2;
	v2 =	vsel vm9, $0x0, v0;
	vm10 =	vlt.s32 v1, $0xC380  }
0x32: {  	vm11 =	vlt.s32 v55, $0xC380;
	[tilespmem:$0x100] =	vst v6;
	v2 =	vadd.s32 v3, v2;
	v3 =	vsel vm10, $0x0, v0  }
0x33: {  	p1 =	sne.s32 s15, $0x1;
	vm12 =	vlt.s32 v57, $0xC380;
	[tilespmem:$0xF0] =	vst v2;
	v2 =	vsel vm11, $0x0, v0;
	v1 =	vadd.s32 v1, v3  }
.Ltmp1:
0x34: {  	vm13 =	vlt.s32 v60, $0xC380;
	v3 =	vsel vm12, $0x0, v0;
	v2 =	vadd.s32 v55, v2;
	[tilespmem:$0x1F0] =	vst v1;
	(pc) =	sbr.rel @!p1 .LBB2_3-.Ltmp1, $4  }
0x35: {  	vm14 =	vlt.s32 v62, $0xC380;
	v1 =	vsel vm13, $0x0, v0;
	v3 =	vadd.s32 v57, v3;
	[tilespmem:$0x150] =	vst v2  }
0x36: {  	vm15 =	vlt.s32 v63, $0xC380;
	v2 =	vsel vm14, $0x0, v0;
	v1 =	vadd.s32 v60, v1;
	[tilespmem:$0x140] =	vst v3  }
0x37: {  	v3 =	vsel vm4, $0x0, v0;
	v4 =	vadd.s32 v62, v2;
	[tilespmem:$0x130] =	vst v1;
	v1 =	vsel vm15, $0x0, v0  }
0x38: {  	s15 =	sadd.s32 $0xFFFFFFFF, s15;
	p0 =	por $0x1, $0x1;
	v2 =	vadd.s32 v47, v3;
	[tilespmem:$0x120] =	vst v4;
	v1 =	vadd.s32 v63, v1  }
.LBB2_2:
0x39: {  	p1 =	sne.s32 s15, $0x1;
	s15 =	sadd.s32 $0xFFFFFFFF, s15;
	[tilespmem:$0x190] =	vst v1  }
0x3a: {  	[tilespmem:$0x0] =	vst v2  }
0x3b: {  	[tilespmem:s5], [sflag:$0x1] =	stream.indirect.gather [hbm4b:s6+s8], $0x80, s2, s8, $0xb8;
	[tilespmem:$0x10200] =	vst v63  }
0x3c: {  	_ = 	snop  }
0x3d: {  	[tilespmem:s9], [sflag:$0x1] =	stream.indirect.gather [hbm4b:s6+s8], $0x80, s8, s8, $0xb8;
	[tilespmem:$0x10200] =	vst v63  }
0x3e: {  	_ = 	snop  }
0x3f: {  	[tilespmem:s11], [sflag:$0x1] =	stream.indirect.gather [hbm4b:s6+s8], $0x80, s10, s8, $0xb8;
	[tilespmem:$0x10200] =	vst v63  }
0x40: {  	_ = 	snop  }
0x41: {  	[tilespmem:s13], [sflag:$0x1] =	stream.indirect.gather [hbm4b:s6+s8], $0x80, s12, s8, $0xb8;
	[tilespmem:$0x10200] =	vst v63  }
0x42: {  	_ =	swait.ge [sflag:s7], $0x4000  }
0x43: {  	[sflag:s7] =	ssyncset.done $0x0  }
0x44: {  	[sflag:s7] =	ssyncadd.s32 $0xFFFFC000  }
0x45: {  	_ =	swait.ge [sflag:s7], $0x4000  }
0x46: {  	[sflag:s7] =	ssyncset.done $0x0  }
0x47: {  	[sflag:s7] =	ssyncadd.s32 $0xFFFFC000  }
0x48: {  	_ =	swait.ge [sflag:s7], $0x4000  }
0x49: {  	[sflag:s7] =	ssyncset.done $0x0  }
0x4a: {  	[sflag:s7] =	ssyncadd.s32 $0xFFFFC000  }
0x4b: {  	_ =	swait.ge [sflag:s7], $0x4000  }
0x4c: {  	[sflag:s7] =	ssyncset.done $0x0  }
0x4d: {  	[sflag:s7] =	ssyncadd.s32 $0xFFFFC000  }
0x4e: {  	[hbm4b:s4+s2] =	stream.linear.scatter [tilespmem:s5], [sflag:$0x2], $0x10000, $0x38;
	[tilespmem:$0x10200] =	vst v63  }
0x4f: {  	_ =	swait.ge [sflag:s3], $0x10000  }
0x50: {  	[sflag:s3] =	ssyncset.done $0x0  }
0x51: {  	[sflag:s3] =	ssyncadd.s32 $0xFFFF0000  }
0x52: {  	[tilespmem:s2], [sflag:$0x2] =	stream.linear.gather [hbm4b:s14+s2], $0x200, $0x38;
	[tilespmem:$0x10200] =	vst v63  }
0x53: {  	_ =	swait.ge [sflag:s3], $0x200  }
0x54: {  	[sflag:s3] =	ssyncset.done $0x0  }
0x55: {  	[sflag:s3] =	ssyncadd.s32 $0xFFFFFE00  }
0x56: {  	v2 =	vld [tilespmem:$0xD0]  }
0x57: {  	v1 =	vld [tilespmem:$0x180]  }
0x58: {  	v3 =	vld [tilespmem:$0x80]  }
0x59: {  	v4 =	vld [tilespmem:$0x170]  }
0x5a: {  	v5 =	vld [tilespmem:$0x160]  }
0x5b: {  	v6 =	vld [tilespmem:$0x1A0]  }
0x5c: {  	vm0 =	vlt.s32 v2, $0xC380;
	vm1 =	vlt.s32 v1, $0xC380;
	v7 =	vld [tilespmem:$0x1D0]  }
0x5d: {  	v8 =	vsel vm0, $0x0, v0;
	vm2 =	vlt.s32 v3, $0xC380;
	v9 =	vsel vm1, $0x0, v0;
	v10 =	vld [tilespmem:$0x1C0]  }
0x5e: {  	v2 =	vadd.s32 v2, v8;
	v11 =	vsel vm2, $0x0, v0;
	vm0 =	vlt.s32 v4, $0xC380;
	v8 =	vld [tilespmem:$0x1B0]  }
0x5f: {  	v12 =	vld [tilespmem:$0x10];
	v3 =	vadd.s32 v3, v11;
	vm1 =	vlt.s32 v5, $0xC380;
	v11 =	vsel vm0, $0x0, v0  }
0x60: {  	[tilespmem:$0x80] =	vst v3;
	v3 =	vsel vm1, $0x0, v0;
	v4 =	vadd.s32 v4, v11;
	vm0 =	vlt.s32 v6, $0xC380;
	v11 =	vld [tilespmem:$0x1E0]  }
0x61: {  	v13 =	vld [tilespmem:$0x70];
	v3 =	vadd.s32 v5, v3;
	[tilespmem:$0x170] =	vst v4;
	v4 =	vsel vm0, $0x0, v0;
	vm0 =	vlt.s32 v7, $0xC380  }
0x62: {  	v5 =	vld [tilespmem:$0x50];
	[tilespmem:$0xD0] =	vst v2;
	v2 =	vadd.s32 v6, v4;
	vm1 =	vlt.s32 v10, $0xC380;
	v4 =	vsel vm0, $0x0, v0  }
0x63: {  	v6 =	vld [tilespmem:$0x40];
	[tilespmem:$0x1A0] =	vst v2;
	vm0 =	vlt.s32 v8, $0xC380;
	v2 =	vsel vm1, $0x0, v0;
	v4 =	vadd.s32 v7, v4  }
0x64: {  	vm1 =	vlt.s32 v12, $0xC380;
	v7 =	vld [tilespmem:$0xE0];
	v14 =	vsel vm0, $0x0, v0;
	v2 =	vadd.s32 v10, v2;
	[tilespmem:$0x1D0] =	vst v4  }
0x65: {  	v4 =	vsel vm1, $0x0, v0;
	v10 =	vld [tilespmem:$0x30];
	[tilespmem:$0x160] =	vst v3;
	v3 =	vadd.s32 v8, v14;
	vm0 =	vlt.s32 v11, $0xC380  }
0x66: {  	v4 =	vadd.s32 v12, v4;
	v8 =	vld [tilespmem:$0x20];
	vm1 =	vlt.s32 v13, $0xC380;
	[tilespmem:$0x1C0] =	vst v2;
	v2 =	vsel vm0, $0x0, v0  }
0x67: {  	v12 =	vld [tilespmem:$0x0];
	vm0 =	vlt.s32 v5, $0xC380;
	v14 =	vsel vm1, $0x0, v0;
	[tilespmem:$0x1B0] =	vst v3;
	v2 =	vadd.s32 v11, v2  }
0x68: {  	vm1 =	vlt.s32 v6, $0xC380;
	v3 =	vsel vm0, $0x0, v0;
	v11 =	vadd.s32 v13, v14;
	v13 =	vld [tilespmem:$0xC0];
	[tilespmem:$0x1E0] =	vst v2  }
0x69: {  	v2 =	vsel vm1, $0x0, v0;
	v3 =	vadd.s32 v5, v3;
	[tilespmem:$0x70] =	vst v11;
	v5 =	vld [tilespmem:$0xA0];
	vm0 =	vlt.s32 v7, $0xC380  }
0x6a: {  	vm1 =	vlt.s32 v10, $0xC380;
	v2 =	vadd.s32 v6, v2;
	[tilespmem:$0x50] =	vst v3;
	v3 =	vld [tilespmem:$0x90];
	v6 =	vsel vm0, $0x0, v0  }
0x6b: {  	vm0 =	vlt.s32 v8, $0xC380;
	v11 =	vsel vm1, $0x0, v0;
	[tilespmem:$0x40] =	vst v2;
	v14 =	vld [tilespmem:$0x60];
	v2 =	vadd.s32 v7, v6  }
0x6c: {  	vm1 =	vlt.s32 v12, $0xC380;
	v6 =	vsel vm0, $0x0, v0;
	v7 =	vadd.s32 v10, v11;
	[tilespmem:$0xE0] =	vst v2;
	v10 =	vld [tilespmem:$0x110]  }
0x6d: {  	v2 =	vsel vm1, $0x0, v0;
	[tilespmem:$0x10] =	vst v4;
	v4 =	vadd.s32 v8, v6;
	vm0 =	vlt.s32 v13, $0xC380  }
0x6e: {  	v2 =	vadd.s32 v12, v2;
	[tilespmem:$0x30] =	vst v7;
	vm1 =	vlt.s32 v5, $0xC380;
	v6 =	vld [tilespmem:$0xB0];
	v7 =	vsel vm0, $0x0, v0  }
0x6f: {  	[tilespmem:$0x20] =	vst v4;
	vm0 =	vlt.s32 v3, $0xC380;
	v4 =	vsel vm1, $0x0, v0;
	v7 =	vadd.s32 v13, v7;
	v8 =	vld [tilespmem:$0x100]  }
0x70: {  	vm1 =	vlt.s32 v14, $0xC380;
	v11 =	vsel vm0, $0x0, v0;
	v4 =	vadd.s32 v5, v4;
	[tilespmem:$0xC0] =	vst v7;
	v5 =	vld [tilespmem:$0xF0]  }
0x71: {  	v7 =	vsel vm1, $0x0, v0;
	v3 =	vadd.s32 v3, v11;
	[tilespmem:$0xA0] =	vst v4;
	vm0 =	vlt.s32 v10, $0xC380;
	v4 =	vld [tilespmem:$0x1F0]  }
0x72: {  	v1 =	vadd.s32 v1, v9;
	v7 =	vadd.s32 v14, v7;
	[tilespmem:$0x90] =	vst v3;
	v3 =	vsel vm0, $0x0, v0;
	v11 =	vld [tilespmem:$0x150]  }
0x73: {  	vm0 =	vlt.s32 v6, $0xC380;
	v3 =	vadd.s32 v10, v3;
	v9 =	vld [tilespmem:$0x140];
	[tilespmem:$0x180] =	vst v1  }
0x74: {  	[tilespmem:$0x60] =	vst v7;
	v1 =	vsel vm0, $0x0, v0;
	vm0 =	vlt.s32 v8, $0xC380;
	v7 =	vld [tilespmem:$0x130]  }
0x75: {  	v1 =	vadd.s32 v6, v1;
	vm1 =	vlt.s32 v5, $0xC380;
	v6 =	vsel vm0, $0x0, v0;
	[tilespmem:$0x110] =	vst v3;
	v3 =	vld [tilespmem:$0x120]  }
0x76: {  	[tilespmem:$0xB0] =	vst v1;
	v1 =	vsel vm1, $0x0, v0;
	v6 =	vadd.s32 v8, v6;
	v8 =	vld [tilespmem:$0x190];
	vm0 =	vlt.s32 v4, $0xC380  }
0x77: {  	v1 =	vadd.s32 v5, v1;
	[tilespmem:$0x100] =	vst v6;
	vm1 =	vlt.s32 v11, $0xC380;
	v5 =	vsel vm0, $0x0, v0  }
0x78: {  	[tilespmem:$0xF0] =	vst v1;
	vm0 =	vlt.s32 v9, $0xC380;
	v1 =	vsel vm1, $0x0, v0;
	v4 =	vadd.s32 v4, v5  }
.Ltmp2:
0x79: {  	vm1 =	vlt.s32 v7, $0xC380;
	v5 =	vsel vm0, $0x0, v0;
	v1 =	vadd.s32 v11, v1;
	[tilespmem:$0x1F0] =	vst v4;
	(pc) =	sbr.rel @p1 .LBB2_2-.Ltmp2, $4  }
0x7a: {  	vm0 =	vlt.s32 v3, $0xC380;
	v4 =	vsel vm1, $0x0, v0;
	v5 =	vadd.s32 v9, v5;
	[tilespmem:$0x150] =	vst v1  }
0x7b: {  	v1 =	vsel vm0, $0x0, v0;
	v4 =	vadd.s32 v7, v4;
	[tilespmem:$0x140] =	vst v5;
	vm0 =	vlt.s32 v8, $0xC380  }
0x7c: {  	v1 =	vadd.s32 v3, v1;
	[tilespmem:$0x130] =	vst v4;
	v3 =	vsel vm0, $0x0, v0  }
0x7d: {  	[tilespmem:$0x120] =	vst v1;
	v1 =	vadd.s32 v8, v3  }
.LBB2_3:
0x7e: {  	[tilespmem:$0x190] =	vst @p0 v1  }
0x7f: {  	[tilespmem:$0x0] =	vst @p0 v2  }
0x80: {  	[tilespmem:s5], [sflag:$0x1] =	stream.indirect.gather @p0 [hbm4b:s6+s8], $0x80, s2, s8, $0xb8;
	[tilespmem:$0x10200] =	vst v63  }
0x81: {  	_ = 	snop  }
0x82: {  	[tilespmem:s9], [sflag:$0x1] =	stream.indirect.gather @p0 [hbm4b:s6+s8], $0x80, s8, s8, $0xb8;
	[tilespmem:$0x10200] =	vst v63  }
0x83: {  	_ = 	snop  }
0x84: {  	[tilespmem:s11], [sflag:$0x1] =	stream.indirect.gather @p0 [hbm4b:s6+s8], $0x80, s10, s8, $0xb8;
	[tilespmem:$0x10200] =	vst v63  }
0x85: {  	_ = 	snop  }
0x86: {  	[tilespmem:s13], [sflag:$0x1] =	stream.indirect.gather @p0 [hbm4b:s6+s8], $0x80, s12, s8, $0xb8;
	[tilespmem:$0x10200] =	vst v63  }
0x87: {  	_ =	swait.ge @p0 [sflag:s7], $0x4000  }
0x88: {  	[sflag:s7] =	ssyncset.done @p0 $0x0  }
0x89: {  	[sflag:s7] =	ssyncadd.s32 @p0 $0xFFFFC000  }
0x8a: {  	_ =	swait.ge @p0 [sflag:s7], $0x4000  }
0x8b: {  	[sflag:s7] =	ssyncset.done @p0 $0x0  }
0x8c: {  	[sflag:s7] =	ssyncadd.s32 @p0 $0xFFFFC000  }
0x8d: {  	_ =	swait.ge @p0 [sflag:s7], $0x4000  }
0x8e: {  	[sflag:s7] =	ssyncset.done @p0 $0x0  }
0x8f: {  	[sflag:s7] =	ssyncadd.s32 @p0 $0xFFFFC000  }
0x90: {  	_ =	swait.ge @p0 [sflag:s7], $0x4000  }
0x91: {  	[sflag:s7] =	ssyncset.done @p0 $0x0  }
0x92: {  	[sflag:s7] =	ssyncadd.s32 @p0 $0xFFFFC000  }
0x93: {  	[hbm4b:s4+s2] =	stream.linear.scatter @p0 [tilespmem:s5], [sflag:$0x2], $0x10000, $0x38;
	[tilespmem:$0x10200] =	vst v63  }
0x94: {  	_ =	swait.ge @p0 [sflag:s3], $0x10000  }
0x95: {  	[sflag:s3] =	ssyncset.done @p0 $0x0  }
0x96: {  	[sflag:s3] =	ssyncadd.s32 @p0 $0xFFFF0000  }
0x97: {  	[tilespmem:s2], [sflag:$0x2] =	stream.linear.gather [hbm4b:s14+s2], $0x200, $0x38;
	[tilespmem:$0x10200] =	vst v63  }
0x98: {  	_ =	swait.ge [sflag:s3], $0x200  }
0x99: {  	[sflag:s3] =	ssyncset.done $0x0  }
0x9a: {  	[sflag:s3] =	ssyncadd.s32 $0xFFFFFE00  }
0x9b: {  	v55 =	vld [tilespmem:$0x80]  }
0x9c: {  	v56 =	vld [tilespmem:$0x170]  }
0x9d: {  	v3 =	vld [tilespmem:$0xD0]  }
0x9e: {  	v5 =	vld [tilespmem:$0x1D0]  }
0x9f: {  	v6 =	vld [tilespmem:$0x160]  }
0xa0: {  	v9 =	vld [tilespmem:$0x1B0];
	vm0 =	vlt.s32 v55, $0xC380  }
0xa1: {  	v59 =	vld [tilespmem:$0x1E0];
	vm10 =	vlt.s32 v56, $0xC380;
	v8 =	vsel vm0, $0x0, v0  }
0xa2: {  	v60 =	vld [tilespmem:$0x70];
	vm1 =	vlt.s32 v3, $0xC380;
	v57 =	vsel vm10, $0x0, v0;
	v1 =	vadd.s32 v55, v8  }
0xa3: {  	v16 =	vld [tilespmem:$0xE0];
	vm12 =	vlt.s32 v5, $0xC380;
	v10 =	vsel vm1, $0x0, v0;
	v58 =	vadd.s32 v56, v57;
	[tilespmem:$0x80] =	vst v1  }
0xa4: {  	v4 =	vld [tilespmem:$0x1A0];
	vm13 =	vlt.s32 v6, $0xC380;
	v63 =	vsel vm12, $0x0, v0;
	v3 =	vadd.s32 v3, v10;
	[tilespmem:$0x170] =	vst v58  }
0xa5: {  	v7 =	vld [tilespmem:$0x1C0];
	vm15 =	vlt.s32 v9, $0xC380;
	v12 =	vsel vm13, $0x0, v0;
	v13 =	vadd.s32 v5, v63;
	[tilespmem:$0xD0] =	vst v3  }
0xa6: {  	v11 =	vld [tilespmem:$0x40];
	vm4 =	vlt.s32 v59, $0xC380;
	v18 =	vsel vm15, $0x0, v0;
	v14 =	vadd.s32 v6, v12;
	[tilespmem:$0x1D0] =	vst v13  }
0xa7: {  	v19 =	vld [tilespmem:$0x30];
	vm5 =	vlt.s32 v60, $0xC380;
	v20 =	vsel vm4, $0x0, v0;
	v6 =	vadd.s32 v9, v18;
	[tilespmem:$0x160] =	vst v14  }
0xa8: {  	v21 =	vld [tilespmem:$0x20];
	vm8 =	vlt.s32 v16, $0xC380;
	v22 =	vsel vm5, $0x0, v0;
	v2 =	vadd.s32 v59, v20;
	[tilespmem:$0x1B0] =	vst v6  }
0xa9: {  	v30 =	vld [tilespmem:$0x180];
	vm11 =	vlt.s32 v4, $0xC380;
	v29 =	vsel vm8, $0x0, v0;
	v24 =	vadd.s32 v60, v22;
	[tilespmem:$0x1E0] =	vst v2  }
0xaa: {  	v34 =	vld [tilespmem:$0x60];
	vm14 =	vlt.s32 v7, $0xC380;
	v61 =	vsel vm11, $0x0, v0;
	v32 =	vadd.s32 v16, v29;
	[tilespmem:$0x70] =	vst v24  }
0xab: {  	v36 =	vld [tilespmem:$0x110];
	vm7 =	vlt.s32 v11, $0xC380;
	v15 =	vsel vm14, $0x0, v0;
	v1 =	vadd.s32 v4, v61;
	[tilespmem:$0xE0] =	vst v32  }
0xac: {  	v62 =	vld [tilespmem:$0x50];
	v26 =	vsel vm7, $0x0, v0;
	vm10 =	vlt.s32 v19, $0xC380;
	v4 =	vadd.s32 v7, v15;
	[tilespmem:$0x1A0] =	vst v1  }
0xad: {  	v17 =	vld [tilespmem:$0x10];
	vm11 =	vlt.s32 v21, $0xC380;
	v33 =	vsel vm10, $0x0, v0;
	v2 =	vadd.s32 v11, v26;
	[tilespmem:$0x1C0] =	vst v4  }
0xae: {  	v25 =	vld [tilespmem:$0xC0];
	vm15 =	vlt.s32 v30, $0xC380;
	v35 =	vsel vm11, $0x0, v0;
	v3 =	vadd.s32 v19, v33;
	[tilespmem:$0x40] =	vst v2  }
0xaf: {  	v38 =	vld [tilespmem:$0xB0];
	vm4 =	vlt.s32 v34, $0xC380;
	v44 =	vsel vm15, $0x0, v0;
	v37 =	vadd.s32 v21, v35;
	[tilespmem:$0x30] =	vst v3  }
0xb0: {  	v41 =	vld [tilespmem:$0x100];
	vm5 =	vlt.s32 v36, $0xC380;
	v46 =	vsel vm4, $0x0, v0;
	v6 =	vadd.s32 v30, v44;
	[tilespmem:$0x20] =	vst v37  }
0xb1: {  	v27 =	vld [tilespmem:$0xA0];
	vm6 =	vlt.s32 v62, $0xC380;
	v48 =	vsel vm5, $0x0, v0;
	v8 =	vadd.s32 v34, v46;
	[tilespmem:$0x180] =	vst v6  }
0xb2: {  	v28 =	vld [tilespmem:$0x90];
	vm9 =	vlt.s32 v17, $0xC380;
	v23 =	vsel vm6, $0x0, v0;
	v5 =	vadd.s32 v36, v48;
	[tilespmem:$0x60] =	vst v8  }
0xb3: {  	v43 =	vld [tilespmem:$0xF0];
	v31 =	vsel vm9, $0x0, v0;
	vm12 =	vlt.s32 v25, $0xC380;
	v4 =	vadd.s32 v62, v23;
	[tilespmem:$0x110] =	vst v5  }
0xb4: {  	v49 =	vld [tilespmem:$0x140];
	vm6 =	vlt.s32 v38, $0xC380;
	v39 =	vsel vm12, $0x0, v0;
	v1 =	vadd.s32 v17, v31;
	[tilespmem:$0x50] =	vst v4  }
0xb5: {  	v45 =	vld [tilespmem:$0x1F0];
	vm7 =	vlt.s32 v41, $0xC380;
	v50 =	vsel vm6, $0x0, v0;
	v3 =	vadd.s32 v25, v39;
	[tilespmem:$0x10] =	vst v1  }
0xb6: {  	v47 =	vld [tilespmem:$0x150];
	vm13 =	vlt.s32 v27, $0xC380;
	v52 =	vsel vm7, $0x0, v0;
	v2 =	vadd.s32 v38, v50;
	[tilespmem:$0xC0] =	vst v3  }
0xb7: {  	v51 =	vld [tilespmem:$0x130];
	vm14 =	vlt.s32 v28, $0xC380;
	v40 =	vsel vm13, $0x0, v0;
	v6 =	vadd.s32 v41, v52;
	[tilespmem:$0xB0] =	vst v2  }
0xb8: {  	v53 =	vld [tilespmem:$0x120];
	vm8 =	vlt.s32 v43, $0xC380;
	v42 =	vsel vm14, $0x0, v0;
	v1 =	vadd.s32 v27, v40;
	[tilespmem:$0x100] =	vst v6  }
0xb9: {  	v54 =	vsel vm8, $0x0, v0;
	v55 =	vld [tilespmem:$0x190];
	vm11 =	vlt.s32 v49, $0xC380;
	v4 =	vadd.s32 v28, v42;
	[tilespmem:$0xA0] =	vst v1  }
0xba: {  	vm9 =	vlt.s32 v45, $0xC380;
	v56 =	vld [tilespmem:$0x0];
	v59 =	vsel vm11, $0x0, v0;
	v2 =	vadd.s32 v43, v54;
	[tilespmem:$0x90] =	vst v4  }
0xbb: {  	vm10 =	vlt.s32 v47, $0xC380;
	v57 =	vsel vm9, $0x0, v0;
	v3 =	vadd.s32 v49, v59;
	[tilespmem:$0xF0] =	vst v2  }
0xbc: {  	vm12 =	vlt.s32 v51, $0xC380;
	v58 =	vsel vm10, $0x0, v0;
	v1 =	vadd.s32 v45, v57;
	[tilespmem:$0x140] =	vst v3  }
0xbd: {  	vm13 =	vlt.s32 v53, $0xC380;
	v60 =	vsel vm12, $0x0, v0;
	v2 =	vadd.s32 v47, v58;
	[tilespmem:$0x1F0] =	vst v1  }
0xbe: {  	v61 =	vsel vm13, $0x0, v0;
	[tilespmem:$0x150] =	vst v2;
	v1 =	vadd.s32 v51, v60;
	vm14 =	vlt.s32 v55, $0xC380  }
0xbf: {  	vm15 =	vlt.s32 v56, $0xC380;
	v2 =	vadd.s32 v53, v61;
	[tilespmem:$0x130] =	vst v1;
	v62 =	vsel vm14, $0x0, v0  }
0xc0: {  	v63 =	vsel vm15, $0x0, v0;
	[tilespmem:$0x120] =	vst v2;
	v1 =	vadd.s32 v55, v62  }
0xc1: {  	v0 =	vadd.s32 v56, v63;
	[tilespmem:$0x190] =	vst v1  }
0xc2: {  	[tilespmem:$0x0] =	vst v0  }
0xc3: {  	[tilespmem:s5], [sflag:$0x1] =	stream.indirect.gather [hbm4b:s6+s8], $0x80, s2, s8, $0xb8;
	[tilespmem:$0x10200] =	vst v63  }
0xc4: {  	_ = 	snop  }
0xc5: {  	[tilespmem:s9], [sflag:$0x1] =	stream.indirect.gather [hbm4b:s6+s8], $0x80, s8, s8, $0xb8;
	[tilespmem:$0x10200] =	vst v63  }
0xc6: {  	_ = 	snop  }
0xc7: {  	[tilespmem:s11], [sflag:$0x1] =	stream.indirect.gather [hbm4b:s6+s8], $0x80, s10, s8, $0xb8;
	[tilespmem:$0x10200] =	vst v63  }
0xc8: {  	_ = 	snop  }
0xc9: {  	[tilespmem:s13], [sflag:$0x1] =	stream.indirect.gather [hbm4b:s6+s8], $0x80, s12, s8, $0xb8;
	[tilespmem:$0x10200] =	vst v63  }
0xca: {  	_ =	swait.ge [sflag:s7], $0x4000  }
0xcb: {  	[sflag:s7] =	ssyncset.done $0x0  }
0xcc: {  	[sflag:s7] =	ssyncadd.s32 $0xFFFFC000  }
0xcd: {  	_ =	swait.ge [sflag:s7], $0x4000  }
0xce: {  	[sflag:s7] =	ssyncset.done $0x0  }
0xcf: {  	[sflag:s7] =	ssyncadd.s32 $0xFFFFC000  }
0xd0: {  	_ =	swait.ge [sflag:s7], $0x4000  }
0xd1: {  	[sflag:s7] =	ssyncset.done $0x0  }
0xd2: {  	[sflag:s7] =	ssyncadd.s32 $0xFFFFC000  }
0xd3: {  	_ =	swait.ge [sflag:s7], $0x4000  }
0xd4: {  	[sflag:s7] =	ssyncset.done $0x0  }
0xd5: {  	[sflag:s7] =	ssyncadd.s32 $0xFFFFC000  }
0xd6: {  	[hbm4b:s4+s2] =	stream.linear.scatter [tilespmem:s5], [sflag:$0x2], $0x10000, $0x38;
	[tilespmem:$0x10200] =	vst v63  }
0xd7: {  	_ =	swait.ge [sflag:s3], $0x10000  }
0xd8: {  	[sflag:s3] =	ssyncset.done $0x0  }
0xd9: {  	[sflag:s3] =	ssyncadd.s32 $0xFFFF0000  }
0xda: {  	_ =	sfence.sel $0x180000  }
0xdb: {  	[bflag:$0x0] =	sbarrier.arrive $0xFFFF  }
0xdc: {  	p0 =	sne.s32 s1, $0x0;
	_ =	strace $0x90000047  }
0xdd: {  	s0 =	sadd.s32 @!p0 $0x100000, s0;
	[bflag:$0x2] =	sbarrier.arrive $0xFFFF  }
0xde: {  	[sflag:s0] =	ssyncadd.tile.s32 @!p0 $0x1;
	_ =	shalt  }
.Lfunc_end2:
_tile_overlayer_lowered:
.L_overlay_start_2:
0xdf: {  	(tag) =	ssettag $0x2  }
0xe0: {  	s0 =	rddreg [dreg:$0x0];
	s2 =	stileid.u32  }
0xe1: {  	s1 =	rddreg [dreg:$0x1];
	p0 =	sne.s32 s2, $0x0  }
0xe2: {  	s3 =	rddreg [dreg:$0x2];
	[bflag:$0x3] =	sbarrier.arrive $0xFFFF;
	s2 =	simm.s32 @!p0 $0x1C02  }
0xe3: {  	[timem:s3], [sflag:s2] =	dma.local @!p0 [hbm:s0], s1  }
0xe4: {  	s0 =	simm.s32 @!p0 $0x2  }
0xe5: {  	_ =	swait.ge @!p0 [sflag:s0], s1  }
0xe6: {  	s1 =	ssub.s32 @!p0 $0x0, s1;
	[sflag:s0] =	ssyncset.done @!p0 $0x0  }
0xe7: {  	[sflag:s0] =	ssyncadd.s32 @!p0 s1  }
0xe8: {  	[bflag:$0x3] =	sbarrier.arrive $0xFFFF  }
0xe9: {  	_ =	shalt  }

// kernel: kernel.7.cloned.1.call-start
scs
__scs_entry_jumppad:
0x0: {  	(pc) =	sbr.rel $0x88, $3  }
0x1: {  	(tag) =	ssettag $0x0;
	lr =	simm.s32 $0x1  }
0x2: {  	[smem:$0x3F95] =	sst lr;
	_ =	strace $0xD0000000  }
0x3: {  	_ = 	snop  }
0x4: {  	_ = 	snop  }
0x5: {  	_ = 	snop  }
0x6: {  	_ = 	snop  }
0x7: {  	_ = 	snop  }
__scs_overlays_trampoline_lowered:
0x8: {  	[smem:$0x3FA4] =	sst s0  }
0x9: {  	[smem:$0x3FA5] =	sst s1  }
0xa: {  	[smem:$0x3FA6] =	sst s2  }
0xb: {  	[smem:$0x3FA7] =	sst s3  }
0xc: {  	[smem:$0x3FA8] =	sst s4  }
0xd: {  	[smem:$0x3FA9] =	sst s5  }
0xe: {  	[smem:$0x3FAA] =	sst s6  }
0xf: {  	[smem:$0x3FAB] =	sst s7  }
0x10: {  	[smem:$0x3FAC] =	sst s8  }
0x11: {  	[smem:$0x3FAD] =	sst s9;
	s0 =	simm.s32 @!p0 $0x0  }
0x12: {  	s1 =	sld [smem:$0x3F93];
	s0 =	simm.s32 @p0 $0x1  }
0x13: {  	[smem:$0x3FAE] =	sst s0;
	s0 =	simm.s32 @!p1 $0x0  }
0x14: {  	s2 =	sld [smem:$0x3F92];
	s0 =	simm.s32 @p1 $0x1  }
0x15: {  	[smem:$0x3FAF] =	sst s0;
	s0 =	simm.s32 @!p2 $0x0  }
0x16: {  	s3 =	sld [smem:$0x3FDB];
	s0 =	simm.s32 @p2 $0x1  }
0x17: {  	s4 =	simm.s32 $0x1BF5;
	[smem:$0x3FB1] =	sst s0  }
0x18: {  	s0 =	sld [smem:$0x3F94];
	_ =	swait.ge [sflag:s4], $0x0  }
0x19: {  	s7 =	sld [smem:$0x3F95]  }
0x1a: {  	s8 =	sadd.s32 $0xFFFFE003, lr  }
0x1b: {  	s9 =	sadd.s32 $0xFFFFFEF7, lr;
	s5 =	simm.s32 $0xFFFFFFFF;
	p2 =	slt.u32 s8, $0xFFFFF086  }
0x1c: {  	p1 =	slt.u32 s9, $0xF7A;
	s5 =	simm.s32 @!p2 $0x0  }
0x1d: {  	s5 =	simm.s32 @p1 $0x1;
	p0 =	seq.s32 s7, s2  }
0x1e: {  	s7 =	smul.u32 @!p0 $0xF7A, s2;
	p2 =	seq.s32 @!p0 s5, $0x0  }
0x1f: {  	s9 =	smul.u32 $0xF7A, s1;
	s8 =	simm.s32 @!p0 $0x1BF5;
	p2 =	por !p2, p0  }
0x20: {  	[sflag:s8] =	ssyncset.s32 @!p0 $0xFFFFF086;
	s6 =	sadd.s32 @!p0 s3, s7;
	s7 =	simm.s32 @!p0 $0x108  }
0x21: {  	s3 =	sadd.s32 s3, s9;
	s6 =	sadd.s32 @!p0 $0x88, s6;
	s7 =	simm.s32 @p2 $0x1082  }
0x22: {  	[simem:s7], [sflag:s8] =	dma.local @!p0 [hbm:s6], $0xF7A  }
0x23: {  	s9 =	sor.u32 $0xD0000000, s2;
	s6 =	simm.s32 $0x108;
	_ =	swait.ge @!p0 [sflag:s8], $0x0  }
0x24: {  	s3 =	sadd.s32 $0x88, s3;
	s6 =	simm.s32 @!p1 $0x1082;
	[sflag:s4] =	ssyncset.s32 $0xFFFFF086  }
0x25: {  	[simem:s6], [sflag:s4] =	dma.local [hbm:s3], $0xF7A  }
0x26: {  	[smem:$0x3F95] =	sst s1;
	(tag) =	ssettag s2;
	_ =	strace s9  }
0x27: {  	s1 =	sld [smem:$0x3FA5]  }
0x28: {  	s2 =	sld [smem:$0x3FA6]  }
0x29: {  	s4 =	sld [smem:$0x3FA8]  }
0x2a: {  	p0 =	seq.s32 s5, $0x0;
	s5 =	sld [smem:$0x3FA9]  }
0x2b: {  	s6 =	sld [smem:$0x3FAA]  }
0x2c: {  	s7 =	sld [smem:$0x3FAB]  }
0x2d: {  	s3 =	simm.s32 $0x108;
	s8 =	sld [smem:$0x3FAC]  }
0x2e: {  	s3 =	simm.s32 @!p0 $0x1082;
	s9 =	sld [smem:$0x3FAD]  }
0x2f: {  	lr =	sadd.s32 s0, s3;
	s0 =	sld [smem:$0x3FA4]  }
0x30: {  	s3 =	sld [smem:$0x3FA7]  }
0x31: {  	[smem:$0x3FB0] =	sst s10  }
0x32: {  	s10 =	sld [smem:$0x3FAE];
	_ =	sdelay $0x3  }
0x33: {  	p0 =	seq.s32 s10, $0x1;
	s10 =	sld [smem:$0x3FB0];
	_ =	sdelay $0x3  }
0x34: {  	[smem:$0x3FB0] =	sst s10  }
0x35: {  	s10 =	sld [smem:$0x3FAF];
	_ =	sdelay $0x3  }
0x36: {  	p1 =	seq.s32 s10, $0x1;
	s10 =	sld [smem:$0x3FB0];
	_ =	sdelay $0x3  }
0x37: {  	[smem:$0x3FB0] =	sst s10  }
0x38: {  	s10 =	sld [smem:$0x3FB1]  }
0x39: {  	_ = 	snop;
	(pc) =	sbr.ind lr, $3  }
0x3a: {  	_ = 	snop  }
0x3b: {  	_ = 	snop  }
0x3c: {  	p2 =	seq.s32 s10, $0x1;
	s10 =	sld [smem:$0x3FB0]  }
0x3d: {  	_ =	shalt  }
0x3e: {  	_ =	shalt  }
0x3f: {  	_ =	shalt  }
0x40: {  	_ =	shalt  }
0x41: {  	_ =	shalt  }
0x42: {  	_ =	shalt  }
0x43: {  	_ =	shalt  }
0x44: {  	_ =	shalt  }
0x45: {  	_ =	shalt  }
0x46: {  	_ =	shalt  }
0x47: {  	_ =	shalt  }
0x48: {  	_ =	shalt  }
0x49: {  	_ =	shalt  }
0x4a: {  	_ =	shalt  }
0x4b: {  	_ =	shalt  }
0x4c: {  	_ =	shalt  }
0x4d: {  	_ =	shalt  }
0x4e: {  	_ =	shalt  }
0x4f: {  	_ =	shalt  }
0x50: {  	_ =	shalt  }
0x51: {  	_ =	shalt  }
0x52: {  	_ =	shalt  }
0x53: {  	_ =	shalt  }
0x54: {  	_ =	shalt  }
0x55: {  	_ =	shalt  }
0x56: {  	_ =	shalt  }
0x57: {  	_ =	shalt  }
0x58: {  	_ =	shalt  }
0x59: {  	_ =	shalt  }
0x5a: {  	_ =	shalt  }
0x5b: {  	_ =	shalt  }
0x5c: {  	_ =	shalt  }
0x5d: {  	_ =	shalt  }
0x5e: {  	_ =	shalt  }
0x5f: {  	_ =	shalt  }
0x60: {  	_ =	shalt  }
0x61: {  	_ =	shalt  }
0x62: {  	_ =	shalt  }
0x63: {  	_ =	shalt  }
0x64: {  	_ =	shalt  }
0x65: {  	_ =	shalt  }
0x66: {  	_ =	shalt  }
0x67: {  	_ =	shalt  }
0x68: {  	_ =	shalt  }
0x69: {  	_ =	shalt  }
0x6a: {  	_ =	shalt  }
0x6b: {  	_ =	shalt  }
0x6c: {  	_ =	shalt  }
0x6d: {  	_ =	shalt  }
0x6e: {  	_ =	shalt  }
0x6f: {  	_ =	shalt  }
0x70: {  	_ =	shalt  }
0x71: {  	_ =	shalt  }
0x72: {  	_ =	shalt  }
0x73: {  	_ =	shalt  }
0x74: {  	_ =	shalt  }
0x75: {  	_ =	shalt  }
0x76: {  	_ =	shalt  }
0x77: {  	_ =	shalt  }
0x78: {  	_ =	shalt  }
0x79: {  	_ =	shalt  }
0x7a: {  	_ =	shalt  }
0x7b: {  	_ =	shalt  }
0x7c: {  	_ =	shalt  }
0x7d: {  	_ =	shalt  }
0x7e: {  	_ =	shalt  }
0x7f: {  	_ =	shalt  }
0x80: {  	_ =	shalt  }
0x81: {  	_ =	shalt  }
0x82: {  	_ =	shalt  }
0x83: {  	_ =	shalt  }
0x84: {  	_ =	shalt  }
0x85: {  	_ =	shalt  }
0x86: {  	_ =	shalt  }
0x87: {  	_ =	shalt  }
.Lfunc_end0:
.L_simem_size_0:
called_computation_lowered:
.L_overlay_start_0:
0x88: {  	s2 =	sld [smem:$0x3FD9]  }
0x89: {  	s3 =	sld [smem:$0x3FFE];
	_ =	sdelay $0x1  }
0x8a: {  	s1 =	srdreg.scid  }
0x8b: {  	s0 =	sand.u32 $0x1, s1  }
0x8c: {  	s17 =	sshll.u32 s0, $0xA;
	s2 =	sadd.s32 s3, s2  }
0x8d: {  	s2 =	sadd.s32 s2, s17  }
0x8e: {  	[smem:$0x3FBC] =	sst s2  }
0x8f: {  	_ = 	snop  }
0x90: {  	s18 =	sld [smem:$0x3FC9];
	(tm) =	ssettm $0x1  }
0x91: {  	s19 =	sld [smem:$0x3FFB];
	_ =	sdelay $0x3  }
0x92: {  	_ =	strace s19  }
0x93: {  	s2 =	sld [smem:$0x3FFC];
	_ =	sdelay $0x3  }
0x94: {  	_ =	strace s2  }
0x95: {  	s2 =	sld [smem:$0x3FFD];
	_ =	sdelay $0x3  }
0x96: {  	_ =	strace s2  }
0x97: {  	_ =	strace $0x8FFFFFFF  }
0x98: {  	s20 =	sld [smem:$0x3FDB];
	_ =	sdelay $0x1  }
0x99: {  	s4 =	simm.s32 $_scs_section_size  }
0x9a: {  	s5 =	simm.s32 $_size__tile_overlayer_lowered;
	s6 =	simm.s32 $_tile_overlayer_lowered  }
0x9b: {  	s7 =	simm.s32 $0x1BFF;
	s21 =	sshll.u32 s6, $0x1;
	s4 =	sadd.s32 s4, s20  }
0x9c: {  	s22 =	simm.s32 $0x0;
	s5 =	sshll.u32 s5, $0x1;
	s6 =	sadd.s32 s21, s4  }
0x9d: {  	[timem:s22], [sflag:s7] =	dma.local [hbm:s6], s5  }
0x9e: {  	_ =	swait.ge [sflag:s7], s5  }
0x9f: {  	s5 =	ssub.s32 $0x0, s5;
	[sflag:s7] =	ssyncset.done $0x0  }
0xa0: {  	[sflag:s7] =	ssyncadd.s32 s5;
	_ =	sdelay $0x1  }
0xa1: {  	s23 =	simm.s32 $0x1B8B  }
0xa2: {  	_ =	swait.ge [sflag:s23], $0x1  }
0xa3: {  	[sflag:s23] =	ssyncset.done $0x0  }
0xa4: {  	[sflag:s23] =	ssyncadd.s32 $0xFFFFFFFF  }
0xa5: {  	s5 =	sld [smem:$0x0]  }
0xa6: {  	s6 =	sand.u32 $0xFFFFFFFE, s1  }
0xa7: {  	p0 =	sne.s32 s1, s6  }
0xa8: {  	s6 =	sshll.u32 @p0 s6, $0xE  }
0xa9: {  	s6 =	sadd.s32 @p0 $0x11B8D, s6;
	s7 =	sshll.u32 @p0 s5, $0x11  }
0xaa: {  	s6 =	sor.u32 @p0 s7, s6  }
0xab: {  	[sflag:s6] =	ssyncadd.remote.s32 @p0 $0x1;
	_ =	sdelay $0x1  }
0xac: {  	s6 =	simm.s32 @p0 $0x1B8D  }
0xad: {  	_ =	swait.eq @p0 [sflag:s6], $0x1  }
0xae: {  	[sflag:s6] =	ssyncadd.s32 @p0 $0xFFFFFFFF  }
0xaf: {  	s7 =	sshll.u32 @!p0 s1, $0xE  }
0xb0: {  	s7 =	sor.u32 @!p0 $0x4000, s7;
	s6 =	simm.s32 @!p0 $0x1B8D  }
0xb1: {  	s5 =	sshll.u32 @!p0 s5, $0x11;
	s7 =	sadd.s32 @!p0 $0x11B8D, s7;
	_ =	swait.eq @!p0 [sflag:s6], $0x1  }
0xb2: {  	s5 =	sor.u32 @!p0 s5, s7;
	[sflag:s6] =	ssyncadd.s32 @!p0 $0xFFFFFFFF  }
0xb3: {  	s25 =	simm.s32 $0x1B8E;
	s24 =	sld [smem:$0x3FFE];
	[sflag:s5] =	ssyncadd.remote.s32 @!p0 $0x1  }
0xb4: {  	s26 =	simm.s32 $execute0_lowered;
	[smem:$0x3FD2] =	sst s25  }
0xb5: {  	s6 =	sshll.u32 s26, $0x1;
	_ =	strace $0x80000049;
	[dreg:$0x1] =	wrdreg $0xFFFFFFFF  }
0xb6: {  	s28 =	simm.s32 $_size_execute0_lowered;
	s4 =	sadd.s32 s4, s6;
	[dreg:$0x0] =	wrdreg $0x0  }
0xb7: {  	s6 =	sshll.u32 s28, $0x1;
	[dreg:$0x2] =	wrdreg s4  }
0xb8: {  	[dreg:$0x3] =	wrdreg s6  }
0xb9: {  	[dreg:$0x4] =	wrdreg $0xC0  }
0xba: {  	_ =	task [dreg:s22], $0x5FFFF  }
0xbb: {  	[dreg:$0x1] =	wrdreg $0xFFFFFFFF  }
0xbc: {  	[dreg:$0x0] =	wrdreg $0x60  }
0xbd: {  	[dreg:$0x2] =	wrdreg s18  }
0xbe: {  	[dreg:$0x3] =	wrdreg s24  }
0xbf: {  	[dreg:$0x4] =	wrdreg $0x9  }
0xc0: {  	_ =	task.clear_ibuf [dreg:s22], $0x5FFFF;
	_ =	strace $0x90000049  }
0xc1: {  	s29 =	simm.s32 $0x9;
	_ =	strace $0x8000004B  }
0xc2: {  	_ =	swait.ge [sflag:s29], $0x1  }
0xc3: {  	[sflag:s29] =	ssyncadd.s32 $0xFFFFFFFF  }
0xc4: {  	_ =	strace $0x9000004B  }
0xc5: {  	_ =	sfence  }
0xc6: {  	s30 =	sld [smem:$0x0];
	_ =	sdelay $0x2  }
0xc7: {  	s31 =	sshll.u32 s1, $0xD;
	s1 =	sshrl.u32 s1, $0x2  }
0xc8: {  	s4 =	sand.u32 $0x4000, s31;
	s1 =	sadd.s32 s1, s30  }
0xc9: {  	s0 =	sor.u32 s4, s0;
	s1 =	sshll.u32 s1, $0x11  }
0xca: {  	s0 =	sor.u32 s1, s0  }
0xcb: {  	s0 =	sadd.s32 $0x8F2B, s0  }
0xcc: {  	[sflag:s0] =	ssyncadd.remote.s32 $0x1  }
0xcd: {  	_ =	sfence.sel $0xFFFF  }
0xce: {  	[dreg:$0x0] =	wrdreg $0xFFFFFFFF;
	(pc) =	sbr.abs _section_cstart, $3  }
0xcf: {  	[dreg:$0x1] =	wrdreg $0xFFFFFFFF  }
0xd0: {  	_ =	task.clear_ibuf [dreg:s22], $0x2FFFF;
	_ =	strace $0x9FFFFFFF  }
0xd1: {  	(tm) =	ssettm $0x7FFFFFFF  }
tec
execute0_lowered:
.L_overlay_start_1:
0x0: {  	(tag) =	ssettag $0x1  }
0x1: {  	s3 =	rddreg [dreg:$0x0]  }
0x2: {  	s4 =	rddreg [dreg:$0x1];
	s5 =	srdreg.scid  }
0x3: {  	s0 =	rddreg [dreg:$0x2];
	s5 =	sand.u32 $0x1, s5  }
0x4: {  	s2 =	simm.s32 $0x0;
	s7 =	sshll.u32 s5, $0x9;
	s5 =	ssub.s32 $0x2, s5  }
0x5: {  	s1 =	stileid.u32;
	s10 =	simm.s32 $0x100;
	s9 =	sshrl.u32 s5, $0x1  }
0x6: {  	s11 =	simm.s32 $0x8200;
	s12 =	simm.s32 $0x180;
	s5 =	ssub.s32 s5, s9  }
0x7: {  	s13 =	simm.s32 $0xC200;
	p0 =	por $0x0, $0x0;
	s15 =	smax.u32 s5, $0x1  }
0x8: {  	[smem:$0x7FF] =	sst s2;
	s6 =	sshll.u32 s1, $0xA;
	p1 =	sne.s32 s15, $0x1  }
.Ltmp0:
0x9: {  	_ =	strace $0x8000004A;
	s7 =	sor.u32 s7, s6;
	(pc) =	sbr.rel @!p1 .LBB2_3-.Ltmp0, $4  }
0xa: {  	s6 =	sadd.s32 $0x105600, s4;
	s8 =	sshll.u32 s7, $0x4;
	s7 =	sshrl.u32 s7, $0x3  }
0xb: {  	s9 =	simm.s32 $0x4200;
	s4 =	sadd.s32 s8, s4;
	s14 =	sadd.s32 s3, s7  }
0xc: {  	s3 =	simm.s32 $0x2;
	s8 =	simm.s32 $0x80;
	s5 =	simm.s32 $0x200  }
0xd: {  	v0 =	vimm.s32 $0xFFFF3C80;
	s7 =	simm.s32 $0x1;
	s4 =	sadd.s32 $0x1C8E00, s4;
	s15 =	sadd.s32 $0xFFFFFFFF, s15  }
0xe: {  	[tilespmem:s2], [sflag:$0x2] =	stream.linear.gather [hbm4b:s14+s2], $0x200, $0x38;
	[tilespmem:$0x10200] =	vst v63  }
0xf: {  	_ =	swait.ge [sflag:s3], $0x200  }
0x10: {  	[sflag:s3] =	ssyncset.done $0x0  }
0x11: {  	[sflag:s3] =	ssyncadd.s32 $0xFFFFFE00  }
0x12: {  	v1 =	vld [tilespmem:$0xD0]  }
0x13: {  	v2 =	vld [tilespmem:$0x80]  }
0x14: {  	v3 =	vld [tilespmem:$0x170]  }
0x15: {  	v5 =	vld [tilespmem:$0x1A0]  }
0x16: {  	v31 =	vld [tilespmem:$0x70]  }
0x17: {  	v6 =	vld [tilespmem:$0x1D0]  }
0x18: {  	v7 =	vld [tilespmem:$0x160];
	vm0 =	vlt.s32 v2, $0xC380  }
0x19: {  	v8 =	vld [tilespmem:$0x1C0];
	vm1 =	vlt.s32 v1, $0xC380;
	vm2 =	vlt.s32 v3, $0xC380;
	v9 =	vsel vm0, $0x0, v0  }
0x1a: {  	v4 =	vld [tilespmem:$0x180];
	vm12 =	vlt.s32 v5, $0xC380;
	v11 =	vsel vm1, $0x0, v0;
	v2 =	vadd.s32 v2, v9  }
0x1b: {  	v50 =	vld [tilespmem:$0x110];
	vm6 =	vlt.s32 v31, $0xC380;
	v30 =	vsel vm2, $0x0, v0;
	v1 =	vadd.s32 v1, v11;
	[tilespmem:$0x80] =	vst v2  }
0x1c: {  	vm13 =	vlt.s32 v6, $0xC380;
	v39 =	vsel vm6, $0x0, v0;
	v2 =	vadd.s32 v3, v30;
	v3 =	vld [tilespmem:$0x1E0];
	[tilespmem:$0xD0] =	vst v1  }
0x1d: {  	v10 =	vld [tilespmem:$0x1B0];
	vm14 =	vlt.s32 v7, $0xC380;
	v41 =	vadd.s32 v31, v39;
	[tilespmem:$0x170] =	vst v2;
	v2 =	vsel vm12, $0x0, v0  }
0x1e: {  	v12 =	vld [tilespmem:$0x40];
	vm15 =	vlt.s32 v8, $0xC380;
	[tilespmem:$0x70] =	vst v41;
	v1 =	vadd.s32 v5, v2;
	v2 =	vsel vm13, $0x0, v0  }
0x1f: {  	v35 =	vld [tilespmem:$0xE0];
	vm0 =	vlt.s32 v4, $0xC380;
	v33 =	vsel vm14, $0x0, v0;
	[tilespmem:$0x1A0] =	vst v1;
	v1 =	vadd.s32 v6, v2  }
0x20: {  	vm6 =	vlt.s32 v50, $0xC380;
	v52 =	vsel vm0, $0x0, v0;
	v2 =	vadd.s32 v7, v33;
	[tilespmem:$0x1D0] =	vst v1;
	v1 =	vld [tilespmem:$0x10]  }
0x21: {  	v56 =	vsel vm6, $0x0, v0;
	v4 =	vadd.s32 v4, v52;
	[tilespmem:$0x160] =	vst v2;
	v2 =	vld [tilespmem:$0x30];
	vm5 =	vlt.s32 v3, $0xC380  }
0x22: {  	v38 =	vld [tilespmem:$0x20];
	vm4 =	vlt.s32 v10, $0xC380;
	v58 =	vadd.s32 v50, v56;
	[tilespmem:$0x180] =	vst v4;
	v37 =	vsel vm5, $0x0, v0  }
0x23: {  	v42 =	vld [tilespmem:$0xC0];
	vm8 =	vlt.s32 v12, $0xC380;
	v34 =	vsel vm15, $0x0, v0;
	[tilespmem:$0x110] =	vst v58;
	v3 =	vadd.s32 v3, v37  }
0x24: {  	v43 =	vld [tilespmem:$0xA0];
	vm9 =	vlt.s32 v35, $0xC380;
	v5 =	vadd.s32 v8, v34;
	[tilespmem:$0x1E0] =	vst v3;
	v3 =	vsel vm8, $0x0, v0  }
0x25: {  	v32 =	vld [tilespmem:$0x50];
	v45 =	vsel vm9, $0x0, v0;
	[tilespmem:$0x1C0] =	vst v5;
	vm10 =	vlt.s32 v1, $0xC380;
	v3 =	vadd.s32 v12, v3  }
0x26: {  	v44 =	vld [tilespmem:$0x90];
	vm11 =	vlt.s32 v2, $0xC380;
	v46 =	vsel vm10, $0x0, v0;
	[tilespmem:$0x40] =	vst v3;
	v3 =	vadd.s32 v35, v45  }
0x27: {  	v47 =	vld [tilespmem:$0x0];
	vm12 =	vlt.s32 v38, $0xC380;
	v48 =	vsel vm11, $0x0, v0;
	v1 =	vadd.s32 v1, v46;
	[tilespmem:$0xE0] =	vst v3  }
0x28: {  	v49 =	vld [tilespmem:$0x60];
	vm13 =	vlt.s32 v42, $0xC380;
	v3 =	vsel vm12, $0x0, v0;
	v2 =	vadd.s32 v2, v48;
	[tilespmem:$0x10] =	vst v1  }
0x29: {  	vm14 =	vlt.s32 v43, $0xC380;
	v1 =	vadd.s32 v38, v3;
	[tilespmem:$0x30] =	vst v2;
	v2 =	vld [tilespmem:$0xB0];
	v3 =	vsel vm13, $0x0, v0  }
0x2a: {  	v51 =	vld [tilespmem:$0x100];
	vm7 =	vlt.s32 v32, $0xC380;
	[tilespmem:$0x20] =	vst v1;
	v1 =	vsel vm14, $0x0, v0;
	v3 =	vadd.s32 v42, v3  }
0x2b: {  	v36 =	vsel vm4, $0x0, v0;
	v40 =	vsel vm7, $0x0, v0;
	v1 =	vadd.s32 v43, v1;
	[tilespmem:$0xC0] =	vst v3;
	v3 =	vld [tilespmem:$0xF0]  }
0x2c: {  	vm15 =	vlt.s32 v44, $0xC380;
	vm4 =	vlt.s32 v47, $0xC380;
	v7 =	vadd.s32 v10, v36;
	[tilespmem:$0xA0] =	vst v1;
	v1 =	vld [tilespmem:$0x1F0]  }
0x2d: {  	v55 =	vld [tilespmem:$0x150];
	v53 =	vsel vm15, $0x0, v0;
	v5 =	vadd.s32 v32, v40;
	[tilespmem:$0x1B0] =	vst v7;
	vm5 =	vlt.s32 v49, $0xC380  }
0x2e: {  	v57 =	vld [tilespmem:$0x140];
	[tilespmem:$0x50] =	vst v5;
	v5 =	vadd.s32 v44, v53;
	v54 =	vsel vm5, $0x0, v0;
	vm7 =	vlt.s32 v2, $0xC380  }
0x2f: {  	v60 =	vld [tilespmem:$0x130];
	[tilespmem:$0x90] =	vst v5;
	v7 =	vadd.s32 v49, v54;
	vm8 =	vlt.s32 v51, $0xC380;
	v59 =	vsel vm7, $0x0, v0  }
0x30: {  	v62 =	vld [tilespmem:$0x120];
	[tilespmem:$0x60] =	vst v7;
	v61 =	vsel vm8, $0x0, v0;
	v2 =	vadd.s32 v2, v59;
	vm9 =	vlt.s32 v3, $0xC380  }
0x31: {  	v63 =	vld [tilespmem:$0x190];
	v6 =	vadd.s32 v51, v61;
	[tilespmem:$0xB0] =	vst v2;
	v2 =	vsel vm9, $0x0, v0;
	vm10 =	vlt.s32 v1, $0xC380  }
0x32: {  	vm11 =	vlt.s32 v55, $0xC380;
	[tilespmem:$0x100] =	vst v6;
	v2 =	vadd.s32 v3, v2;
	v3 =	vsel vm10, $0x0, v0  }
0x33: {  	p1 =	sne.s32 s15, $0x1;
	vm12 =	vlt.s32 v57, $0xC380;
	[tilespmem:$0xF0] =	vst v2;
	v2 =	vsel vm11, $0x0, v0;
	v1 =	vadd.s32 v1, v3  }
.Ltmp1:
0x34: {  	vm13 =	vlt.s32 v60, $0xC380;
	v3 =	vsel vm12, $0x0, v0;
	v2 =	vadd.s32 v55, v2;
	[tilespmem:$0x1F0] =	vst v1;
	(pc) =	sbr.rel @!p1 .LBB2_3-.Ltmp1, $4  }
0x35: {  	vm14 =	vlt.s32 v62, $0xC380;
	v1 =	vsel vm13, $0x0, v0;
	v3 =	vadd.s32 v57, v3;
	[tilespmem:$0x150] =	vst v2  }
0x36: {  	vm15 =	vlt.s32 v63, $0xC380;
	v2 =	vsel vm14, $0x0, v0;
	v1 =	vadd.s32 v60, v1;
	[tilespmem:$0x140] =	vst v3  }
0x37: {  	v3 =	vsel vm4, $0x0, v0;
	v4 =	vadd.s32 v62, v2;
	[tilespmem:$0x130] =	vst v1;
	v1 =	vsel vm15, $0x0, v0  }
0x38: {  	s15 =	sadd.s32 $0xFFFFFFFF, s15;
	p0 =	por $0x1, $0x1;
	v2 =	vadd.s32 v47, v3;
	[tilespmem:$0x120] =	vst v4;
	v1 =	vadd.s32 v63, v1  }
.LBB2_2:
0x39: {  	p1 =	sne.s32 s15, $0x1;
	s15 =	sadd.s32 $0xFFFFFFFF, s15;
	[tilespmem:$0x190] =	vst v1  }
0x3a: {  	[tilespmem:$0x0] =	vst v2  }
0x3b: {  	[tilespmem:s5], [sflag:$0x1] =	stream.indirect.gather [hbm4b:s6+s8], $0x80, s2, s8, $0xb8;
	[tilespmem:$0x10200] =	vst v63  }
0x3c: {  	_ = 	snop  }
0x3d: {  	[tilespmem:s9], [sflag:$0x1] =	stream.indirect.gather [hbm4b:s6+s8], $0x80, s8, s8, $0xb8;
	[tilespmem:$0x10200] =	vst v63  }
0x3e: {  	_ = 	snop  }
0x3f: {  	[tilespmem:s11], [sflag:$0x1] =	stream.indirect.gather [hbm4b:s6+s8], $0x80, s10, s8, $0xb8;
	[tilespmem:$0x10200] =	vst v63  }
0x40: {  	_ = 	snop  }
0x41: {  	[tilespmem:s13], [sflag:$0x1] =	stream.indirect.gather [hbm4b:s6+s8], $0x80, s12, s8, $0xb8;
	[tilespmem:$0x10200] =	vst v63  }
0x42: {  	_ =	swait.ge [sflag:s7], $0x4000  }
0x43: {  	[sflag:s7] =	ssyncset.done $0x0  }
0x44: {  	[sflag:s7] =	ssyncadd.s32 $0xFFFFC000  }
0x45: {  	_ =	swait.ge [sflag:s7], $0x4000  }
0x46: {  	[sflag:s7] =	ssyncset.done $0x0  }
0x47: {  	[sflag:s7] =	ssyncadd.s32 $0xFFFFC000  }
0x48: {  	_ =	swait.ge [sflag:s7], $0x4000  }
0x49: {  	[sflag:s7] =	ssyncset.done $0x0  }
0x4a: {  	[sflag:s7] =	ssyncadd.s32 $0xFFFFC000  }
0x4b: {  	_ =	swait.ge [sflag:s7], $0x4000  }
0x4c: {  	[sflag:s7] =	ssyncset.done $0x0  }
0x4d: {  	[sflag:s7] =	ssyncadd.s32 $0xFFFFC000  }
0x4e: {  	[hbm4b:s4+s2] =	stream.linear.scatter [tilespmem:s5], [sflag:$0x2], $0x10000, $0x38;
	[tilespmem:$0x10200] =	vst v63  }
0x4f: {  	_ =	swait.ge [sflag:s3], $0x10000  }
0x50: {  	[sflag:s3] =	ssyncset.done $0x0  }
0x51: {  	[sflag:s3] =	ssyncadd.s32 $0xFFFF0000  }
0x52: {  	[tilespmem:s2], [sflag:$0x2] =	stream.linear.gather [hbm4b:s14+s2], $0x200, $0x38;
	[tilespmem:$0x10200] =	vst v63  }
0x53: {  	_ =	swait.ge [sflag:s3], $0x200  }
0x54: {  	[sflag:s3] =	ssyncset.done $0x0  }
0x55: {  	[sflag:s3] =	ssyncadd.s32 $0xFFFFFE00  }
0x56: {  	v2 =	vld [tilespmem:$0xD0]  }
0x57: {  	v1 =	vld [tilespmem:$0x180]  }
0x58: {  	v3 =	vld [tilespmem:$0x80]  }
0x59: {  	v4 =	vld [tilespmem:$0x170]  }
0x5a: {  	v5 =	vld [tilespmem:$0x160]  }
0x5b: {  	v6 =	vld [tilespmem:$0x1A0]  }
0x5c: {  	vm0 =	vlt.s32 v2, $0xC380;
	vm1 =	vlt.s32 v1, $0xC380;
	v7 =	vld [tilespmem:$0x1D0]  }
0x5d: {  	v8 =	vsel vm0, $0x0, v0;
	vm2 =	vlt.s32 v3, $0xC380;
	v9 =	vsel vm1, $0x0, v0;
	v10 =	vld [tilespmem:$0x1C0]  }
0x5e: {  	v2 =	vadd.s32 v2, v8;
	v11 =	vsel vm2, $0x0, v0;
	vm0 =	vlt.s32 v4, $0xC380;
	v8 =	vld [tilespmem:$0x1B0]  }
0x5f: {  	v12 =	vld [tilespmem:$0x10];
	v3 =	vadd.s32 v3, v11;
	vm1 =	vlt.s32 v5, $0xC380;
	v11 =	vsel vm0, $0x0, v0  }
0x60: {  	[tilespmem:$0x80] =	vst v3;
	v3 =	vsel vm1, $0x0, v0;
	v4 =	vadd.s32 v4, v11;
	vm0 =	vlt.s32 v6, $0xC380;
	v11 =	vld [tilespmem:$0x1E0]  }
0x61: {  	v13 =	vld [tilespmem:$0x70];
	v3 =	vadd.s32 v5, v3;
	[tilespmem:$0x170] =	vst v4;
	v4 =	vsel vm0, $0x0, v0;
	vm0 =	vlt.s32 v7, $0xC380  }
0x62: {  	v5 =	vld [tilespmem:$0x50];
	[tilespmem:$0xD0] =	vst v2;
	v2 =	vadd.s32 v6, v4;
	vm1 =	vlt.s32 v10, $0xC380;
	v4 =	vsel vm0, $0x0, v0  }
0x63: {  	v6 =	vld [tilespmem:$0x40];
	[tilespmem:$0x1A0] =	vst v2;
	vm0 =	vlt.s32 v8, $0xC380;
	v2 =	vsel vm1, $0x0, v0;
	v4 =	vadd.s32 v7, v4  }
0x64: {  	vm1 =	vlt.s32 v12, $0xC380;
	v7 =	vld [tilespmem:$0xE0];
	v14 =	vsel vm0, $0x0, v0;
	v2 =	vadd.s32 v10, v2;
	[tilespmem:$0x1D0] =	vst v4  }
0x65: {  	v4 =	vsel vm1, $0x0, v0;
	v10 =	vld [tilespmem:$0x30];
	[tilespmem:$0x160] =	vst v3;
	v3 =	vadd.s32 v8, v14;
	vm0 =	vlt.s32 v11, $0xC380  }
0x66: {  	v4 =	vadd.s32 v12, v4;
	v8 =	vld [tilespmem:$0x20];
	vm1 =	vlt.s32 v13, $0xC380;
	[tilespmem:$0x1C0] =	vst v2;
	v2 =	vsel vm0, $0x0, v0  }
0x67: {  	v12 =	vld [tilespmem:$0x0];
	vm0 =	vlt.s32 v5, $0xC380;
	v14 =	vsel vm1, $0x0, v0;
	[tilespmem:$0x1B0] =	vst v3;
	v2 =	vadd.s32 v11, v2  }
0x68: {  	vm1 =	vlt.s32 v6, $0xC380;
	v3 =	vsel vm0, $0x0, v0;
	v11 =	vadd.s32 v13, v14;
	v13 =	vld [tilespmem:$0xC0];
	[tilespmem:$0x1E0] =	vst v2  }
0x69: {  	v2 =	vsel vm1, $0x0, v0;
	v3 =	vadd.s32 v5, v3;
	[tilespmem:$0x70] =	vst v11;
	v5 =	vld [tilespmem:$0xA0];
	vm0 =	vlt.s32 v7, $0xC380  }
0x6a: {  	vm1 =	vlt.s32 v10, $0xC380;
	v2 =	vadd.s32 v6, v2;
	[tilespmem:$0x50] =	vst v3;
	v3 =	vld [tilespmem:$0x90];
	v6 =	vsel vm0, $0x0, v0  }
0x6b: {  	vm0 =	vlt.s32 v8, $0xC380;
	v11 =	vsel vm1, $0x0, v0;
	[tilespmem:$0x40] =	vst v2;
	v14 =	vld [tilespmem:$0x60];
	v2 =	vadd.s32 v7, v6  }
0x6c: {  	vm1 =	vlt.s32 v12, $0xC380;
	v6 =	vsel vm0, $0x0, v0;
	v7 =	vadd.s32 v10, v11;
	[tilespmem:$0xE0] =	vst v2;
	v10 =	vld [tilespmem:$0x110]  }
0x6d: {  	v2 =	vsel vm1, $0x0, v0;
	[tilespmem:$0x10] =	vst v4;
	v4 =	vadd.s32 v8, v6;
	vm0 =	vlt.s32 v13, $0xC380  }
0x6e: {  	v2 =	vadd.s32 v12, v2;
	[tilespmem:$0x30] =	vst v7;
	vm1 =	vlt.s32 v5, $0xC380;
	v6 =	vld [tilespmem:$0xB0];
	v7 =	vsel vm0, $0x0, v0  }
0x6f: {  	[tilespmem:$0x20] =	vst v4;
	vm0 =	vlt.s32 v3, $0xC380;
	v4 =	vsel vm1, $0x0, v0;
	v7 =	vadd.s32 v13, v7;
	v8 =	vld [tilespmem:$0x100]  }
0x70: {  	vm1 =	vlt.s32 v14, $0xC380;
	v11 =	vsel vm0, $0x0, v0;
	v4 =	vadd.s32 v5, v4;
	[tilespmem:$0xC0] =	vst v7;
	v5 =	vld [tilespmem:$0xF0]  }
0x71: {  	v7 =	vsel vm1, $0x0, v0;
	v3 =	vadd.s32 v3, v11;
	[tilespmem:$0xA0] =	vst v4;
	vm0 =	vlt.s32 v10, $0xC380;
	v4 =	vld [tilespmem:$0x1F0]  }
0x72: {  	v1 =	vadd.s32 v1, v9;
	v7 =	vadd.s32 v14, v7;
	[tilespmem:$0x90] =	vst v3;
	v3 =	vsel vm0, $0x0, v0;
	v11 =	vld [tilespmem:$0x150]  }
0x73: {  	vm0 =	vlt.s32 v6, $0xC380;
	v3 =	vadd.s32 v10, v3;
	v9 =	vld [tilespmem:$0x140];
	[tilespmem:$0x180] =	vst v1  }
0x74: {  	[tilespmem:$0x60] =	vst v7;
	v1 =	vsel vm0, $0x0, v0;
	vm0 =	vlt.s32 v8, $0xC380;
	v7 =	vld [tilespmem:$0x130]  }
0x75: {  	v1 =	vadd.s32 v6, v1;
	vm1 =	vlt.s32 v5, $0xC380;
	v6 =	vsel vm0, $0x0, v0;
	[tilespmem:$0x110] =	vst v3;
	v3 =	vld [tilespmem:$0x120]  }
0x76: {  	[tilespmem:$0xB0] =	vst v1;
	v1 =	vsel vm1, $0x0, v0;
	v6 =	vadd.s32 v8, v6;
	v8 =	vld [tilespmem:$0x190];
	vm0 =	vlt.s32 v4, $0xC380  }
0x77: {  	v1 =	vadd.s32 v5, v1;
	[tilespmem:$0x100] =	vst v6;
	vm1 =	vlt.s32 v11, $0xC380;
	v5 =	vsel vm0, $0x0, v0  }
0x78: {  	[tilespmem:$0xF0] =	vst v1;
	vm0 =	vlt.s32 v9, $0xC380;
	v1 =	vsel vm1, $0x0, v0;
	v4 =	vadd.s32 v4, v5  }
.Ltmp2:
0x79: {  	vm1 =	vlt.s32 v7, $0xC380;
	v5 =	vsel vm0, $0x0, v0;
	v1 =	vadd.s32 v11, v1;
	[tilespmem:$0x1F0] =	vst v4;
	(pc) =	sbr.rel @p1 .LBB2_2-.Ltmp2, $4  }
0x7a: {  	vm0 =	vlt.s32 v3, $0xC380;
	v4 =	vsel vm1, $0x0, v0;
	v5 =	vadd.s32 v9, v5;
	[tilespmem:$0x150] =	vst v1  }
0x7b: {  	v1 =	vsel vm0, $0x0, v0;
	v4 =	vadd.s32 v7, v4;
	[tilespmem:$0x140] =	vst v5;
	vm0 =	vlt.s32 v8, $0xC380  }
0x7c: {  	v1 =	vadd.s32 v3, v1;
	[tilespmem:$0x130] =	vst v4;
	v3 =	vsel vm0, $0x0, v0  }
0x7d: {  	[tilespmem:$0x120] =	vst v1;
	v1 =	vadd.s32 v8, v3  }
.LBB2_3:
0x7e: {  	[tilespmem:$0x190] =	vst @p0 v1  }
0x7f: {  	[tilespmem:$0x0] =	vst @p0 v2  }
0x80: {  	[tilespmem:s5], [sflag:$0x1] =	stream.indirect.gather @p0 [hbm4b:s6+s8], $0x80, s2, s8, $0xb8;
	[tilespmem:$0x10200] =	vst v63  }
0x81: {  	_ = 	snop  }
0x82: {  	[tilespmem:s9], [sflag:$0x1] =	stream.indirect.gather @p0 [hbm4b:s6+s8], $0x80, s8, s8, $0xb8;
	[tilespmem:$0x10200] =	vst v63  }
0x83: {  	_ = 	snop  }
0x84: {  	[tilespmem:s11], [sflag:$0x1] =	stream.indirect.gather @p0 [hbm4b:s6+s8], $0x80, s10, s8, $0xb8;
	[tilespmem:$0x10200] =	vst v63  }
0x85: {  	_ = 	snop  }
0x86: {  	[tilespmem:s13], [sflag:$0x1] =	stream.indirect.gather @p0 [hbm4b:s6+s8], $0x80, s12, s8, $0xb8;
	[tilespmem:$0x10200] =	vst v63  }
0x87: {  	_ =	swait.ge @p0 [sflag:s7], $0x4000  }
0x88: {  	[sflag:s7] =	ssyncset.done @p0 $0x0  }
0x89: {  	[sflag:s7] =	ssyncadd.s32 @p0 $0xFFFFC000  }
0x8a: {  	_ =	swait.ge @p0 [sflag:s7], $0x4000  }
0x8b: {  	[sflag:s7] =	ssyncset.done @p0 $0x0  }
0x8c: {  	[sflag:s7] =	ssyncadd.s32 @p0 $0xFFFFC000  }
0x8d: {  	_ =	swait.ge @p0 [sflag:s7], $0x4000  }
0x8e: {  	[sflag:s7] =	ssyncset.done @p0 $0x0  }
0x8f: {  	[sflag:s7] =	ssyncadd.s32 @p0 $0xFFFFC000  }
0x90: {  	_ =	swait.ge @p0 [sflag:s7], $0x4000  }
0x91: {  	[sflag:s7] =	ssyncset.done @p0 $0x0  }
0x92: {  	[sflag:s7] =	ssyncadd.s32 @p0 $0xFFFFC000  }
0x93: {  	[hbm4b:s4+s2] =	stream.linear.scatter @p0 [tilespmem:s5], [sflag:$0x2], $0x10000, $0x38;
	[tilespmem:$0x10200] =	vst v63  }
0x94: {  	_ =	swait.ge @p0 [sflag:s3], $0x10000  }
0x95: {  	[sflag:s3] =	ssyncset.done @p0 $0x0  }
0x96: {  	[sflag:s3] =	ssyncadd.s32 @p0 $0xFFFF0000  }
0x97: {  	[tilespmem:s2], [sflag:$0x2] =	stream.linear.gather [hbm4b:s14+s2], $0x200, $0x38;
	[tilespmem:$0x10200] =	vst v63  }
0x98: {  	_ =	swait.ge [sflag:s3], $0x200  }
0x99: {  	[sflag:s3] =	ssyncset.done $0x0  }
0x9a: {  	[sflag:s3] =	ssyncadd.s32 $0xFFFFFE00  }
0x9b: {  	v55 =	vld [tilespmem:$0x80]  }
0x9c: {  	v56 =	vld [tilespmem:$0x170]  }
0x9d: {  	v3 =	vld [tilespmem:$0xD0]  }
0x9e: {  	v5 =	vld [tilespmem:$0x1D0]  }
0x9f: {  	v6 =	vld [tilespmem:$0x160]  }
0xa0: {  	v9 =	vld [tilespmem:$0x1B0];
	vm0 =	vlt.s32 v55, $0xC380  }
0xa1: {  	v59 =	vld [tilespmem:$0x1E0];
	vm10 =	vlt.s32 v56, $0xC380;
	v8 =	vsel vm0, $0x0, v0  }
0xa2: {  	v60 =	vld [tilespmem:$0x70];
	vm1 =	vlt.s32 v3, $0xC380;
	v57 =	vsel vm10, $0x0, v0;
	v1 =	vadd.s32 v55, v8  }
0xa3: {  	v16 =	vld [tilespmem:$0xE0];
	vm12 =	vlt.s32 v5, $0xC380;
	v10 =	vsel vm1, $0x0, v0;
	v58 =	vadd.s32 v56, v57;
	[tilespmem:$0x80] =	vst v1  }
0xa4: {  	v4 =	vld [tilespmem:$0x1A0];
	vm13 =	vlt.s32 v6, $0xC380;
	v63 =	vsel vm12, $0x0, v0;
	v3 =	vadd.s32 v3, v10;
	[tilespmem:$0x170] =	vst v58  }
0xa5: {  	v7 =	vld [tilespmem:$0x1C0];
	vm15 =	vlt.s32 v9, $0xC380;
	v12 =	vsel vm13, $0x0, v0;
	v13 =	vadd.s32 v5, v63;
	[tilespmem:$0xD0] =	vst v3  }
0xa6: {  	v11 =	vld [tilespmem:$0x40];
	vm4 =	vlt.s32 v59, $0xC380;
	v18 =	vsel vm15, $0x0, v0;
	v14 =	vadd.s32 v6, v12;
	[tilespmem:$0x1D0] =	vst v13  }
0xa7: {  	v19 =	vld [tilespmem:$0x30];
	vm5 =	vlt.s32 v60, $0xC380;
	v20 =	vsel vm4, $0x0, v0;
	v6 =	vadd.s32 v9, v18;
	[tilespmem:$0x160] =	vst v14  }
0xa8: {  	v21 =	vld [tilespmem:$0x20];
	vm8 =	vlt.s32 v16, $0xC380;
	v22 =	vsel vm5, $0x0, v0;
	v2 =	vadd.s32 v59, v20;
	[tilespmem:$0x1B0] =	vst v6  }
0xa9: {  	v30 =	vld [tilespmem:$0x180];
	vm11 =	vlt.s32 v4, $0xC380;
	v29 =	vsel vm8, $0x0, v0;
	v24 =	vadd.s32 v60, v22;
	[tilespmem:$0x1E0] =	vst v2  }
0xaa: {  	v34 =	vld [tilespmem:$0x60];
	vm14 =	vlt.s32 v7, $0xC380;
	v61 =	vsel vm11, $0x0, v0;
	v32 =	vadd.s32 v16, v29;
	[tilespmem:$0x70] =	vst v24  }
0xab: {  	v36 =	vld [tilespmem:$0x110];
	vm7 =	vlt.s32 v11, $0xC380;
	v15 =	vsel vm14, $0x0, v0;
	v1 =	vadd.s32 v4, v61;
	[tilespmem:$0xE0] =	vst v32  }
0xac: {  	v62 =	vld [tilespmem:$0x50];
	v26 =	vsel vm7, $0x0, v0;
	vm10 =	vlt.s32 v19, $0xC380;
	v4 =	vadd.s32 v7, v15;
	[tilespmem:$0x1A0] =	vst v1  }
0xad: {  	v17 =	vld [tilespmem:$0x10];
	vm11 =	vlt.s32 v21, $0xC380;
	v33 =	vsel vm10, $0x0, v0;
	v2 =	vadd.s32 v11, v26;
	[tilespmem:$0x1C0] =	vst v4  }
0xae: {  	v25 =	vld [tilespmem:$0xC0];
	vm15 =	vlt.s32 v30, $0xC380;
	v35 =	vsel vm11, $0x0, v0;
	v3 =	vadd.s32 v19, v33;
	[tilespmem:$0x40] =	vst v2  }
0xaf: {  	v38 =	vld [tilespmem:$0xB0];
	vm4 =	vlt.s32 v34, $0xC380;
	v44 =	vsel vm15, $0x0, v0;
	v37 =	vadd.s32 v21, v35;
	[tilespmem:$0x30] =	vst v3  }
0xb0: {  	v41 =	vld [tilespmem:$0x100];
	vm5 =	vlt.s32 v36, $0xC380;
	v46 =	vsel vm4, $0x0, v0;
	v6 =	vadd.s32 v30, v44;
	[tilespmem:$0x20] =	vst v37  }
0xb1: {  	v27 =	vld [tilespmem:$0xA0];
	vm6 =	vlt.s32 v62, $0xC380;
	v48 =	vsel vm5, $0x0, v0;
	v8 =	vadd.s32 v34, v46;
	[tilespmem:$0x180] =	vst v6  }
0xb2: {  	v28 =	vld [tilespmem:$0x90];
	vm9 =	vlt.s32 v17, $0xC380;
	v23 =	vsel vm6, $0x0, v0;
	v5 =	vadd.s32 v36, v48;
	[tilespmem:$0x60] =	vst v8  }
0xb3: {  	v43 =	vld [tilespmem:$0xF0];
	v31 =	vsel vm9, $0x0, v0;
	vm12 =	vlt.s32 v25, $0xC380;
	v4 =	vadd.s32 v62, v23;
	[tilespmem:$0x110] =	vst v5  }
0xb4: {  	v49 =	vld [tilespmem:$0x140];
	vm6 =	vlt.s32 v38, $0xC380;
	v39 =	vsel vm12, $0x0, v0;
	v1 =	vadd.s32 v17, v31;
	[tilespmem:$0x50] =	vst v4  }
0xb5: {  	v45 =	vld [tilespmem:$0x1F0];
	vm7 =	vlt.s32 v41, $0xC380;
	v50 =	vsel vm6, $0x0, v0;
	v3 =	vadd.s32 v25, v39;
	[tilespmem:$0x10] =	vst v1  }
0xb6: {  	v47 =	vld [tilespmem:$0x150];
	vm13 =	vlt.s32 v27, $0xC380;
	v52 =	vsel vm7, $0x0, v0;
	v2 =	vadd.s32 v38, v50;
	[tilespmem:$0xC0] =	vst v3  }
0xb7: {  	v51 =	vld [tilespmem:$0x130];
	vm14 =	vlt.s32 v28, $0xC380;
	v40 =	vsel vm13, $0x0, v0;
	v6 =	vadd.s32 v41, v52;
	[tilespmem:$0xB0] =	vst v2  }
0xb8: {  	v53 =	vld [tilespmem:$0x120];
	vm8 =	vlt.s32 v43, $0xC380;
	v42 =	vsel vm14, $0x0, v0;
	v1 =	vadd.s32 v27, v40;
	[tilespmem:$0x100] =	vst v6  }
0xb9: {  	v54 =	vsel vm8, $0x0, v0;
	v55 =	vld [tilespmem:$0x190];
	vm11 =	vlt.s32 v49, $0xC380;
	v4 =	vadd.s32 v28, v42;
	[tilespmem:$0xA0] =	vst v1  }
0xba: {  	vm9 =	vlt.s32 v45, $0xC380;
	v56 =	vld [tilespmem:$0x0];
	v59 =	vsel vm11, $0x0, v0;
	v2 =	vadd.s32 v43, v54;
	[tilespmem:$0x90] =	vst v4  }
0xbb: {  	vm10 =	vlt.s32 v47, $0xC380;
	v57 =	vsel vm9, $0x0, v0;
	v3 =	vadd.s32 v49, v59;
	[tilespmem:$0xF0] =	vst v2  }
0xbc: {  	vm12 =	vlt.s32 v51, $0xC380;
	v58 =	vsel vm10, $0x0, v0;
	v1 =	vadd.s32 v45, v57;
	[tilespmem:$0x140] =	vst v3  }
0xbd: {  	vm13 =	vlt.s32 v53, $0xC380;
	v60 =	vsel vm12, $0x0, v0;
	v2 =	vadd.s32 v47, v58;
	[tilespmem:$0x1F0] =	vst v1  }
0xbe: {  	v61 =	vsel vm13, $0x0, v0;
	[tilespmem:$0x150] =	vst v2;
	v1 =	vadd.s32 v51, v60;
	vm14 =	vlt.s32 v55, $0xC380  }
0xbf: {  	vm15 =	vlt.s32 v56, $0xC380;
	v2 =	vadd.s32 v53, v61;
	[tilespmem:$0x130] =	vst v1;
	v62 =	vsel vm14, $0x0, v0  }
0xc0: {  	v63 =	vsel vm15, $0x0, v0;
	[tilespmem:$0x120] =	vst v2;
	v1 =	vadd.s32 v55, v62  }
0xc1: {  	v0 =	vadd.s32 v56, v63;
	[tilespmem:$0x190] =	vst v1  }
0xc2: {  	[tilespmem:$0x0] =	vst v0  }
0xc3: {  	[tilespmem:s5], [sflag:$0x1] =	stream.indirect.gather [hbm4b:s6+s8], $0x80, s2, s8, $0xb8;
	[tilespmem:$0x10200] =	vst v63  }
0xc4: {  	_ = 	snop  }
0xc5: {  	[tilespmem:s9], [sflag:$0x1] =	stream.indirect.gather [hbm4b:s6+s8], $0x80, s8, s8, $0xb8;
	[tilespmem:$0x10200] =	vst v63  }
0xc6: {  	_ = 	snop  }
0xc7: {  	[tilespmem:s11], [sflag:$0x1] =	stream.indirect.gather [hbm4b:s6+s8], $0x80, s10, s8, $0xb8;
	[tilespmem:$0x10200] =	vst v63  }
0xc8: {  	_ = 	snop  }
0xc9: {  	[tilespmem:s13], [sflag:$0x1] =	stream.indirect.gather [hbm4b:s6+s8], $0x80, s12, s8, $0xb8;
	[tilespmem:$0x10200] =	vst v63  }
0xca: {  	_ =	swait.ge [sflag:s7], $0x4000  }
0xcb: {  	[sflag:s7] =	ssyncset.done $0x0  }
0xcc: {  	[sflag:s7] =	ssyncadd.s32 $0xFFFFC000  }
0xcd: {  	_ =	swait.ge [sflag:s7], $0x4000  }
0xce: {  	[sflag:s7] =	ssyncset.done $0x0  }
0xcf: {  	[sflag:s7] =	ssyncadd.s32 $0xFFFFC000  }
0xd0: {  	_ =	swait.ge [sflag:s7], $0x4000  }
0xd1: {  	[sflag:s7] =	ssyncset.done $0x0  }
0xd2: {  	[sflag:s7] =	ssyncadd.s32 $0xFFFFC000  }
0xd3: {  	_ =	swait.ge [sflag:s7], $0x4000  }
0xd4: {  	[sflag:s7] =	ssyncset.done $0x0  }
0xd5: {  	[sflag:s7] =	ssyncadd.s32 $0xFFFFC000  }
0xd6: {  	[hbm4b:s4+s2] =	stream.linear.scatter [tilespmem:s5], [sflag:$0x2], $0x10000, $0x38;
	[tilespmem:$0x10200] =	vst v63  }
0xd7: {  	_ =	swait.ge [sflag:s3], $0x10000  }
0xd8: {  	[sflag:s3] =	ssyncset.done $0x0  }
0xd9: {  	[sflag:s3] =	ssyncadd.s32 $0xFFFF0000  }
0xda: {  	_ =	sfence.sel $0x180000  }
0xdb: {  	[bflag:$0x0] =	sbarrier.arrive $0xFFFF  }
0xdc: {  	p0 =	sne.s32 s1, $0x0;
	_ =	strace $0x9000004A  }
0xdd: {  	s0 =	sadd.s32 @!p0 $0x100000, s0;
	[bflag:$0x2] =	sbarrier.arrive $0xFFFF  }
0xde: {  	[sflag:s0] =	ssyncadd.tile.s32 @!p0 $0x1;
	_ =	shalt  }
.Lfunc_end2:
_tile_overlayer_lowered:
.L_overlay_start_2:
0xdf: {  	(tag) =	ssettag $0x2  }
0xe0: {  	s0 =	rddreg [dreg:$0x0];
	s2 =	stileid.u32  }
0xe1: {  	s1 =	rddreg [dreg:$0x1];
	p0 =	sne.s32 s2, $0x0  }
0xe2: {  	s3 =	rddreg [dreg:$0x2];
	[bflag:$0x3] =	sbarrier.arrive $0xFFFF;
	s2 =	simm.s32 @!p0 $0x1C02  }
0xe3: {  	[timem:s3], [sflag:s2] =	dma.local @!p0 [hbm:s0], s1  }
0xe4: {  	s0 =	simm.s32 @!p0 $0x2  }
0xe5: {  	_ =	swait.ge @!p0 [sflag:s0], s1  }
0xe6: {  	s1 =	ssub.s32 @!p0 $0x0, s1;
	[sflag:s0] =	ssyncset.done @!p0 $0x0  }
0xe7: {  	[sflag:s0] =	ssyncadd.s32 @!p0 s1  }
0xe8: {  	[bflag:$0x3] =	sbarrier.arrive $0xFFFF  }
0xe9: {  	_ =	shalt  }

</sc_bundles>
